<compile_context>
chip_gen: v7x
topology: tpu7x:2x2x1
jax: 0.10.2.dev20260603
libtpu: 0.0.44.dev20260713+nightly
codegen_flags: <defaults>
</compile_context>

<pallas_src>
import functools

import jax
import jax.numpy as jnp
from jax import lax
from jax.experimental import pallas as pl
from jax.experimental.pallas import tpu as pltpu
from jax.experimental.pallas import tpu_sc as plsc

B, H, W, C = 8, 224, 224, 4
N = H * W
NV = N // 16
NC = 2
NS = 16
NL = NV + 1
CHL = 512
SROWS = 3584


def _pack_body(x_ref, out_ref):
    def q(v):
        return jnp.clip((v + 1.0) * 127.5, 0.0, 255.0).astype(jnp.int32)

    code = q(x_ref[0, 0, :])
    for j in (1, 2, 3):
        code = lax.shift_left(code, 8) | q(x_ref[0, j, :])
    out_ref[0, 0, :] = code


_sc_mesh = plsc.VectorSubcoreMesh(core_axis_name="c", subcore_axis_name="s")


@functools.partial(
    pl.kernel,
    out_type=(
        jax.ShapeDtypeStruct((B * NL, 16), jnp.int32),
        jax.ShapeDtypeStruct((B, 16), jnp.int32),
    ),
    mesh=_sc_mesh,
    compiler_params=pltpu.CompilerParams(needs_layout_passes=False, use_tc_tiling_on_sc=False),
    scratch_types=[
        pltpu.VMEM((SROWS, 16), jnp.int32),
        pltpu.VMEM((N,), jnp.int32),
        pltpu.VMEM((1024,), jnp.int32),
        pltpu.VMEM((16,), jnp.int32),
        pltpu.VMEM((64,), jnp.int32),
        pltpu.VMEM((16,), jnp.int32),
        pltpu.VMEM((CHL,), jnp.int32),
        pltpu.HBM((2, 16, 16), jnp.int32),
        pltpu.SemaphoreType.DMA,
    ],
)
def _sc_sort(codes_hbm, out_hbm, cnt_hbm, stg, buf_b, hist, cvec, hbuf, sbuf,
             idxl, shared, sem):
    cid = lax.axis_index("c")
    sid = lax.axis_index("s")
    g = sid // 4
    t = sid % 4
    b = cid * 4 + g
    iota = lax.iota(jnp.int32, 16)

    pltpu.sync_copy(codes_hbm.at[b], stg.at[pl.ds(0, NV), :])

    def comp(i, pos):
        v = stg[i, :]
        m = lax.shift_right_logical(v, jnp.full((16,), 30, jnp.int32)) == t
        plsc.store_compressed(buf_b.at[pl.ds(pos, 16)], v, mask=m)
        return pos + plsc.all_reduce_population_count(m)[0]

    nt = plsc.parallel_loop(0, NV, 1, unroll=8, carry=jnp.int32(0))(comp)
    nvt = (nt + 15) // 16

    ones = jnp.ones((16,), jnp.int32)

    def radix_pass(read_vreg, scatter_dst, sh):
        shv = jnp.full((16,), sh, jnp.int32)

        def zero(j):
            hist[pl.ds(j * 16, 16)] = jnp.zeros((16,), jnp.int32)

        plsc.parallel_loop(0, 64, 1, unroll=4)(zero)

        def hphase(i):
            v = read_vreg(i)
            valid = iota + i * 16 < nt
            d = lax.shift_right_logical(v, shv) & 1023
            plsc.addupdate_scatter(hist, [d], ones, mask=valid)

        plsc.parallel_loop(0, nvt, 1, unroll=8)(hphase)

        def sphase(j, carry):
            h = hist[pl.ds(j * 16, 16)]
            incl = plsc.cumsum(h)
            hist[pl.ds(j * 16, 16)] = incl - h + carry
            return carry + jnp.sum(h)

        lax.fori_loop(0, 64, sphase, jnp.int32(0))

        def pphase(i, _):
            v = read_vreg(i)
            valid = iota + i * 16 < nt
            d = lax.shift_right_logical(v, shv) & 1023
            rank, last = plsc.scan_count(d, mask=valid)
            base = plsc.load_gather(hist, [d])
            scatter_dst(base + rank - 1, v, valid)
            plsc.addupdate_scatter(hist, [d], rank, mask=last)
            return 0

        lax.fori_loop(0, nvt, pphase, 0)

    def read_b(i):
        return buf_b[pl.ds(i * 16, 16)]

    def read_stg(i):
        return stg[i, :]

    def scat_stg(dest, v, m):
        plsc.store_scatter(stg, [lax.shift_right_logical(dest, 4), dest & 15],
                           v, mask=m)

    def scat_b(dest, v, m):
        plsc.store_scatter(buf_b, [dest], v, mask=m)

    radix_pass(read_b, scat_stg, 0)
    radix_pass(read_stg, scat_b, 10)
    radix_pass(read_b, scat_stg, 20)

    def dphase(i, pos):
        v = stg[i, :]
        idxv = iota + i * 16
        pidx = jnp.maximum(idxv - 1, 0)
        pv = plsc.load_gather(stg, [lax.shift_right_logical(pidx, 4),
                                    pidx & 15])
        m = ((v != pv) | (idxv == 0)) & (idxv < nt)
        plsc.store_compressed(buf_b.at[pl.ds(pos, 16)], v, mask=m)
        return pos + plsc.all_reduce_population_count(m)[0]

    ut = plsc.parallel_loop(0, nvt, 1, unroll=8, carry=jnp.int32(0))(dphase)

    hv = plsc.load_gather(buf_b, [jnp.maximum(iota - 1, 0)])
    cvec[...] = jnp.where(iota == 0, ut, hv)
    pltpu.sync_copy(cvec, shared.at[cid, sid])
    plsc.subcore_barrier()
    us = []
    for tt in range(4):
        pltpu.sync_copy(shared.at[cid, g * 4 + tt], hbuf.at[pl.ds(tt * 16, 16)])
        row = hbuf[pl.ds(tt * 16, 16)]
        us.append(jnp.sum(jnp.where(iota == 0, row, 0)))
    off = (jnp.where(t > 0, us[0], 0) + jnp.where(t > 1, us[1], 0)
           + jnp.where(t > 2, us[2], 0))
    cnt = us[0] + us[1] + us[2] + us[3]

    @pl.when(t == 0)
    def _():
        cvec[...] = jnp.full((16,), cnt, jnp.int32)
        pltpu.sync_copy(cvec, cnt_hbm.at[b])

    sv = jnp.zeros((16,), jnp.int32)
    pos = jnp.int32(0)
    for tt in range(1, 4):
        act = tt > t
        val = plsc.load_gather(
            hbuf, [tt * 16 + 1 + jnp.clip(iota - pos, 0, 14)])
        m = act & (iota >= pos) & (iota < pos + us[tt])
        sv = jnp.where(m, val, sv)
        pos = pos + jnp.where(act, us[tt], 0)
    sbuf[...] = sv

    l0 = (off + 15) >> 4
    nlines = ((off + ut + 15) >> 4) - l0
    h16 = l0 * 16 - off

    def stage(k):
        gidx = h16 + k * 16 + iota
        gb = plsc.load_gather(buf_b, [jnp.clip(gidx, 0, N - 1)])
        gs = plsc.load_gather(sbuf, [jnp.clip(gidx - ut, 0, 15)])
        stg[k, :] = jnp.where(gidx < ut, gb, gs)

    plsc.parallel_loop(0, nlines, 1, unroll=8)(stage)

    lbase = b * NL + l0
    dummy = b * NL + NV

    def outchunk(ci, _):
        for j in range(CHL // 16):
            jj = iota + ci * CHL + j * 16
            gi = jnp.where(jj < nlines, lbase + jj, dummy)
            idxl[pl.ds(j * 16, 16)] = gi
        pltpu.async_copy(stg.at[pl.ds(ci * CHL, CHL), :], out_hbm.at[idxl],
                         sem).wait()
        return 0

    lax.fori_loop(0, (nlines + CHL - 1) // CHL, outchunk, 0)


def _decode_body(codes_ref, counts_ref, out_ref):
    c = codes_ref[0, 0, :]
    idx = lax.broadcasted_iota(jnp.int32, (N,), 0)
    c = jnp.where(idx < counts_ref[0, 0, 0], c, jnp.int32(0))
    for j, sh in enumerate((24, 16, 8, 0)):
        ch = lax.shift_right_logical(c, jnp.int32(sh)) & 255
        out_ref[0, j, :] = ch.astype(jnp.float32) * (1.0 / 127.5) - 1.0


def kernel(images):
    xt = images.reshape(B, N, 4).transpose(0, 2, 1)
    codes = pl.pallas_call(
        _pack_body,
        grid=(B,),
        in_specs=[pl.BlockSpec((1, 4, N), lambda b: (b, 0, 0))],
        out_specs=pl.BlockSpec((1, 1, N), lambda b: (b, 0, 0)),
        out_shape=jax.ShapeDtypeStruct((B, 1, N), jnp.int32),
    )(xt)

    out_lines, cnt16 = _sc_sort(codes.reshape(B, NV, 16))
    counts = cnt16[:, 0]
    sorted_codes = out_lines.reshape(B, NL * 16)[:, :N]

    out = pl.pallas_call(
        _decode_body,
        grid=(B,),
        in_specs=[
            pl.BlockSpec((1, 1, N), lambda b: (b, 0, 0)),
            pl.BlockSpec((1, 1, 1), lambda b: (b, 0, 0), memory_space=pltpu.SMEM),
        ],
        out_specs=pl.BlockSpec((1, 4, N), lambda b: (b, 0, 0)),
        out_shape=jax.ShapeDtypeStruct((B, 4, N), jnp.float32),
    )(sorted_codes.reshape(B, 1, N), counts.reshape(B, 1, 1))
    palettes = out.transpose(0, 2, 1)
    return palettes, counts

# --- scband reference (transcript-rebuilt; emitter-appended) ---
"""Pipeline reference for scband-palette-extractor-14482629722925 (READ-ONLY COPY).

The authoritative reference and input builder live on the scoring server;
editing this copy changes nothing except your own understanding.
"""

import jax, jax.numpy as jnp
import numpy as np

B, H, W, C = 8, 224, 224, 4


def setup_inputs(seed: int = 0) -> dict:
    key = jax.random.key(seed)
    images = jax.random.uniform(key, (B, H, W, C), dtype=jnp.float32, minval=-1.0, maxval=1.0)
    return {"images": images}


def _extract_palette_padded(image_int):
    # image_int: [H, W, 4] int32 in [0, 255]
    flat = image_int.reshape(-1, 4).astype(jnp.uint32)  # like tf.reshape(image, [-1, C])
    n = flat.shape[0]
    # Pack the 4 channels into a single uint32 code so row-unique == scalar-unique
    code = ((flat[:, 0] * jnp.uint32(256) + flat[:, 1]) * jnp.uint32(256) + flat[:, 2]) * jnp.uint32(256) + flat[:, 3]
    # unique via sort + adjacent-compare (equivalent set of colors as tf.raw_ops.UniqueV2,
    # returned in sorted rather than first-occurrence order)
    s = jnp.sort(code)
    mask = jnp.concatenate([jnp.ones((1,), dtype=bool), s[1:] != s[:-1]])
    pos = jnp.cumsum(mask) - 1  # compaction target index for each element
    # scatter-compact: duplicates within a run all write the same value, so .set is safe
    packed = jnp.zeros((n,), dtype=jnp.uint32).at[pos].set(s)
    count = jnp.sum(mask.astype(jnp.int32))
    # decode back to [n, 4] int32; rows >= count are zero padding
    colors = jnp.stack([
        (packed >> 24) & jnp.uint32(255),
        (packed >> 16) & jnp.uint32(255),
        (packed >> 8) & jnp.uint32(255),
        packed & jnp.uint32(255),
    ], axis=-1).astype(jnp.int32)
    return colors, count


def reference(images):
    # denormalize [-1,1] float -> [0,255] int32 (as in the Keras layer)
    denormalized = jnp.clip((images + 1.0) * 127.5, 0.0, 255.0).astype(jnp.int32)
    colors, counts = jax.vmap(_extract_palette_padded)(denormalized)
    # normalize back to [-1, 1]; output is [B, H*W, 4] dense padding of the ragged
    # [B, (colors), 4] result; counts[b] gives the true ragged length per image
    palettes = colors.astype(jnp.float32) / 127.5 - 1.0
    return palettes, counts

if __name__ == "__main__":
    import jax
    _d = setup_inputs()
    print(jax.jit(kernel)(*tuple(_d.values())))

</pallas_src>

<mosaic_0001>
#map = affine_map<(d0, d1) -> (0, 0, 0)>
#map1 = affine_map<(d0, d1) -> (0, 0)>
module attributes {stable_mosaic.version = 14 : i64} {
  func.func @_sc_sort(%arg0: i32, %arg1: i32, %arg2: memref<8x3136x16xi32, #tpu.memory_space<hbm>>, %arg3: memref<25096x16xi32, #tpu.memory_space<hbm>>, %arg4: memref<8x16xi32, #tpu.memory_space<hbm>>, %arg5: memref<3584x16xi32, #tpu.memory_space<vmem>>, %arg6: memref<50176xi32, #tpu.memory_space<vmem>>, %arg7: memref<1024xi32, #tpu.memory_space<vmem>>, %arg8: memref<16xi32, #tpu.memory_space<vmem>>, %arg9: memref<64xi32, #tpu.memory_space<vmem>>, %arg10: memref<16xi32, #tpu.memory_space<vmem>>, %arg11: memref<512xi32, #tpu.memory_space<vmem>>, %arg12: memref<2x16x16xi32, #tpu.memory_space<hbm>>, %arg13: memref<!tpu.dma_semaphore, #tpu.memory_space<semaphore_mem>>) attributes {dimension_semantics = [#tpu.dimension_semantics<core_parallel>, #tpu.dimension_semantics<subcore_parallel>], iteration_bounds = array<i64: 2, 16>, scalar_prefetch = 0 : i64, scratch_operands = 9 : i64, tpu.core_type = #tpu.core_type<sc_vector_subcore>, window_params = [{transform_indices = #map}, {transform_indices = #map1}, {transform_indices = #map1}]} {
    %jit3A = arith.constant 4 : i32
    %div3A = arith.divsi %arg1, %jit3A : i32
    %sign3A = arith.constant 0 : i32
    %sign3A_0 = arith.cmpi sgt, %arg1, %sign3A : i32
    %sign3A_1 = arith.extui %sign3A_0 : i1 to i32
    %sign3A_2 = arith.constant 0 : i32
    %sign3A_3 = arith.cmpi slt, %arg1, %sign3A_2 : i32
    %sign3A_4 = arith.extui %sign3A_3 : i1 to i32
    %sign3A_5 = arith.subi %sign3A_1, %sign3A_4 : i32
    %sign3A_6 = arith.constant 0 : i32
    %sign3A_7 = arith.cmpi sgt, %jit3A, %sign3A_6 : i32
    %sign3A_8 = arith.extui %sign3A_7 : i1 to i32
    %sign3A_9 = arith.constant 0 : i32
    %sign3A_10 = arith.cmpi slt, %jit3A, %sign3A_9 : i32
    %sign3A_11 = arith.extui %sign3A_10 : i1 to i32
    %sign3A_12 = arith.subi %sign3A_8, %sign3A_11 : i32
    %ne3A = arith.cmpi ne, %sign3A_5, %sign3A_12 : i32
    %rem3A = arith.remsi %arg1, %jit3A : i32
    %ne3A_13 = arith.constant 0 : i32
    %ne3A_14 = arith.cmpi ne, %rem3A, %ne3A_13 : i32
    %and3A = arith.andi %ne3A, %ne3A_14 : i1
    %sub3A = arith.constant 1 : i32
    %sub3A_15 = arith.subi %div3A, %sub3A : i32
    %select_n3A = arith.select %and3A, %sub3A_15, %div3A : i32
    %jit3A_16 = arith.constant 4 : i32
    %eq3A = arith.constant 0 : i32
    %eq3A_17 = arith.cmpi eq, %jit3A_16, %eq3A : i32
    %jit3A_18 = arith.constant 1 : i32
    %select_n3A_19 = arith.select %eq3A_17, %jit3A_18, %jit3A_16 : i32
    %rem3A_20 = arith.remsi %arg1, %select_n3A_19 : i32
    %ne3A_21 = arith.constant 0 : i32
    %ne3A_22 = arith.cmpi ne, %rem3A_20, %ne3A_21 : i32
    %lt3A = arith.constant 0 : i32
    %lt3A_23 = arith.cmpi slt, %rem3A_20, %lt3A : i32
    %lt3A_24 = arith.constant 0 : i32
    %lt3A_25 = arith.cmpi slt, %select_n3A_19, %lt3A_24 : i32
    %ne3A_26 = arith.xori %lt3A_23, %lt3A_25 : i1
    %and3A_27 = arith.andi %ne3A_26, %ne3A_22 : i1
    %add3A = arith.addi %rem3A_20, %select_n3A_19 : i32
    %select_n3A_28 = arith.select %and3A_27, %add3A, %rem3A_20 : i32
    %mul3A = arith.constant 4 : i32
    %mul3A_29 = arith.muli %arg0, %mul3A : i32
    %add3A_30 = arith.addi %mul3A_29, %select_n3A : i32
    %iota3A = tpu.iota {dimensions = array<i32: 0>} : vector<16xi32>
    "tpu.region"() ({
      %run_scoped3A = tpu.sem_alloc : memref<!tpu.dma_semaphore, #tpu.memory_space<semaphore_mem>>
      %dma_start3A = arith.constant 0 : i32
      %dma_start3A_379 = arith.constant 0 : i32
      %dma_start3A_380 = tpu.memref_slice %arg5[%dma_start3A, %dma_start3A_379] : memref<3584x16xi32, #tpu.memory_space<vmem>> -> memref<3136x16xi32, #tpu.memory_space<vmem>>
      %dma_start3A_381 = arith.constant 0 : i32
      %dma_start3A_382 = arith.constant 0 : i32
      %dma_start3A_383 = tpu.memref_slice %arg2[%add3A_30, %dma_start3A_381, %dma_start3A_382] : memref<8x3136x16xi32, #tpu.memory_space<hbm>> -> memref<1x3136x16xi32, #tpu.memory_space<hbm>>
      %dma_start3A_384 = tpu.memref_squeeze %dma_start3A_383 : memref<1x3136x16xi32, #tpu.memory_space<hbm>> -> memref<3136x16xi32, #tpu.memory_space<hbm>>
      %dma_start3A_385 = arith.constant 0 : i32
      %dma_start3A_386 = arith.constant 0 : i32
      %dma_start3A_387 = tpu.memref_slice %arg5[%dma_start3A_385, %dma_start3A_386] : memref<3584x16xi32, #tpu.memory_space<vmem>> -> memref<3136x16xi32, #tpu.memory_space<vmem>>
      %dma_start3A_388 = arith.constant 0 : i32
      %dma_start3A_389 = arith.constant 0 : i32
      %dma_start3A_390 = tpu.memref_slice %arg2[%add3A_30, %dma_start3A_388, %dma_start3A_389] : memref<8x3136x16xi32, #tpu.memory_space<hbm>> -> memref<1x3136x16xi32, #tpu.memory_space<hbm>>
      %dma_start3A_391 = tpu.memref_squeeze %dma_start3A_390 : memref<1x3136x16xi32, #tpu.memory_space<hbm>> -> memref<3136x16xi32, #tpu.memory_space<hbm>>
      tpu.enqueue_dma source(%dma_start3A_391 : memref<3136x16xi32, #tpu.memory_space<hbm>>) target(%dma_start3A_387 : memref<3136x16xi32, #tpu.memory_space<vmem>>) target_semaphore(%run_scoped3A : memref<!tpu.dma_semaphore, #tpu.memory_space<semaphore_mem>>)
      %dma_wait3A = arith.constant 0 : i32
      %dma_wait3A_392 = arith.constant 0 : i32
      %dma_wait3A_393 = tpu.memref_slice %arg5[%dma_wait3A, %dma_wait3A_392] : memref<3584x16xi32, #tpu.memory_space<vmem>> -> memref<3136x16xi32, #tpu.memory_space<vmem>>
      %dma_wait3A_394 = arith.constant 0 : i32
      %dma_wait3A_395 = arith.constant 0 : i32
      %dma_wait3A_396 = tpu.memref_slice %arg2[%add3A_30, %dma_wait3A_394, %dma_wait3A_395] : memref<8x3136x16xi32, #tpu.memory_space<hbm>> -> memref<1x3136x16xi32, #tpu.memory_space<hbm>>
      %dma_wait3A_397 = tpu.memref_squeeze %dma_wait3A_396 : memref<1x3136x16xi32, #tpu.memory_space<hbm>> -> memref<3136x16xi32, #tpu.memory_space<hbm>>
      %dma_wait3A_398 = arith.constant 0 : i32
      %dma_wait3A_399 = arith.constant 0 : i32
      %dma_wait3A_400 = tpu.memref_slice %arg5[%dma_wait3A_398, %dma_wait3A_399] : memref<3584x16xi32, #tpu.memory_space<vmem>> -> memref<3136x16xi32, #tpu.memory_space<vmem>>
      %dma_wait3A_401 = arith.constant 0 : i32
      %dma_wait3A_402 = arith.constant 0 : i32
      %dma_wait3A_403 = tpu.memref_slice %arg2[%add3A_30, %dma_wait3A_401, %dma_wait3A_402] : memref<8x3136x16xi32, #tpu.memory_space<hbm>> -> memref<1x3136x16xi32, #tpu.memory_space<hbm>>
      %dma_wait3A_404 = tpu.memref_squeeze %dma_wait3A_403 : memref<1x3136x16xi32, #tpu.memory_space<hbm>> -> memref<3136x16xi32, #tpu.memory_space<hbm>>
      tpu.wait_dma2 semaphore(%run_scoped3A : memref<!tpu.dma_semaphore, #tpu.memory_space<semaphore_mem>>) src(%dma_wait3A_404 : memref<3136x16xi32, #tpu.memory_space<hbm>>) dst(%dma_wait3A_400 : memref<3136x16xi32, #tpu.memory_space<vmem>>)
      tpu.yield
    }) : () -> ()
    %parallel_loop3A = arith.constant 0 : i32
    %parallel_loop3A_31 = arith.constant 3136 : i32
    %parallel_loop3A_32 = arith.constant 1 : i32
    %parallel_loop3A_33 = arith.constant 0 : i32
    %parallel_loop3A_34 = scf.for %parallel_loop3A_379 = %parallel_loop3A to %parallel_loop3A_31 step %parallel_loop3A_32 iter_args(%parallel_loop3A_380 = %parallel_loop3A_33) -> (i32)  : i32 {
      %parallel_loop3A_381 = arith.index_cast %parallel_loop3A_379 : i32 to index
      %parallel_loop3A_382 = arith.constant 0 : index
      %parallel_loop3A_383 = tpu.vector_load %arg5[%parallel_loop3A_381, %parallel_loop3A_382] {strides = array<i32>} : memref<3584x16xi32, #tpu.memory_space<vmem>>, vector<16xi32>,
      %parallel_loop3A_384 = arith.constant 30 : i32
      %parallel_loop3A_385 = vector.broadcast %parallel_loop3A_384 : i32 to vector<16xi32>
      %parallel_loop3A_386 = arith.shrui %parallel_loop3A_383, %parallel_loop3A_385 : vector<16xi32>
      %parallel_loop3A_387 = vector.broadcast %select_n3A_28 : i32 to vector<16xi32>
      %parallel_loop3A_388 = arith.cmpi eq, %parallel_loop3A_386, %parallel_loop3A_387 : vector<16xi32>
      %parallel_loop3A_389 = arith.index_cast %parallel_loop3A_380 : i32 to index
      %parallel_loop3A_390 = tpu.vector_load %arg6[%parallel_loop3A_389] masked %parallel_loop3A_388 {strides = array<i32>} : memref<50176xi32, #tpu.memory_space<vmem>>, vector<16xi32>, vector<16xi1>
      tpu.vector_store %arg6[%parallel_loop3A_389], %parallel_loop3A_383 masked %parallel_loop3A_388 {strides = array<i32>} : memref<50176xi32, #tpu.memory_space<vmem>>, vector<16xi32>, vector<16xi1>
      %parallel_loop3A_391 = tpu.all_reduce %parallel_loop3A_388 {dim = 0 : i64, kind = #tpu.reduction_kind<sum>} : vector<16xi1> -> vector<16xi32>
      %parallel_loop3A_392 = vector.extract_strided_slice %parallel_loop3A_391 {offsets = [0], sizes = [1], strides = [1]} : vector<16xi32> to vector<1xi32>
      %parallel_loop3A_393 = vector.extract %parallel_loop3A_392[0] : i32 from vector<1xi32>
      %parallel_loop3A_394 = arith.addi %parallel_loop3A_380, %parallel_loop3A_393 : i32
      scf.yield %parallel_loop3A_394 : i32
    } {sc.loop_unroll_factor = 8 : i64, sc.parallel_access}
    %add3A_35 = arith.constant 15 : i32
    %add3A_36 = arith.addi %parallel_loop3A_34, %add3A_35 : i32
    %jit3A_37 = arith.constant 16 : i32
    %div3A_38 = arith.divsi %add3A_36, %jit3A_37 : i32
    %sign3A_39 = arith.constant 0 : i32
    %sign3A_40 = arith.cmpi sgt, %add3A_36, %sign3A_39 : i32
    %sign3A_41 = arith.extui %sign3A_40 : i1 to i32
    %sign3A_42 = arith.constant 0 : i32
    %sign3A_43 = arith.cmpi slt, %add3A_36, %sign3A_42 : i32
    %sign3A_44 = arith.extui %sign3A_43 : i1 to i32
    %sign3A_45 = arith.subi %sign3A_41, %sign3A_44 : i32
    %sign3A_46 = arith.constant 0 : i32
    %sign3A_47 = arith.cmpi sgt, %jit3A_37, %sign3A_46 : i32
    %sign3A_48 = arith.extui %sign3A_47 : i1 to i32
    %sign3A_49 = arith.constant 0 : i32
    %sign3A_50 = arith.cmpi slt, %jit3A_37, %sign3A_49 : i32
    %sign3A_51 = arith.extui %sign3A_50 : i1 to i32
    %sign3A_52 = arith.subi %sign3A_48, %sign3A_51 : i32
    %ne3A_53 = arith.cmpi ne, %sign3A_45, %sign3A_52 : i32
    %rem3A_54 = arith.remsi %add3A_36, %jit3A_37 : i32
    %ne3A_55 = arith.constant 0 : i32
    %ne3A_56 = arith.cmpi ne, %rem3A_54, %ne3A_55 : i32
    %and3A_57 = arith.andi %ne3A_53, %ne3A_56 : i1
    %sub3A_58 = arith.constant 1 : i32
    %sub3A_59 = arith.subi %div3A_38, %sub3A_58 : i32
    %select_n3A_60 = arith.select %and3A_57, %sub3A_59, %div3A_38 : i32
    %broadcast_in_dim3A = arith.constant 1 : i32
    %broadcast_in_dim3A_61 = vector.broadcast %broadcast_in_dim3A : i32 to vector<16xi32>
    %broadcast_in_dim3A_62 = arith.constant 0 : i32
    %broadcast_in_dim3A_63 = vector.broadcast %broadcast_in_dim3A_62 : i32 to vector<16xi32>
    %parallel_loop3A_64 = arith.constant 0 : i32
    %parallel_loop3A_65 = arith.constant 64 : i32
    %parallel_loop3A_66 = arith.constant 1 : i32
    scf.for %parallel_loop3A_379 = %parallel_loop3A_64 to %parallel_loop3A_65 step %parallel_loop3A_66  : i32 {
      %parallel_loop3A_380 = arith.constant 0 : i32
      %parallel_loop3A_381 = vector.broadcast %parallel_loop3A_380 : i32 to vector<16xi32>
      %parallel_loop3A_382 = arith.constant 16 : i32
      %parallel_loop3A_383 = arith.muli %parallel_loop3A_379, %parallel_loop3A_382 : i32
      %parallel_loop3A_384 = arith.index_cast %parallel_loop3A_383 : i32 to index
      %parallel_loop3A_385 = tpu.vector_load %arg7[%parallel_loop3A_384] {strides = array<i32>} : memref<1024xi32, #tpu.memory_space<vmem>>, vector<16xi32>,
      tpu.vector_store %arg7[%parallel_loop3A_384], %parallel_loop3A_381 {strides = array<i32>} : memref<1024xi32, #tpu.memory_space<vmem>>, vector<16xi32>,
    } {sc.loop_unroll_factor = 4 : i64, sc.parallel_access}
    %parallel_loop3A_67 = arith.constant 0 : i32
    %parallel_loop3A_68 = arith.constant 1 : i32
    scf.for %parallel_loop3A_379 = %parallel_loop3A_67 to %select_n3A_60 step %parallel_loop3A_68  : i32 {
      %parallel_loop3A_380 = arith.constant 16 : i32
      %parallel_loop3A_381 = arith.muli %parallel_loop3A_379, %parallel_loop3A_380 : i32
      %parallel_loop3A_382 = arith.index_cast %parallel_loop3A_381 : i32 to index
      %parallel_loop3A_383 = tpu.vector_load %arg6[%parallel_loop3A_382] {strides = array<i32>} : memref<50176xi32, #tpu.memory_space<vmem>>, vector<16xi32>,
      %parallel_loop3A_384 = arith.constant 16 : i32
      %parallel_loop3A_385 = arith.muli %parallel_loop3A_379, %parallel_loop3A_384 : i32
      %parallel_loop3A_386 = vector.broadcast %parallel_loop3A_385 : i32 to vector<16xi32>
      %parallel_loop3A_387 = arith.addi %iota3A, %parallel_loop3A_386 : vector<16xi32>
      %parallel_loop3A_388 = vector.broadcast %parallel_loop3A_34 : i32 to vector<16xi32>
      %parallel_loop3A_389 = arith.cmpi slt, %parallel_loop3A_387, %parallel_loop3A_388 : vector<16xi32>
      %parallel_loop3A_390 = arith.shrui %parallel_loop3A_383, %broadcast_in_dim3A_63 : vector<16xi32>
      %parallel_loop3A_391 = arith.constant 1023 : i32
      %parallel_loop3A_392 = vector.broadcast %parallel_loop3A_391 : i32 to vector<16xi32>
      %parallel_loop3A_393 = arith.andi %parallel_loop3A_390, %parallel_loop3A_392 : vector<16xi32>
      tpu.vector_store_idx %arg7[%parallel_loop3A_393], %broadcast_in_dim3A_61 masked %parallel_loop3A_389 {add = true} : memref<1024xi32, #tpu.memory_space<vmem>>[vector<16xi32>], vector<16xi32>, vector<16xi1>
    } {sc.loop_unroll_factor = 8 : i64, sc.parallel_access}
    %scan3A = arith.constant 0 : i32
    %scan3A_69 = arith.constant 0 : i32
    %scan3A_70 = arith.constant 64 : i32
    %scan3A_71 = arith.addi %scan3A_69, %scan3A_70 : i32
    %scan3A_72 = arith.constant 1 : i32
    %scan3A_73 = scf.for %scan3A_379 = %scan3A_69 to %scan3A_71 step %scan3A_72 iter_args(%scan3A_380 = %scan3A) -> (i32)  : i32 {
      %mul3A_381 = arith.constant 16 : i32
      %mul3A_382 = arith.muli %scan3A_379, %mul3A_381 : i32
      %get3A_383 = arith.index_cast %mul3A_382 : i32 to index
      %get3A_384 = tpu.vector_load %arg7[%get3A_383] {strides = array<i32>} : memref<1024xi32, #tpu.memory_space<vmem>>, vector<16xi32>,
      %broadcast_in_dim3A_385 = arith.constant true
      %broadcast_in_dim3A_386 = vector.broadcast %broadcast_in_dim3A_385 : i1 to vector<16xi1>
      %masked_cumsum3A = tpu.scan <sum>, %get3A_384 masked %broadcast_in_dim3A_386 : vector<16xi32>, vector<16xi1> -> vector<16xi32>
      %sub3A_387 = arith.subi %masked_cumsum3A, %get3A_384 : vector<16xi32>
      %add3A_388 = vector.broadcast %scan3A_380 : i32 to vector<16xi32>
      %add3A_389 = arith.addi %sub3A_387, %add3A_388 : vector<16xi32>
      %mul3A_390 = arith.constant 16 : i32
      %mul3A_391 = arith.muli %scan3A_379, %mul3A_390 : i32
      %swap3A_392 = arith.index_cast %mul3A_391 : i32 to index
      %swap3A_393 = tpu.vector_load %arg7[%swap3A_392] {strides = array<i32>} : memref<1024xi32, #tpu.memory_space<vmem>>, vector<16xi32>,
      tpu.vector_store %arg7[%swap3A_392], %add3A_389 {strides = array<i32>} : memref<1024xi32, #tpu.memory_space<vmem>>, vector<16xi32>,
      %reduce_sum3A_394 = arith.constant true
      %reduce_sum3A_395 = vector.broadcast %reduce_sum3A_394 : i1 to vector<16xi1>
      %reduce_sum3A_396 = tpu.scan <sum>, %get3A_384 masked %reduce_sum3A_395 : vector<16xi32>, vector<16xi1> -> vector<16xi32>
      %reduce_sum3A_397 = vector.extract %reduce_sum3A_396[15] : i32 from vector<16xi32>
      %add3A_398 = arith.addi %scan3A_380, %reduce_sum3A_397 : i32
      scf.yield %add3A_398 : i32
    }
    %scan3A_74 = arith.constant 64 : i32
    %while3A = arith.constant 0 : i32
    %while3A_75 = arith.constant 0 : i32
    %while3A_76 = arith.subi %select_n3A_60, %while3A : i32
    %while3A_77 = arith.addi %while3A, %while3A_76 : i32
    %while3A_78 = arith.constant 1 : i32
    %while3A_79 = arith.divsi %while3A_76, %while3A_78 : i32
    %while3A_80 = arith.muli %while3A_79, %while3A_78 : i32
    %while3A_81 = arith.addi %while3A, %while3A_80 : i32
    %while3A_82 = arith.constant 1 : i32
    %while3A_83 = scf.for %while3A_379 = %while3A to %while3A_81 step %while3A_82 iter_args(%while3A_380 = %while3A_75) -> (i32)  : i32 {
      %mul3A_381 = arith.constant 16 : i32
      %mul3A_382 = arith.muli %while3A_379, %mul3A_381 : i32
      %get3A_383 = arith.index_cast %mul3A_382 : i32 to index
      %get3A_384 = tpu.vector_load %arg6[%get3A_383] {strides = array<i32>} : memref<50176xi32, #tpu.memory_space<vmem>>, vector<16xi32>,
      %mul3A_385 = arith.constant 16 : i32
      %mul3A_386 = arith.muli %while3A_379, %mul3A_385 : i32
      %add3A_387 = vector.broadcast %mul3A_386 : i32 to vector<16xi32>
      %add3A_388 = arith.addi %iota3A, %add3A_387 : vector<16xi32>
      %lt3A_389 = vector.broadcast %parallel_loop3A_34 : i32 to vector<16xi32>
      %lt3A_390 = arith.cmpi slt, %add3A_388, %lt3A_389 : vector<16xi32>
      %shift_right_logical3A = arith.shrui %get3A_384, %broadcast_in_dim3A_63 : vector<16xi32>
      %and3A_391 = arith.constant 1023 : i32
      %and3A_392 = vector.broadcast %and3A_391 : i32 to vector<16xi32>
      %and3A_393 = arith.andi %shift_right_logical3A, %and3A_392 : vector<16xi32>
      %unique3A, %unique3A_394 = tpu.scan_count mask(%lt3A_390 : vector<16xi1>) value(%and3A_393 : vector<16xi32>) : vector<16xi1>, vector<16xi32>
      %gather3A_395 = tpu.vector_load_idx %arg7[%and3A_393] : memref<1024xi32, #tpu.memory_space<vmem>>[vector<16xi32>], vector<16xi32>,
      %add3A_396 = arith.addi %gather3A_395, %unique3A_394 : vector<16xi32>
      %sub3A_397 = arith.constant 1 : i32
      %sub3A_398 = vector.broadcast %sub3A_397 : i32 to vector<16xi32>
      %sub3A_399 = arith.subi %add3A_396, %sub3A_398 : vector<16xi32>
      %shift_right_logical3A_400 = arith.constant 4 : i32
      %shift_right_logical3A_401 = vector.broadcast %shift_right_logical3A_400 : i32 to vector<16xi32>
      %shift_right_logical3A_402 = arith.shrui %sub3A_399, %shift_right_logical3A_401 : vector<16xi32>
      %and3A_403 = arith.constant 15 : i32
      %and3A_404 = vector.broadcast %and3A_403 : i32 to vector<16xi32>
      %and3A_405 = arith.andi %sub3A_399, %and3A_404 : vector<16xi32>
      tpu.vector_store_idx %arg5[%shift_right_logical3A_402, %and3A_405], %get3A_384 masked %lt3A_390 : memref<3584x16xi32, #tpu.memory_space<vmem>>[vector<16xi32>, vector<16xi32>], vector<16xi32>, vector<16xi1>
      tpu.vector_store_idx %arg7[%and3A_393], %unique3A_394 masked %unique3A {add = true} : memref<1024xi32, #tpu.memory_space<vmem>>[vector<16xi32>], vector<16xi32>, vector<16xi1>
      %while3A_406 = arith.constant 0 : i32
      scf.yield %while3A_406 : i32
    }
    %while3A_84 = arith.constant 1 : i32
    %while3A_85 = scf.for %while3A_379 = %while3A_81 to %while3A_77 step %while3A_84 iter_args(%while3A_380 = %while3A_83) -> (i32)  : i32 {
      %mul3A_381 = arith.constant 16 : i32
      %mul3A_382 = arith.muli %while3A_379, %mul3A_381 : i32
      %get3A_383 = arith.index_cast %mul3A_382 : i32 to index
      %get3A_384 = tpu.vector_load %arg6[%get3A_383] {strides = array<i32>} : memref<50176xi32, #tpu.memory_space<vmem>>, vector<16xi32>,
      %mul3A_385 = arith.constant 16 : i32
      %mul3A_386 = arith.muli %while3A_379, %mul3A_385 : i32
      %add3A_387 = vector.broadcast %mul3A_386 : i32 to vector<16xi32>
      %add3A_388 = arith.addi %iota3A, %add3A_387 : vector<16xi32>
      %lt3A_389 = vector.broadcast %parallel_loop3A_34 : i32 to vector<16xi32>
      %lt3A_390 = arith.cmpi slt, %add3A_388, %lt3A_389 : vector<16xi32>
      %shift_right_logical3A = arith.shrui %get3A_384, %broadcast_in_dim3A_63 : vector<16xi32>
      %and3A_391 = arith.constant 1023 : i32
      %and3A_392 = vector.broadcast %and3A_391 : i32 to vector<16xi32>
      %and3A_393 = arith.andi %shift_right_logical3A, %and3A_392 : vector<16xi32>
      %unique3A, %unique3A_394 = tpu.scan_count mask(%lt3A_390 : vector<16xi1>) value(%and3A_393 : vector<16xi32>) : vector<16xi1>, vector<16xi32>
      %gather3A_395 = tpu.vector_load_idx %arg7[%and3A_393] : memref<1024xi32, #tpu.memory_space<vmem>>[vector<16xi32>], vector<16xi32>,
      %add3A_396 = arith.addi %gather3A_395, %unique3A_394 : vector<16xi32>
      %sub3A_397 = arith.constant 1 : i32
      %sub3A_398 = vector.broadcast %sub3A_397 : i32 to vector<16xi32>
      %sub3A_399 = arith.subi %add3A_396, %sub3A_398 : vector<16xi32>
      %shift_right_logical3A_400 = arith.constant 4 : i32
      %shift_right_logical3A_401 = vector.broadcast %shift_right_logical3A_400 : i32 to vector<16xi32>
      %shift_right_logical3A_402 = arith.shrui %sub3A_399, %shift_right_logical3A_401 : vector<16xi32>
      %and3A_403 = arith.constant 15 : i32
      %and3A_404 = vector.broadcast %and3A_403 : i32 to vector<16xi32>
      %and3A_405 = arith.andi %sub3A_399, %and3A_404 : vector<16xi32>
      tpu.vector_store_idx %arg5[%shift_right_logical3A_402, %and3A_405], %get3A_384 masked %lt3A_390 : memref<3584x16xi32, #tpu.memory_space<vmem>>[vector<16xi32>, vector<16xi32>], vector<16xi32>, vector<16xi1>
      tpu.vector_store_idx %arg7[%and3A_393], %unique3A_394 masked %unique3A {add = true} : memref<1024xi32, #tpu.memory_space<vmem>>[vector<16xi32>], vector<16xi32>, vector<16xi1>
      %while3A_406 = arith.constant 0 : i32
      scf.yield %while3A_406 : i32
    }
    %broadcast_in_dim3A_86 = arith.constant 10 : i32
    %broadcast_in_dim3A_87 = vector.broadcast %broadcast_in_dim3A_86 : i32 to vector<16xi32>
    %parallel_loop3A_88 = arith.constant 0 : i32
    %parallel_loop3A_89 = arith.constant 64 : i32
    %parallel_loop3A_90 = arith.constant 1 : i32
    scf.for %parallel_loop3A_379 = %parallel_loop3A_88 to %parallel_loop3A_89 step %parallel_loop3A_90  : i32 {
      %parallel_loop3A_380 = arith.constant 0 : i32
      %parallel_loop3A_381 = vector.broadcast %parallel_loop3A_380 : i32 to vector<16xi32>
      %parallel_loop3A_382 = arith.constant 16 : i32
      %parallel_loop3A_383 = arith.muli %parallel_loop3A_379, %parallel_loop3A_382 : i32
      %parallel_loop3A_384 = arith.index_cast %parallel_loop3A_383 : i32 to index
      %parallel_loop3A_385 = tpu.vector_load %arg7[%parallel_loop3A_384] {strides = array<i32>} : memref<1024xi32, #tpu.memory_space<vmem>>, vector<16xi32>,
      tpu.vector_store %arg7[%parallel_loop3A_384], %parallel_loop3A_381 {strides = array<i32>} : memref<1024xi32, #tpu.memory_space<vmem>>, vector<16xi32>,
    } {sc.loop_unroll_factor = 4 : i64, sc.parallel_access}
    %parallel_loop3A_91 = arith.constant 0 : i32
    %parallel_loop3A_92 = arith.constant 1 : i32
    scf.for %parallel_loop3A_379 = %parallel_loop3A_91 to %select_n3A_60 step %parallel_loop3A_92  : i32 {
      %parallel_loop3A_380 = arith.index_cast %parallel_loop3A_379 : i32 to index
      %parallel_loop3A_381 = arith.constant 0 : index
      %parallel_loop3A_382 = tpu.vector_load %arg5[%parallel_loop3A_380, %parallel_loop3A_381] {strides = array<i32>} : memref<3584x16xi32, #tpu.memory_space<vmem>>, vector<16xi32>,
      %parallel_loop3A_383 = arith.constant 16 : i32
      %parallel_loop3A_384 = arith.muli %parallel_loop3A_379, %parallel_loop3A_383 : i32
      %parallel_loop3A_385 = vector.broadcast %parallel_loop3A_384 : i32 to vector<16xi32>
      %parallel_loop3A_386 = arith.addi %iota3A, %parallel_loop3A_385 : vector<16xi32>
      %parallel_loop3A_387 = vector.broadcast %parallel_loop3A_34 : i32 to vector<16xi32>
      %parallel_loop3A_388 = arith.cmpi slt, %parallel_loop3A_386, %parallel_loop3A_387 : vector<16xi32>
      %parallel_loop3A_389 = arith.shrui %parallel_loop3A_382, %broadcast_in_dim3A_87 : vector<16xi32>
      %parallel_loop3A_390 = arith.constant 1023 : i32
      %parallel_loop3A_391 = vector.broadcast %parallel_loop3A_390 : i32 to vector<16xi32>
      %parallel_loop3A_392 = arith.andi %parallel_loop3A_389, %parallel_loop3A_391 : vector<16xi32>
      tpu.vector_store_idx %arg7[%parallel_loop3A_392], %broadcast_in_dim3A_61 masked %parallel_loop3A_388 {add = true} : memref<1024xi32, #tpu.memory_space<vmem>>[vector<16xi32>], vector<16xi32>, vector<16xi1>
    } {sc.loop_unroll_factor = 8 : i64, sc.parallel_access}
    %scan3A_93 = arith.constant 0 : i32
    %scan3A_94 = arith.constant 0 : i32
    %scan3A_95 = arith.constant 64 : i32
    %scan3A_96 = arith.addi %scan3A_94, %scan3A_95 : i32
    %scan3A_97 = arith.constant 1 : i32
    %scan3A_98 = scf.for %scan3A_379 = %scan3A_94 to %scan3A_96 step %scan3A_97 iter_args(%scan3A_380 = %scan3A_93) -> (i32)  : i32 {
      %mul3A_381 = arith.constant 16 : i32
      %mul3A_382 = arith.muli %scan3A_379, %mul3A_381 : i32
      %get3A_383 = arith.index_cast %mul3A_382 : i32 to index
      %get3A_384 = tpu.vector_load %arg7[%get3A_383] {strides = array<i32>} : memref<1024xi32, #tpu.memory_space<vmem>>, vector<16xi32>,
      %broadcast_in_dim3A_385 = arith.constant true
      %broadcast_in_dim3A_386 = vector.broadcast %broadcast_in_dim3A_385 : i1 to vector<16xi1>
      %masked_cumsum3A = tpu.scan <sum>, %get3A_384 masked %broadcast_in_dim3A_386 : vector<16xi32>, vector<16xi1> -> vector<16xi32>
      %sub3A_387 = arith.subi %masked_cumsum3A, %get3A_384 : vector<16xi32>
      %add3A_388 = vector.broadcast %scan3A_380 : i32 to vector<16xi32>
      %add3A_389 = arith.addi %sub3A_387, %add3A_388 : vector<16xi32>
      %mul3A_390 = arith.constant 16 : i32
      %mul3A_391 = arith.muli %scan3A_379, %mul3A_390 : i32
      %swap3A_392 = arith.index_cast %mul3A_391 : i32 to index
      %swap3A_393 = tpu.vector_load %arg7[%swap3A_392] {strides = array<i32>} : memref<1024xi32, #tpu.memory_space<vmem>>, vector<16xi32>,
      tpu.vector_store %arg7[%swap3A_392], %add3A_389 {strides = array<i32>} : memref<1024xi32, #tpu.memory_space<vmem>>, vector<16xi32>,
      %reduce_sum3A_394 = arith.constant true
      %reduce_sum3A_395 = vector.broadcast %reduce_sum3A_394 : i1 to vector<16xi1>
      %reduce_sum3A_396 = tpu.scan <sum>, %get3A_384 masked %reduce_sum3A_395 : vector<16xi32>, vector<16xi1> -> vector<16xi32>
      %reduce_sum3A_397 = vector.extract %reduce_sum3A_396[15] : i32 from vector<16xi32>
      %add3A_398 = arith.addi %scan3A_380, %reduce_sum3A_397 : i32
      scf.yield %add3A_398 : i32
    }
    %scan3A_99 = arith.constant 64 : i32
    %while3A_100 = arith.constant 0 : i32
    %while3A_101 = arith.constant 0 : i32
    %while3A_102 = arith.subi %select_n3A_60, %while3A_100 : i32
    %while3A_103 = arith.addi %while3A_100, %while3A_102 : i32
    %while3A_104 = arith.constant 1 : i32
    %while3A_105 = arith.divsi %while3A_102, %while3A_104 : i32
    %while3A_106 = arith.muli %while3A_105, %while3A_104 : i32
    %while3A_107 = arith.addi %while3A_100, %while3A_106 : i32
    %while3A_108 = arith.constant 1 : i32
    %while3A_109 = scf.for %while3A_379 = %while3A_100 to %while3A_107 step %while3A_108 iter_args(%while3A_380 = %while3A_101) -> (i32)  : i32 {
      %get3A_381 = arith.index_cast %while3A_379 : i32 to index
      %get3A_382 = arith.constant 0 : index
      %get3A_383 = tpu.vector_load %arg5[%get3A_381, %get3A_382] {strides = array<i32>} : memref<3584x16xi32, #tpu.memory_space<vmem>>, vector<16xi32>,
      %mul3A_384 = arith.constant 16 : i32
      %mul3A_385 = arith.muli %while3A_379, %mul3A_384 : i32
      %add3A_386 = vector.broadcast %mul3A_385 : i32 to vector<16xi32>
      %add3A_387 = arith.addi %iota3A, %add3A_386 : vector<16xi32>
      %lt3A_388 = vector.broadcast %parallel_loop3A_34 : i32 to vector<16xi32>
      %lt3A_389 = arith.cmpi slt, %add3A_387, %lt3A_388 : vector<16xi32>
      %shift_right_logical3A = arith.shrui %get3A_383, %broadcast_in_dim3A_87 : vector<16xi32>
      %and3A_390 = arith.constant 1023 : i32
      %and3A_391 = vector.broadcast %and3A_390 : i32 to vector<16xi32>
      %and3A_392 = arith.andi %shift_right_logical3A, %and3A_391 : vector<16xi32>
      %unique3A, %unique3A_393 = tpu.scan_count mask(%lt3A_389 : vector<16xi1>) value(%and3A_392 : vector<16xi32>) : vector<16xi1>, vector<16xi32>
      %gather3A_394 = tpu.vector_load_idx %arg7[%and3A_392] : memref<1024xi32, #tpu.memory_space<vmem>>[vector<16xi32>], vector<16xi32>,
      %add3A_395 = arith.addi %gather3A_394, %unique3A_393 : vector<16xi32>
      %sub3A_396 = arith.constant 1 : i32
      %sub3A_397 = vector.broadcast %sub3A_396 : i32 to vector<16xi32>
      %sub3A_398 = arith.subi %add3A_395, %sub3A_397 : vector<16xi32>
      tpu.vector_store_idx %arg6[%sub3A_398], %get3A_383 masked %lt3A_389 : memref<50176xi32, #tpu.memory_space<vmem>>[vector<16xi32>], vector<16xi32>, vector<16xi1>
      tpu.vector_store_idx %arg7[%and3A_392], %unique3A_393 masked %unique3A {add = true} : memref<1024xi32, #tpu.memory_space<vmem>>[vector<16xi32>], vector<16xi32>, vector<16xi1>
      %while3A_399 = arith.constant 0 : i32
      scf.yield %while3A_399 : i32
    }
    %while3A_110 = arith.constant 1 : i32
    %while3A_111 = scf.for %while3A_379 = %while3A_107 to %while3A_103 step %while3A_110 iter_args(%while3A_380 = %while3A_109) -> (i32)  : i32 {
      %get3A_381 = arith.index_cast %while3A_379 : i32 to index
      %get3A_382 = arith.constant 0 : index
      %get3A_383 = tpu.vector_load %arg5[%get3A_381, %get3A_382] {strides = array<i32>} : memref<3584x16xi32, #tpu.memory_space<vmem>>, vector<16xi32>,
      %mul3A_384 = arith.constant 16 : i32
      %mul3A_385 = arith.muli %while3A_379, %mul3A_384 : i32
      %add3A_386 = vector.broadcast %mul3A_385 : i32 to vector<16xi32>
      %add3A_387 = arith.addi %iota3A, %add3A_386 : vector<16xi32>
      %lt3A_388 = vector.broadcast %parallel_loop3A_34 : i32 to vector<16xi32>
      %lt3A_389 = arith.cmpi slt, %add3A_387, %lt3A_388 : vector<16xi32>
      %shift_right_logical3A = arith.shrui %get3A_383, %broadcast_in_dim3A_87 : vector<16xi32>
      %and3A_390 = arith.constant 1023 : i32
      %and3A_391 = vector.broadcast %and3A_390 : i32 to vector<16xi32>
      %and3A_392 = arith.andi %shift_right_logical3A, %and3A_391 : vector<16xi32>
      %unique3A, %unique3A_393 = tpu.scan_count mask(%lt3A_389 : vector<16xi1>) value(%and3A_392 : vector<16xi32>) : vector<16xi1>, vector<16xi32>
      %gather3A_394 = tpu.vector_load_idx %arg7[%and3A_392] : memref<1024xi32, #tpu.memory_space<vmem>>[vector<16xi32>], vector<16xi32>,
      %add3A_395 = arith.addi %gather3A_394, %unique3A_393 : vector<16xi32>
      %sub3A_396 = arith.constant 1 : i32
      %sub3A_397 = vector.broadcast %sub3A_396 : i32 to vector<16xi32>
      %sub3A_398 = arith.subi %add3A_395, %sub3A_397 : vector<16xi32>
      tpu.vector_store_idx %arg6[%sub3A_398], %get3A_383 masked %lt3A_389 : memref<50176xi32, #tpu.memory_space<vmem>>[vector<16xi32>], vector<16xi32>, vector<16xi1>
      tpu.vector_store_idx %arg7[%and3A_392], %unique3A_393 masked %unique3A {add = true} : memref<1024xi32, #tpu.memory_space<vmem>>[vector<16xi32>], vector<16xi32>, vector<16xi1>
      %while3A_399 = arith.constant 0 : i32
      scf.yield %while3A_399 : i32
    }
    %broadcast_in_dim3A_112 = arith.constant 20 : i32
    %broadcast_in_dim3A_113 = vector.broadcast %broadcast_in_dim3A_112 : i32 to vector<16xi32>
    %parallel_loop3A_114 = arith.constant 0 : i32
    %parallel_loop3A_115 = arith.constant 64 : i32
    %parallel_loop3A_116 = arith.constant 1 : i32
    scf.for %parallel_loop3A_379 = %parallel_loop3A_114 to %parallel_loop3A_115 step %parallel_loop3A_116  : i32 {
      %parallel_loop3A_380 = arith.constant 0 : i32
      %parallel_loop3A_381 = vector.broadcast %parallel_loop3A_380 : i32 to vector<16xi32>
      %parallel_loop3A_382 = arith.constant 16 : i32
      %parallel_loop3A_383 = arith.muli %parallel_loop3A_379, %parallel_loop3A_382 : i32
      %parallel_loop3A_384 = arith.index_cast %parallel_loop3A_383 : i32 to index
      %parallel_loop3A_385 = tpu.vector_load %arg7[%parallel_loop3A_384] {strides = array<i32>} : memref<1024xi32, #tpu.memory_space<vmem>>, vector<16xi32>,
      tpu.vector_store %arg7[%parallel_loop3A_384], %parallel_loop3A_381 {strides = array<i32>} : memref<1024xi32, #tpu.memory_space<vmem>>, vector<16xi32>,
    } {sc.loop_unroll_factor = 4 : i64, sc.parallel_access}
    %parallel_loop3A_117 = arith.constant 0 : i32
    %parallel_loop3A_118 = arith.constant 1 : i32
    scf.for %parallel_loop3A_379 = %parallel_loop3A_117 to %select_n3A_60 step %parallel_loop3A_118  : i32 {
      %parallel_loop3A_380 = arith.constant 16 : i32
      %parallel_loop3A_381 = arith.muli %parallel_loop3A_379, %parallel_loop3A_380 : i32
      %parallel_loop3A_382 = arith.index_cast %parallel_loop3A_381 : i32 to index
      %parallel_loop3A_383 = tpu.vector_load %arg6[%parallel_loop3A_382] {strides = array<i32>} : memref<50176xi32, #tpu.memory_space<vmem>>, vector<16xi32>,
      %parallel_loop3A_384 = arith.constant 16 : i32
      %parallel_loop3A_385 = arith.muli %parallel_loop3A_379, %parallel_loop3A_384 : i32
      %parallel_loop3A_386 = vector.broadcast %parallel_loop3A_385 : i32 to vector<16xi32>
      %parallel_loop3A_387 = arith.addi %iota3A, %parallel_loop3A_386 : vector<16xi32>
      %parallel_loop3A_388 = vector.broadcast %parallel_loop3A_34 : i32 to vector<16xi32>
      %parallel_loop3A_389 = arith.cmpi slt, %parallel_loop3A_387, %parallel_loop3A_388 : vector<16xi32>
      %parallel_loop3A_390 = arith.shrui %parallel_loop3A_383, %broadcast_in_dim3A_113 : vector<16xi32>
      %parallel_loop3A_391 = arith.constant 1023 : i32
      %parallel_loop3A_392 = vector.broadcast %parallel_loop3A_391 : i32 to vector<16xi32>
      %parallel_loop3A_393 = arith.andi %parallel_loop3A_390, %parallel_loop3A_392 : vector<16xi32>
      tpu.vector_store_idx %arg7[%parallel_loop3A_393], %broadcast_in_dim3A_61 masked %parallel_loop3A_389 {add = true} : memref<1024xi32, #tpu.memory_space<vmem>>[vector<16xi32>], vector<16xi32>, vector<16xi1>
    } {sc.loop_unroll_factor = 8 : i64, sc.parallel_access}
    %scan3A_119 = arith.constant 0 : i32
    %scan3A_120 = arith.constant 0 : i32
    %scan3A_121 = arith.constant 64 : i32
    %scan3A_122 = arith.addi %scan3A_120, %scan3A_121 : i32
    %scan3A_123 = arith.constant 1 : i32
    %scan3A_124 = scf.for %scan3A_379 = %scan3A_120 to %scan3A_122 step %scan3A_123 iter_args(%scan3A_380 = %scan3A_119) -> (i32)  : i32 {
      %mul3A_381 = arith.constant 16 : i32
      %mul3A_382 = arith.muli %scan3A_379, %mul3A_381 : i32
      %get3A_383 = arith.index_cast %mul3A_382 : i32 to index
      %get3A_384 = tpu.vector_load %arg7[%get3A_383] {strides = array<i32>} : memref<1024xi32, #tpu.memory_space<vmem>>, vector<16xi32>,
      %broadcast_in_dim3A_385 = arith.constant true
      %broadcast_in_dim3A_386 = vector.broadcast %broadcast_in_dim3A_385 : i1 to vector<16xi1>
      %masked_cumsum3A = tpu.scan <sum>, %get3A_384 masked %broadcast_in_dim3A_386 : vector<16xi32>, vector<16xi1> -> vector<16xi32>
      %sub3A_387 = arith.subi %masked_cumsum3A, %get3A_384 : vector<16xi32>
      %add3A_388 = vector.broadcast %scan3A_380 : i32 to vector<16xi32>
      %add3A_389 = arith.addi %sub3A_387, %add3A_388 : vector<16xi32>
      %mul3A_390 = arith.constant 16 : i32
      %mul3A_391 = arith.muli %scan3A_379, %mul3A_390 : i32
      %swap3A_392 = arith.index_cast %mul3A_391 : i32 to index
      %swap3A_393 = tpu.vector_load %arg7[%swap3A_392] {strides = array<i32>} : memref<1024xi32, #tpu.memory_space<vmem>>, vector<16xi32>,
      tpu.vector_store %arg7[%swap3A_392], %add3A_389 {strides = array<i32>} : memref<1024xi32, #tpu.memory_space<vmem>>, vector<16xi32>,
      %reduce_sum3A_394 = arith.constant true
      %reduce_sum3A_395 = vector.broadcast %reduce_sum3A_394 : i1 to vector<16xi1>
      %reduce_sum3A_396 = tpu.scan <sum>, %get3A_384 masked %reduce_sum3A_395 : vector<16xi32>, vector<16xi1> -> vector<16xi32>
      %reduce_sum3A_397 = vector.extract %reduce_sum3A_396[15] : i32 from vector<16xi32>
      %add3A_398 = arith.addi %scan3A_380, %reduce_sum3A_397 : i32
      scf.yield %add3A_398 : i32
    }
    %scan3A_125 = arith.constant 64 : i32
    %while3A_126 = arith.constant 0 : i32
    %while3A_127 = arith.constant 0 : i32
    %while3A_128 = arith.subi %select_n3A_60, %while3A_126 : i32
    %while3A_129 = arith.addi %while3A_126, %while3A_128 : i32
    %while3A_130 = arith.constant 1 : i32
    %while3A_131 = arith.divsi %while3A_128, %while3A_130 : i32
    %while3A_132 = arith.muli %while3A_131, %while3A_130 : i32
    %while3A_133 = arith.addi %while3A_126, %while3A_132 : i32
    %while3A_134 = arith.constant 1 : i32
    %while3A_135 = scf.for %while3A_379 = %while3A_126 to %while3A_133 step %while3A_134 iter_args(%while3A_380 = %while3A_127) -> (i32)  : i32 {
      %mul3A_381 = arith.constant 16 : i32
      %mul3A_382 = arith.muli %while3A_379, %mul3A_381 : i32
      %get3A_383 = arith.index_cast %mul3A_382 : i32 to index
      %get3A_384 = tpu.vector_load %arg6[%get3A_383] {strides = array<i32>} : memref<50176xi32, #tpu.memory_space<vmem>>, vector<16xi32>,
      %mul3A_385 = arith.constant 16 : i32
      %mul3A_386 = arith.muli %while3A_379, %mul3A_385 : i32
      %add3A_387 = vector.broadcast %mul3A_386 : i32 to vector<16xi32>
      %add3A_388 = arith.addi %iota3A, %add3A_387 : vector<16xi32>
      %lt3A_389 = vector.broadcast %parallel_loop3A_34 : i32 to vector<16xi32>
      %lt3A_390 = arith.cmpi slt, %add3A_388, %lt3A_389 : vector<16xi32>
      %shift_right_logical3A = arith.shrui %get3A_384, %broadcast_in_dim3A_113 : vector<16xi32>
      %and3A_391 = arith.constant 1023 : i32
      %and3A_392 = vector.broadcast %and3A_391 : i32 to vector<16xi32>
      %and3A_393 = arith.andi %shift_right_logical3A, %and3A_392 : vector<16xi32>
      %unique3A, %unique3A_394 = tpu.scan_count mask(%lt3A_390 : vector<16xi1>) value(%and3A_393 : vector<16xi32>) : vector<16xi1>, vector<16xi32>
      %gather3A_395 = tpu.vector_load_idx %arg7[%and3A_393] : memref<1024xi32, #tpu.memory_space<vmem>>[vector<16xi32>], vector<16xi32>,
      %add3A_396 = arith.addi %gather3A_395, %unique3A_394 : vector<16xi32>
      %sub3A_397 = arith.constant 1 : i32
      %sub3A_398 = vector.broadcast %sub3A_397 : i32 to vector<16xi32>
      %sub3A_399 = arith.subi %add3A_396, %sub3A_398 : vector<16xi32>
      %shift_right_logical3A_400 = arith.constant 4 : i32
      %shift_right_logical3A_401 = vector.broadcast %shift_right_logical3A_400 : i32 to vector<16xi32>
      %shift_right_logical3A_402 = arith.shrui %sub3A_399, %shift_right_logical3A_401 : vector<16xi32>
      %and3A_403 = arith.constant 15 : i32
      %and3A_404 = vector.broadcast %and3A_403 : i32 to vector<16xi32>
      %and3A_405 = arith.andi %sub3A_399, %and3A_404 : vector<16xi32>
      tpu.vector_store_idx %arg5[%shift_right_logical3A_402, %and3A_405], %get3A_384 masked %lt3A_390 : memref<3584x16xi32, #tpu.memory_space<vmem>>[vector<16xi32>, vector<16xi32>], vector<16xi32>, vector<16xi1>
      tpu.vector_store_idx %arg7[%and3A_393], %unique3A_394 masked %unique3A {add = true} : memref<1024xi32, #tpu.memory_space<vmem>>[vector<16xi32>], vector<16xi32>, vector<16xi1>
      %while3A_406 = arith.constant 0 : i32
      scf.yield %while3A_406 : i32
    }
    %while3A_136 = arith.constant 1 : i32
    %while3A_137 = scf.for %while3A_379 = %while3A_133 to %while3A_129 step %while3A_136 iter_args(%while3A_380 = %while3A_135) -> (i32)  : i32 {
      %mul3A_381 = arith.constant 16 : i32
      %mul3A_382 = arith.muli %while3A_379, %mul3A_381 : i32
      %get3A_383 = arith.index_cast %mul3A_382 : i32 to index
      %get3A_384 = tpu.vector_load %arg6[%get3A_383] {strides = array<i32>} : memref<50176xi32, #tpu.memory_space<vmem>>, vector<16xi32>,
      %mul3A_385 = arith.constant 16 : i32
      %mul3A_386 = arith.muli %while3A_379, %mul3A_385 : i32
      %add3A_387 = vector.broadcast %mul3A_386 : i32 to vector<16xi32>
      %add3A_388 = arith.addi %iota3A, %add3A_387 : vector<16xi32>
      %lt3A_389 = vector.broadcast %parallel_loop3A_34 : i32 to vector<16xi32>
      %lt3A_390 = arith.cmpi slt, %add3A_388, %lt3A_389 : vector<16xi32>
      %shift_right_logical3A = arith.shrui %get3A_384, %broadcast_in_dim3A_113 : vector<16xi32>
      %and3A_391 = arith.constant 1023 : i32
      %and3A_392 = vector.broadcast %and3A_391 : i32 to vector<16xi32>
      %and3A_393 = arith.andi %shift_right_logical3A, %and3A_392 : vector<16xi32>
      %unique3A, %unique3A_394 = tpu.scan_count mask(%lt3A_390 : vector<16xi1>) value(%and3A_393 : vector<16xi32>) : vector<16xi1>, vector<16xi32>
      %gather3A_395 = tpu.vector_load_idx %arg7[%and3A_393] : memref<1024xi32, #tpu.memory_space<vmem>>[vector<16xi32>], vector<16xi32>,
      %add3A_396 = arith.addi %gather3A_395, %unique3A_394 : vector<16xi32>
      %sub3A_397 = arith.constant 1 : i32
      %sub3A_398 = vector.broadcast %sub3A_397 : i32 to vector<16xi32>
      %sub3A_399 = arith.subi %add3A_396, %sub3A_398 : vector<16xi32>
      %shift_right_logical3A_400 = arith.constant 4 : i32
      %shift_right_logical3A_401 = vector.broadcast %shift_right_logical3A_400 : i32 to vector<16xi32>
      %shift_right_logical3A_402 = arith.shrui %sub3A_399, %shift_right_logical3A_401 : vector<16xi32>
      %and3A_403 = arith.constant 15 : i32
      %and3A_404 = vector.broadcast %and3A_403 : i32 to vector<16xi32>
      %and3A_405 = arith.andi %sub3A_399, %and3A_404 : vector<16xi32>
      tpu.vector_store_idx %arg5[%shift_right_logical3A_402, %and3A_405], %get3A_384 masked %lt3A_390 : memref<3584x16xi32, #tpu.memory_space<vmem>>[vector<16xi32>, vector<16xi32>], vector<16xi32>, vector<16xi1>
      tpu.vector_store_idx %arg7[%and3A_393], %unique3A_394 masked %unique3A {add = true} : memref<1024xi32, #tpu.memory_space<vmem>>[vector<16xi32>], vector<16xi32>, vector<16xi1>
      %while3A_406 = arith.constant 0 : i32
      scf.yield %while3A_406 : i32
    }
    %parallel_loop3A_138 = arith.constant 0 : i32
    %parallel_loop3A_139 = arith.constant 1 : i32
    %parallel_loop3A_140 = arith.constant 0 : i32
    %parallel_loop3A_141 = scf.for %parallel_loop3A_379 = %parallel_loop3A_138 to %select_n3A_60 step %parallel_loop3A_139 iter_args(%parallel_loop3A_380 = %parallel_loop3A_140) -> (i32)  : i32 {
      %parallel_loop3A_381 = arith.index_cast %parallel_loop3A_379 : i32 to index
      %parallel_loop3A_382 = arith.constant 0 : index
      %parallel_loop3A_383 = tpu.vector_load %arg5[%parallel_loop3A_381, %parallel_loop3A_382] {strides = array<i32>} : memref<3584x16xi32, #tpu.memory_space<vmem>>, vector<16xi32>,
      %parallel_loop3A_384 = arith.constant 16 : i32
      %parallel_loop3A_385 = arith.muli %parallel_loop3A_379, %parallel_loop3A_384 : i32
      %parallel_loop3A_386 = vector.broadcast %parallel_loop3A_385 : i32 to vector<16xi32>
      %parallel_loop3A_387 = arith.addi %iota3A, %parallel_loop3A_386 : vector<16xi32>
      %parallel_loop3A_388 = arith.constant 1 : i32
      %parallel_loop3A_389 = vector.broadcast %parallel_loop3A_388 : i32 to vector<16xi32>
      %parallel_loop3A_390 = arith.subi %parallel_loop3A_387, %parallel_loop3A_389 : vector<16xi32>
      %parallel_loop3A_391 = arith.constant 0 : i32
      %parallel_loop3A_392 = vector.broadcast %parallel_loop3A_391 : i32 to vector<16xi32>
      %parallel_loop3A_393 = arith.maxsi %parallel_loop3A_390, %parallel_loop3A_392 : vector<16xi32>
      %parallel_loop3A_394 = arith.constant 4 : i32
      %parallel_loop3A_395 = vector.broadcast %parallel_loop3A_394 : i32 to vector<16xi32>
      %parallel_loop3A_396 = arith.shrui %parallel_loop3A_393, %parallel_loop3A_395 : vector<16xi32>
      %parallel_loop3A_397 = arith.constant 15 : i32
      %parallel_loop3A_398 = vector.broadcast %parallel_loop3A_397 : i32 to vector<16xi32>
      %parallel_loop3A_399 = arith.andi %parallel_loop3A_393, %parallel_loop3A_398 : vector<16xi32>
      %parallel_loop3A_400 = tpu.vector_load_idx %arg5[%parallel_loop3A_396, %parallel_loop3A_399] : memref<3584x16xi32, #tpu.memory_space<vmem>>[vector<16xi32>, vector<16xi32>], vector<16xi32>,
      %parallel_loop3A_401 = arith.cmpi ne, %parallel_loop3A_383, %parallel_loop3A_400 : vector<16xi32>
      %parallel_loop3A_402 = arith.constant 0 : i32
      %parallel_loop3A_403 = vector.broadcast %parallel_loop3A_402 : i32 to vector<16xi32>
      %parallel_loop3A_404 = arith.cmpi eq, %parallel_loop3A_387, %parallel_loop3A_403 : vector<16xi32>
      %parallel_loop3A_405 = arith.ori %parallel_loop3A_401, %parallel_loop3A_404 : vector<16xi1>
      %parallel_loop3A_406 = vector.broadcast %parallel_loop3A_34 : i32 to vector<16xi32>
      %parallel_loop3A_407 = arith.cmpi slt, %parallel_loop3A_387, %parallel_loop3A_406 : vector<16xi32>
      %parallel_loop3A_408 = arith.andi %parallel_loop3A_405, %parallel_loop3A_407 : vector<16xi1>
      %parallel_loop3A_409 = arith.index_cast %parallel_loop3A_380 : i32 to index
      %parallel_loop3A_410 = tpu.vector_load %arg6[%parallel_loop3A_409] masked %parallel_loop3A_408 {strides = array<i32>} : memref<50176xi32, #tpu.memory_space<vmem>>, vector<16xi32>, vector<16xi1>
      tpu.vector_store %arg6[%parallel_loop3A_409], %parallel_loop3A_383 masked %parallel_loop3A_408 {strides = array<i32>} : memref<50176xi32, #tpu.memory_space<vmem>>, vector<16xi32>, vector<16xi1>
      %parallel_loop3A_411 = tpu.all_reduce %parallel_loop3A_408 {dim = 0 : i64, kind = #tpu.reduction_kind<sum>} : vector<16xi1> -> vector<16xi32>
      %parallel_loop3A_412 = vector.extract_strided_slice %parallel_loop3A_411 {offsets = [0], sizes = [1], strides = [1]} : vector<16xi32> to vector<1xi32>
      %parallel_loop3A_413 = vector.extract %parallel_loop3A_412[0] : i32 from vector<1xi32>
      %parallel_loop3A_414 = arith.addi %parallel_loop3A_380, %parallel_loop3A_413 : i32
      scf.yield %parallel_loop3A_414 : i32
    } {sc.loop_unroll_factor = 8 : i64, sc.parallel_access}
    %sub3A_142 = arith.constant 1 : i32
    %sub3A_143 = vector.broadcast %sub3A_142 : i32 to vector<16xi32>
    %sub3A_144 = arith.subi %iota3A, %sub3A_143 : vector<16xi32>
    %max3A = arith.constant 0 : i32
    %max3A_145 = vector.broadcast %max3A : i32 to vector<16xi32>
    %max3A_146 = arith.maxsi %sub3A_144, %max3A_145 : vector<16xi32>
    %gather3A = tpu.vector_load_idx %arg6[%max3A_146] : memref<50176xi32, #tpu.memory_space<vmem>>[vector<16xi32>], vector<16xi32>,
    %eq3A_147 = arith.constant 0 : i32
    %eq3A_148 = vector.broadcast %eq3A_147 : i32 to vector<16xi32>
    %eq3A_149 = arith.cmpi eq, %iota3A, %eq3A_148 : vector<16xi32>
    %broadcast_in_dim3A_150 = vector.broadcast %parallel_loop3A_141 : i32 to vector<16xi32>
    %select_n3A_151 = arith.select %eq3A_149, %broadcast_in_dim3A_150, %gather3A : vector<16xi1>, vector<16xi32>
    %swap3A = arith.constant 0 : index
    %swap3A_152 = tpu.vector_load %arg8[%swap3A] {strides = array<i32>} : memref<16xi32, #tpu.memory_space<vmem>>, vector<16xi32>,
    tpu.vector_store %arg8[%swap3A], %select_n3A_151 {strides = array<i32>} : memref<16xi32, #tpu.memory_space<vmem>>, vector<16xi32>,
    "tpu.region"() ({
      %run_scoped3A = tpu.sem_alloc : memref<!tpu.dma_semaphore, #tpu.memory_space<semaphore_mem>>
      %dma_start3A = arith.constant 0 : i32
      %dma_start3A_379 = tpu.memref_slice %arg12[%arg0, %arg1, %dma_start3A] : memref<2x16x16xi32, #tpu.memory_space<hbm>> -> memref<1x1x16xi32, #tpu.memory_space<hbm>>
      %dma_start3A_380 = tpu.memref_squeeze %dma_start3A_379 : memref<1x1x16xi32, #tpu.memory_space<hbm>> -> memref<16xi32, #tpu.memory_space<hbm>>
      %dma_start3A_381 = arith.constant 0 : i32
      %dma_start3A_382 = tpu.memref_slice %arg12[%arg0, %arg1, %dma_start3A_381] : memref<2x16x16xi32, #tpu.memory_space<hbm>> -> memref<1x1x16xi32, #tpu.memory_space<hbm>>
      %dma_start3A_383 = tpu.memref_squeeze %dma_start3A_382 : memref<1x1x16xi32, #tpu.memory_space<hbm>> -> memref<16xi32, #tpu.memory_space<hbm>>
      tpu.enqueue_dma source(%arg8 : memref<16xi32, #tpu.memory_space<vmem>>) target(%dma_start3A_383 : memref<16xi32, #tpu.memory_space<hbm>>) target_semaphore(%run_scoped3A : memref<!tpu.dma_semaphore, #tpu.memory_space<semaphore_mem>>)
      %dma_wait3A = arith.constant 0 : i32
      %dma_wait3A_384 = tpu.memref_slice %arg12[%arg0, %arg1, %dma_wait3A] : memref<2x16x16xi32, #tpu.memory_space<hbm>> -> memref<1x1x16xi32, #tpu.memory_space<hbm>>
      %dma_wait3A_385 = tpu.memref_squeeze %dma_wait3A_384 : memref<1x1x16xi32, #tpu.memory_space<hbm>> -> memref<16xi32, #tpu.memory_space<hbm>>
      %dma_wait3A_386 = arith.constant 0 : i32
      %dma_wait3A_387 = tpu.memref_slice %arg12[%arg0, %arg1, %dma_wait3A_386] : memref<2x16x16xi32, #tpu.memory_space<hbm>> -> memref<1x1x16xi32, #tpu.memory_space<hbm>>
      %dma_wait3A_388 = tpu.memref_squeeze %dma_wait3A_387 : memref<1x1x16xi32, #tpu.memory_space<hbm>> -> memref<16xi32, #tpu.memory_space<hbm>>
      tpu.wait_dma2 semaphore(%run_scoped3A : memref<!tpu.dma_semaphore, #tpu.memory_space<semaphore_mem>>) src(%arg8 : memref<16xi32, #tpu.memory_space<vmem>>) dst(%dma_wait3A_388 : memref<16xi32, #tpu.memory_space<hbm>>)
      tpu.yield
    }) : () -> ()
    %barrier3A = arith.constant 0 : index
    tpu.barrier barrier_id(%barrier3A)
    %mul3A_153 = arith.constant 4 : i32
    %mul3A_154 = arith.muli %select_n3A, %mul3A_153 : i32
    %add3A_155 = arith.constant 0 : i32
    %add3A_156 = arith.addi %mul3A_154, %add3A_155 : i32
    "tpu.region"() ({
      %run_scoped3A = tpu.sem_alloc : memref<!tpu.dma_semaphore, #tpu.memory_space<semaphore_mem>>
      %dma_start3A = arith.constant 0 : i32
      %dma_start3A_379 = tpu.memref_slice %arg9[%dma_start3A] : memref<64xi32, #tpu.memory_space<vmem>> -> memref<16xi32, #tpu.memory_space<vmem>>
      %dma_start3A_380 = arith.constant 0 : i32
      %dma_start3A_381 = tpu.memref_slice %arg12[%arg0, %add3A_156, %dma_start3A_380] : memref<2x16x16xi32, #tpu.memory_space<hbm>> -> memref<1x1x16xi32, #tpu.memory_space<hbm>>
      %dma_start3A_382 = tpu.memref_squeeze %dma_start3A_381 : memref<1x1x16xi32, #tpu.memory_space<hbm>> -> memref<16xi32, #tpu.memory_space<hbm>>
      %dma_start3A_383 = arith.constant 0 : i32
      %dma_start3A_384 = tpu.memref_slice %arg9[%dma_start3A_383] : memref<64xi32, #tpu.memory_space<vmem>> -> memref<16xi32, #tpu.memory_space<vmem>>
      %dma_start3A_385 = arith.constant 0 : i32
      %dma_start3A_386 = tpu.memref_slice %arg12[%arg0, %add3A_156, %dma_start3A_385] : memref<2x16x16xi32, #tpu.memory_space<hbm>> -> memref<1x1x16xi32, #tpu.memory_space<hbm>>
      %dma_start3A_387 = tpu.memref_squeeze %dma_start3A_386 : memref<1x1x16xi32, #tpu.memory_space<hbm>> -> memref<16xi32, #tpu.memory_space<hbm>>
      tpu.enqueue_dma source(%dma_start3A_387 : memref<16xi32, #tpu.memory_space<hbm>>) target(%dma_start3A_384 : memref<16xi32, #tpu.memory_space<vmem>>) target_semaphore(%run_scoped3A : memref<!tpu.dma_semaphore, #tpu.memory_space<semaphore_mem>>)
      %dma_wait3A = arith.constant 0 : i32
      %dma_wait3A_388 = tpu.memref_slice %arg9[%dma_wait3A] : memref<64xi32, #tpu.memory_space<vmem>> -> memref<16xi32, #tpu.memory_space<vmem>>
      %dma_wait3A_389 = arith.constant 0 : i32
      %dma_wait3A_390 = tpu.memref_slice %arg12[%arg0, %add3A_156, %dma_wait3A_389] : memref<2x16x16xi32, #tpu.memory_space<hbm>> -> memref<1x1x16xi32, #tpu.memory_space<hbm>>
      %dma_wait3A_391 = tpu.memref_squeeze %dma_wait3A_390 : memref<1x1x16xi32, #tpu.memory_space<hbm>> -> memref<16xi32, #tpu.memory_space<hbm>>
      %dma_wait3A_392 = arith.constant 0 : i32
      %dma_wait3A_393 = tpu.memref_slice %arg9[%dma_wait3A_392] : memref<64xi32, #tpu.memory_space<vmem>> -> memref<16xi32, #tpu.memory_space<vmem>>
      %dma_wait3A_394 = arith.constant 0 : i32
      %dma_wait3A_395 = tpu.memref_slice %arg12[%arg0, %add3A_156, %dma_wait3A_394] : memref<2x16x16xi32, #tpu.memory_space<hbm>> -> memref<1x1x16xi32, #tpu.memory_space<hbm>>
      %dma_wait3A_396 = tpu.memref_squeeze %dma_wait3A_395 : memref<1x1x16xi32, #tpu.memory_space<hbm>> -> memref<16xi32, #tpu.memory_space<hbm>>
      tpu.wait_dma2 semaphore(%run_scoped3A : memref<!tpu.dma_semaphore, #tpu.memory_space<semaphore_mem>>) src(%dma_wait3A_396 : memref<16xi32, #tpu.memory_space<hbm>>) dst(%dma_wait3A_393 : memref<16xi32, #tpu.memory_space<vmem>>)
      tpu.yield
    }) : () -> ()
    %get3A = arith.constant 0 : index
    %get3A_157 = tpu.vector_load %arg9[%get3A] {strides = array<i32>} : memref<64xi32, #tpu.memory_space<vmem>>, vector<16xi32>,
    %eq3A_158 = arith.constant 0 : i32
    %eq3A_159 = vector.broadcast %eq3A_158 : i32 to vector<16xi32>
    %eq3A_160 = arith.cmpi eq, %iota3A, %eq3A_159 : vector<16xi32>
    %jit3A_161 = arith.constant 0 : i32
    %broadcast_in_dim3A_162 = vector.broadcast %jit3A_161 : i32 to vector<16xi32>
    %select_n3A_163 = arith.select %eq3A_160, %get3A_157, %broadcast_in_dim3A_162 : vector<16xi1>, vector<16xi32>
    %reduce_sum3A = arith.constant true
    %reduce_sum3A_164 = vector.broadcast %reduce_sum3A : i1 to vector<16xi1>
    %reduce_sum3A_165 = tpu.scan <sum>, %select_n3A_163 masked %reduce_sum3A_164 : vector<16xi32>, vector<16xi1> -> vector<16xi32>
    %reduce_sum3A_166 = vector.extract %reduce_sum3A_165[15] : i32 from vector<16xi32>
    %mul3A_167 = arith.constant 4 : i32
    %mul3A_168 = arith.muli %select_n3A, %mul3A_167 : i32
    %add3A_169 = arith.constant 1 : i32
    %add3A_170 = arith.addi %mul3A_168, %add3A_169 : i32
    "tpu.region"() ({
      %run_scoped3A = tpu.sem_alloc : memref<!tpu.dma_semaphore, #tpu.memory_space<semaphore_mem>>
      %dma_start3A = arith.constant 16 : i32
      %dma_start3A_379 = tpu.memref_slice %arg9[%dma_start3A] : memref<64xi32, #tpu.memory_space<vmem>> -> memref<16xi32, #tpu.memory_space<vmem>>
      %dma_start3A_380 = arith.constant 0 : i32
      %dma_start3A_381 = tpu.memref_slice %arg12[%arg0, %add3A_170, %dma_start3A_380] : memref<2x16x16xi32, #tpu.memory_space<hbm>> -> memref<1x1x16xi32, #tpu.memory_space<hbm>>
      %dma_start3A_382 = tpu.memref_squeeze %dma_start3A_381 : memref<1x1x16xi32, #tpu.memory_space<hbm>> -> memref<16xi32, #tpu.memory_space<hbm>>
      %dma_start3A_383 = arith.constant 16 : i32
      %dma_start3A_384 = tpu.memref_slice %arg9[%dma_start3A_383] : memref<64xi32, #tpu.memory_space<vmem>> -> memref<16xi32, #tpu.memory_space<vmem>>
      %dma_start3A_385 = arith.constant 0 : i32
      %dma_start3A_386 = tpu.memref_slice %arg12[%arg0, %add3A_170, %dma_start3A_385] : memref<2x16x16xi32, #tpu.memory_space<hbm>> -> memref<1x1x16xi32, #tpu.memory_space<hbm>>
      %dma_start3A_387 = tpu.memref_squeeze %dma_start3A_386 : memref<1x1x16xi32, #tpu.memory_space<hbm>> -> memref<16xi32, #tpu.memory_space<hbm>>
      tpu.enqueue_dma source(%dma_start3A_387 : memref<16xi32, #tpu.memory_space<hbm>>) target(%dma_start3A_384 : memref<16xi32, #tpu.memory_space<vmem>>) target_semaphore(%run_scoped3A : memref<!tpu.dma_semaphore, #tpu.memory_space<semaphore_mem>>)
      %dma_wait3A = arith.constant 16 : i32
      %dma_wait3A_388 = tpu.memref_slice %arg9[%dma_wait3A] : memref<64xi32, #tpu.memory_space<vmem>> -> memref<16xi32, #tpu.memory_space<vmem>>
      %dma_wait3A_389 = arith.constant 0 : i32
      %dma_wait3A_390 = tpu.memref_slice %arg12[%arg0, %add3A_170, %dma_wait3A_389] : memref<2x16x16xi32, #tpu.memory_space<hbm>> -> memref<1x1x16xi32, #tpu.memory_space<hbm>>
      %dma_wait3A_391 = tpu.memref_squeeze %dma_wait3A_390 : memref<1x1x16xi32, #tpu.memory_space<hbm>> -> memref<16xi32, #tpu.memory_space<hbm>>
      %dma_wait3A_392 = arith.constant 16 : i32
      %dma_wait3A_393 = tpu.memref_slice %arg9[%dma_wait3A_392] : memref<64xi32, #tpu.memory_space<vmem>> -> memref<16xi32, #tpu.memory_space<vmem>>
      %dma_wait3A_394 = arith.constant 0 : i32
      %dma_wait3A_395 = tpu.memref_slice %arg12[%arg0, %add3A_170, %dma_wait3A_394] : memref<2x16x16xi32, #tpu.memory_space<hbm>> -> memref<1x1x16xi32, #tpu.memory_space<hbm>>
      %dma_wait3A_396 = tpu.memref_squeeze %dma_wait3A_395 : memref<1x1x16xi32, #tpu.memory_space<hbm>> -> memref<16xi32, #tpu.memory_space<hbm>>
      tpu.wait_dma2 semaphore(%run_scoped3A : memref<!tpu.dma_semaphore, #tpu.memory_space<semaphore_mem>>) src(%dma_wait3A_396 : memref<16xi32, #tpu.memory_space<hbm>>) dst(%dma_wait3A_393 : memref<16xi32, #tpu.memory_space<vmem>>)
      tpu.yield
    }) : () -> ()
    %get3A_171 = arith.constant 16 : index
    %get3A_172 = tpu.vector_load %arg9[%get3A_171] {strides = array<i32>} : memref<64xi32, #tpu.memory_space<vmem>>, vector<16xi32>,
    %eq3A_173 = arith.constant 0 : i32
    %eq3A_174 = vector.broadcast %eq3A_173 : i32 to vector<16xi32>
    %eq3A_175 = arith.cmpi eq, %iota3A, %eq3A_174 : vector<16xi32>
    %jit3A_176 = arith.constant 0 : i32
    %broadcast_in_dim3A_177 = vector.broadcast %jit3A_176 : i32 to vector<16xi32>
    %select_n3A_178 = arith.select %eq3A_175, %get3A_172, %broadcast_in_dim3A_177 : vector<16xi1>, vector<16xi32>
    %reduce_sum3A_179 = arith.constant true
    %reduce_sum3A_180 = vector.broadcast %reduce_sum3A_179 : i1 to vector<16xi1>
    %reduce_sum3A_181 = tpu.scan <sum>, %select_n3A_178 masked %reduce_sum3A_180 : vector<16xi32>, vector<16xi1> -> vector<16xi32>
    %reduce_sum3A_182 = vector.extract %reduce_sum3A_181[15] : i32 from vector<16xi32>
    %mul3A_183 = arith.constant 4 : i32
    %mul3A_184 = arith.muli %select_n3A, %mul3A_183 : i32
    %add3A_185 = arith.constant 2 : i32
    %add3A_186 = arith.addi %mul3A_184, %add3A_185 : i32
    "tpu.region"() ({
      %run_scoped3A = tpu.sem_alloc : memref<!tpu.dma_semaphore, #tpu.memory_space<semaphore_mem>>
      %dma_start3A = arith.constant 32 : i32
      %dma_start3A_379 = tpu.memref_slice %arg9[%dma_start3A] : memref<64xi32, #tpu.memory_space<vmem>> -> memref<16xi32, #tpu.memory_space<vmem>>
      %dma_start3A_380 = arith.constant 0 : i32
      %dma_start3A_381 = tpu.memref_slice %arg12[%arg0, %add3A_186, %dma_start3A_380] : memref<2x16x16xi32, #tpu.memory_space<hbm>> -> memref<1x1x16xi32, #tpu.memory_space<hbm>>
      %dma_start3A_382 = tpu.memref_squeeze %dma_start3A_381 : memref<1x1x16xi32, #tpu.memory_space<hbm>> -> memref<16xi32, #tpu.memory_space<hbm>>
      %dma_start3A_383 = arith.constant 32 : i32
      %dma_start3A_384 = tpu.memref_slice %arg9[%dma_start3A_383] : memref<64xi32, #tpu.memory_space<vmem>> -> memref<16xi32, #tpu.memory_space<vmem>>
      %dma_start3A_385 = arith.constant 0 : i32
      %dma_start3A_386 = tpu.memref_slice %arg12[%arg0, %add3A_186, %dma_start3A_385] : memref<2x16x16xi32, #tpu.memory_space<hbm>> -> memref<1x1x16xi32, #tpu.memory_space<hbm>>
      %dma_start3A_387 = tpu.memref_squeeze %dma_start3A_386 : memref<1x1x16xi32, #tpu.memory_space<hbm>> -> memref<16xi32, #tpu.memory_space<hbm>>
      tpu.enqueue_dma source(%dma_start3A_387 : memref<16xi32, #tpu.memory_space<hbm>>) target(%dma_start3A_384 : memref<16xi32, #tpu.memory_space<vmem>>) target_semaphore(%run_scoped3A : memref<!tpu.dma_semaphore, #tpu.memory_space<semaphore_mem>>)
      %dma_wait3A = arith.constant 32 : i32
      %dma_wait3A_388 = tpu.memref_slice %arg9[%dma_wait3A] : memref<64xi32, #tpu.memory_space<vmem>> -> memref<16xi32, #tpu.memory_space<vmem>>
      %dma_wait3A_389 = arith.constant 0 : i32
      %dma_wait3A_390 = tpu.memref_slice %arg12[%arg0, %add3A_186, %dma_wait3A_389] : memref<2x16x16xi32, #tpu.memory_space<hbm>> -> memref<1x1x16xi32, #tpu.memory_space<hbm>>
      %dma_wait3A_391 = tpu.memref_squeeze %dma_wait3A_390 : memref<1x1x16xi32, #tpu.memory_space<hbm>> -> memref<16xi32, #tpu.memory_space<hbm>>
      %dma_wait3A_392 = arith.constant 32 : i32
      %dma_wait3A_393 = tpu.memref_slice %arg9[%dma_wait3A_392] : memref<64xi32, #tpu.memory_space<vmem>> -> memref<16xi32, #tpu.memory_space<vmem>>
      %dma_wait3A_394 = arith.constant 0 : i32
      %dma_wait3A_395 = tpu.memref_slice %arg12[%arg0, %add3A_186, %dma_wait3A_394] : memref<2x16x16xi32, #tpu.memory_space<hbm>> -> memref<1x1x16xi32, #tpu.memory_space<hbm>>
      %dma_wait3A_396 = tpu.memref_squeeze %dma_wait3A_395 : memref<1x1x16xi32, #tpu.memory_space<hbm>> -> memref<16xi32, #tpu.memory_space<hbm>>
      tpu.wait_dma2 semaphore(%run_scoped3A : memref<!tpu.dma_semaphore, #tpu.memory_space<semaphore_mem>>) src(%dma_wait3A_396 : memref<16xi32, #tpu.memory_space<hbm>>) dst(%dma_wait3A_393 : memref<16xi32, #tpu.memory_space<vmem>>)
      tpu.yield
    }) : () -> ()
    %get3A_187 = arith.constant 32 : index
    %get3A_188 = tpu.vector_load %arg9[%get3A_187] {strides = array<i32>} : memref<64xi32, #tpu.memory_space<vmem>>, vector<16xi32>,
    %eq3A_189 = arith.constant 0 : i32
    %eq3A_190 = vector.broadcast %eq3A_189 : i32 to vector<16xi32>
    %eq3A_191 = arith.cmpi eq, %iota3A, %eq3A_190 : vector<16xi32>
    %jit3A_192 = arith.constant 0 : i32
    %broadcast_in_dim3A_193 = vector.broadcast %jit3A_192 : i32 to vector<16xi32>
    %select_n3A_194 = arith.select %eq3A_191, %get3A_188, %broadcast_in_dim3A_193 : vector<16xi1>, vector<16xi32>
    %reduce_sum3A_195 = arith.constant true
    %reduce_sum3A_196 = vector.broadcast %reduce_sum3A_195 : i1 to vector<16xi1>
    %reduce_sum3A_197 = tpu.scan <sum>, %select_n3A_194 masked %reduce_sum3A_196 : vector<16xi32>, vector<16xi1> -> vector<16xi32>
    %reduce_sum3A_198 = vector.extract %reduce_sum3A_197[15] : i32 from vector<16xi32>
    %mul3A_199 = arith.constant 4 : i32
    %mul3A_200 = arith.muli %select_n3A, %mul3A_199 : i32
    %add3A_201 = arith.constant 3 : i32
    %add3A_202 = arith.addi %mul3A_200, %add3A_201 : i32
    "tpu.region"() ({
      %run_scoped3A = tpu.sem_alloc : memref<!tpu.dma_semaphore, #tpu.memory_space<semaphore_mem>>
      %dma_start3A = arith.constant 48 : i32
      %dma_start3A_379 = tpu.memref_slice %arg9[%dma_start3A] : memref<64xi32, #tpu.memory_space<vmem>> -> memref<16xi32, #tpu.memory_space<vmem>>
      %dma_start3A_380 = arith.constant 0 : i32
      %dma_start3A_381 = tpu.memref_slice %arg12[%arg0, %add3A_202, %dma_start3A_380] : memref<2x16x16xi32, #tpu.memory_space<hbm>> -> memref<1x1x16xi32, #tpu.memory_space<hbm>>
      %dma_start3A_382 = tpu.memref_squeeze %dma_start3A_381 : memref<1x1x16xi32, #tpu.memory_space<hbm>> -> memref<16xi32, #tpu.memory_space<hbm>>
      %dma_start3A_383 = arith.constant 48 : i32
      %dma_start3A_384 = tpu.memref_slice %arg9[%dma_start3A_383] : memref<64xi32, #tpu.memory_space<vmem>> -> memref<16xi32, #tpu.memory_space<vmem>>
      %dma_start3A_385 = arith.constant 0 : i32
      %dma_start3A_386 = tpu.memref_slice %arg12[%arg0, %add3A_202, %dma_start3A_385] : memref<2x16x16xi32, #tpu.memory_space<hbm>> -> memref<1x1x16xi32, #tpu.memory_space<hbm>>
      %dma_start3A_387 = tpu.memref_squeeze %dma_start3A_386 : memref<1x1x16xi32, #tpu.memory_space<hbm>> -> memref<16xi32, #tpu.memory_space<hbm>>
      tpu.enqueue_dma source(%dma_start3A_387 : memref<16xi32, #tpu.memory_space<hbm>>) target(%dma_start3A_384 : memref<16xi32, #tpu.memory_space<vmem>>) target_semaphore(%run_scoped3A : memref<!tpu.dma_semaphore, #tpu.memory_space<semaphore_mem>>)
      %dma_wait3A = arith.constant 48 : i32
      %dma_wait3A_388 = tpu.memref_slice %arg9[%dma_wait3A] : memref<64xi32, #tpu.memory_space<vmem>> -> memref<16xi32, #tpu.memory_space<vmem>>
      %dma_wait3A_389 = arith.constant 0 : i32
      %dma_wait3A_390 = tpu.memref_slice %arg12[%arg0, %add3A_202, %dma_wait3A_389] : memref<2x16x16xi32, #tpu.memory_space<hbm>> -> memref<1x1x16xi32, #tpu.memory_space<hbm>>
      %dma_wait3A_391 = tpu.memref_squeeze %dma_wait3A_390 : memref<1x1x16xi32, #tpu.memory_space<hbm>> -> memref<16xi32, #tpu.memory_space<hbm>>
      %dma_wait3A_392 = arith.constant 48 : i32
      %dma_wait3A_393 = tpu.memref_slice %arg9[%dma_wait3A_392] : memref<64xi32, #tpu.memory_space<vmem>> -> memref<16xi32, #tpu.memory_space<vmem>>
      %dma_wait3A_394 = arith.constant 0 : i32
      %dma_wait3A_395 = tpu.memref_slice %arg12[%arg0, %add3A_202, %dma_wait3A_394] : memref<2x16x16xi32, #tpu.memory_space<hbm>> -> memref<1x1x16xi32, #tpu.memory_space<hbm>>
      %dma_wait3A_396 = tpu.memref_squeeze %dma_wait3A_395 : memref<1x1x16xi32, #tpu.memory_space<hbm>> -> memref<16xi32, #tpu.memory_space<hbm>>
      tpu.wait_dma2 semaphore(%run_scoped3A : memref<!tpu.dma_semaphore, #tpu.memory_space<semaphore_mem>>) src(%dma_wait3A_396 : memref<16xi32, #tpu.memory_space<hbm>>) dst(%dma_wait3A_393 : memref<16xi32, #tpu.memory_space<vmem>>)
      tpu.yield
    }) : () -> ()
    %get3A_203 = arith.constant 48 : index
    %get3A_204 = tpu.vector_load %arg9[%get3A_203] {strides = array<i32>} : memref<64xi32, #tpu.memory_space<vmem>>, vector<16xi32>,
    %eq3A_205 = arith.constant 0 : i32
    %eq3A_206 = vector.broadcast %eq3A_205 : i32 to vector<16xi32>
    %eq3A_207 = arith.cmpi eq, %iota3A, %eq3A_206 : vector<16xi32>
    %jit3A_208 = arith.constant 0 : i32
    %broadcast_in_dim3A_209 = vector.broadcast %jit3A_208 : i32 to vector<16xi32>
    %select_n3A_210 = arith.select %eq3A_207, %get3A_204, %broadcast_in_dim3A_209 : vector<16xi1>, vector<16xi32>
    %reduce_sum3A_211 = arith.constant true
    %reduce_sum3A_212 = vector.broadcast %reduce_sum3A_211 : i1 to vector<16xi1>
    %reduce_sum3A_213 = tpu.scan <sum>, %select_n3A_210 masked %reduce_sum3A_212 : vector<16xi32>, vector<16xi1> -> vector<16xi32>
    %reduce_sum3A_214 = vector.extract %reduce_sum3A_213[15] : i32 from vector<16xi32>
    %gt3A = arith.constant 0 : i32
    %gt3A_215 = arith.cmpi sgt, %select_n3A_28, %gt3A : i32
    %jit3A_216 = arith.constant 0 : i32
    %select_n3A_217 = arith.select %gt3A_215, %reduce_sum3A_166, %jit3A_216 : i32
    %gt3A_218 = arith.constant 1 : i32
    %gt3A_219 = arith.cmpi sgt, %select_n3A_28, %gt3A_218 : i32
    %jit3A_220 = arith.constant 0 : i32
    %select_n3A_221 = arith.select %gt3A_219, %reduce_sum3A_182, %jit3A_220 : i32
    %add3A_222 = arith.addi %select_n3A_217, %select_n3A_221 : i32
    %gt3A_223 = arith.constant 2 : i32
    %gt3A_224 = arith.cmpi sgt, %select_n3A_28, %gt3A_223 : i32
    %jit3A_225 = arith.constant 0 : i32
    %select_n3A_226 = arith.select %gt3A_224, %reduce_sum3A_198, %jit3A_225 : i32
    %add3A_227 = arith.addi %add3A_222, %select_n3A_226 : i32
    %add3A_228 = arith.addi %reduce_sum3A_166, %reduce_sum3A_182 : i32
    %add3A_229 = arith.addi %add3A_228, %reduce_sum3A_198 : i32
    %add3A_230 = arith.addi %add3A_229, %reduce_sum3A_214 : i32
    %eq3A_231 = arith.constant 0 : i32
    %eq3A_232 = arith.cmpi eq, %select_n3A_28, %eq3A_231 : i32
    %convert_element_type3A = arith.extui %eq3A_232 : i1 to i32
    %cond3A = arith.constant 0 : i32
    %cond3A_233 = arith.cmpi ne, %convert_element_type3A, %cond3A : i32
    scf.if %cond3A_233 {
      %broadcast_in_dim3A_379 = vector.broadcast %add3A_230 : i32 to vector<16xi32>
      %swap3A_380 = arith.constant 0 : index
      %swap3A_381 = tpu.vector_load %arg8[%swap3A_380] {strides = array<i32>} : memref<16xi32, #tpu.memory_space<vmem>>, vector<16xi32>,
      tpu.vector_store %arg8[%swap3A_380], %broadcast_in_dim3A_379 {strides = array<i32>} : memref<16xi32, #tpu.memory_space<vmem>>, vector<16xi32>,
      "tpu.region"() ({
        %run_scoped3A = tpu.sem_alloc : memref<!tpu.dma_semaphore, #tpu.memory_space<semaphore_mem>>
        %dma_start3A = arith.constant 0 : i32
        %dma_start3A_382 = tpu.memref_slice %arg4[%add3A_30, %dma_start3A] : memref<8x16xi32, #tpu.memory_space<hbm>> -> memref<1x16xi32, #tpu.memory_space<hbm>>
        %dma_start3A_383 = tpu.memref_squeeze %dma_start3A_382 : memref<1x16xi32, #tpu.memory_space<hbm>> -> memref<16xi32, #tpu.memory_space<hbm>>
        %dma_start3A_384 = arith.constant 0 : i32
        %dma_start3A_385 = tpu.memref_slice %arg4[%add3A_30, %dma_start3A_384] : memref<8x16xi32, #tpu.memory_space<hbm>> -> memref<1x16xi32, #tpu.memory_space<hbm>>
        %dma_start3A_386 = tpu.memref_squeeze %dma_start3A_385 : memref<1x16xi32, #tpu.memory_space<hbm>> -> memref<16xi32, #tpu.memory_space<hbm>>
        tpu.enqueue_dma source(%arg8 : memref<16xi32, #tpu.memory_space<vmem>>) target(%dma_start3A_386 : memref<16xi32, #tpu.memory_space<hbm>>) target_semaphore(%run_scoped3A : memref<!tpu.dma_semaphore, #tpu.memory_space<semaphore_mem>>)
        %dma_wait3A = arith.constant 0 : i32
        %dma_wait3A_387 = tpu.memref_slice %arg4[%add3A_30, %dma_wait3A] : memref<8x16xi32, #tpu.memory_space<hbm>> -> memref<1x16xi32, #tpu.memory_space<hbm>>
        %dma_wait3A_388 = tpu.memref_squeeze %dma_wait3A_387 : memref<1x16xi32, #tpu.memory_space<hbm>> -> memref<16xi32, #tpu.memory_space<hbm>>
        %dma_wait3A_389 = arith.constant 0 : i32
        %dma_wait3A_390 = tpu.memref_slice %arg4[%add3A_30, %dma_wait3A_389] : memref<8x16xi32, #tpu.memory_space<hbm>> -> memref<1x16xi32, #tpu.memory_space<hbm>>
        %dma_wait3A_391 = tpu.memref_squeeze %dma_wait3A_390 : memref<1x16xi32, #tpu.memory_space<hbm>> -> memref<16xi32, #tpu.memory_space<hbm>>
        tpu.wait_dma2 semaphore(%run_scoped3A : memref<!tpu.dma_semaphore, #tpu.memory_space<semaphore_mem>>) src(%arg8 : memref<16xi32, #tpu.memory_space<vmem>>) dst(%dma_wait3A_391 : memref<16xi32, #tpu.memory_space<hbm>>)
        tpu.yield
      }) : () -> ()
    } else {
    }
    %broadcast_in_dim3A_234 = arith.constant 0 : i32
    %broadcast_in_dim3A_235 = vector.broadcast %broadcast_in_dim3A_234 : i32 to vector<16xi32>
    %lt3A_236 = arith.constant 1 : i32
    %lt3A_237 = arith.cmpi slt, %select_n3A_28, %lt3A_236 : i32
    %sub3A_238 = arith.constant 0 : i32
    %sub3A_239 = vector.broadcast %sub3A_238 : i32 to vector<16xi32>
    %sub3A_240 = arith.subi %iota3A, %sub3A_239 : vector<16xi32>
    %jit3A_241 = arith.constant 0 : i32
    %jit3A_242 = arith.constant 14 : i32
    %max3A_243 = vector.broadcast %jit3A_241 : i32 to vector<16xi32>
    %max3A_244 = arith.maxsi %max3A_243, %sub3A_240 : vector<16xi32>
    %min3A = vector.broadcast %jit3A_242 : i32 to vector<16xi32>
    %min3A_245 = arith.minsi %min3A, %max3A_244 : vector<16xi32>
    %add3A_246 = arith.constant 17 : i32
    %add3A_247 = vector.broadcast %add3A_246 : i32 to vector<16xi32>
    %add3A_248 = arith.addi %add3A_247, %min3A_245 : vector<16xi32>
    %gather3A_249 = tpu.vector_load_idx %arg9[%add3A_248] : memref<64xi32, #tpu.memory_space<vmem>>[vector<16xi32>], vector<16xi32>,
    %ge3A = arith.constant 0 : i32
    %ge3A_250 = vector.broadcast %ge3A : i32 to vector<16xi32>
    %ge3A_251 = arith.cmpi sge, %iota3A, %ge3A_250 : vector<16xi32>
    %and3A_252 = vector.broadcast %lt3A_237 : i1 to vector<16xi1>
    %and3A_253 = arith.andi %and3A_252, %ge3A_251 : vector<16xi1>
    %add3A_254 = arith.constant 0 : i32
    %add3A_255 = arith.addi %add3A_254, %reduce_sum3A_182 : i32
    %lt3A_256 = vector.broadcast %add3A_255 : i32 to vector<16xi32>
    %lt3A_257 = arith.cmpi slt, %iota3A, %lt3A_256 : vector<16xi32>
    %and3A_258 = arith.andi %and3A_253, %lt3A_257 : vector<16xi1>
    %select_n3A_259 = arith.select %and3A_258, %gather3A_249, %broadcast_in_dim3A_235 : vector<16xi1>, vector<16xi32>
    %jit3A_260 = arith.constant 0 : i32
    %select_n3A_261 = arith.select %lt3A_237, %reduce_sum3A_182, %jit3A_260 : i32
    %add3A_262 = arith.constant 0 : i32
    %add3A_263 = arith.addi %add3A_262, %select_n3A_261 : i32
    %lt3A_264 = arith.constant 2 : i32
    %lt3A_265 = arith.cmpi slt, %select_n3A_28, %lt3A_264 : i32
    %sub3A_266 = vector.broadcast %add3A_263 : i32 to vector<16xi32>
    %sub3A_267 = arith.subi %iota3A, %sub3A_266 : vector<16xi32>
    %jit3A_268 = arith.constant 0 : i32
    %jit3A_269 = arith.constant 14 : i32
    %max3A_270 = vector.broadcast %jit3A_268 : i32 to vector<16xi32>
    %max3A_271 = arith.maxsi %max3A_270, %sub3A_267 : vector<16xi32>
    %min3A_272 = vector.broadcast %jit3A_269 : i32 to vector<16xi32>
    %min3A_273 = arith.minsi %min3A_272, %max3A_271 : vector<16xi32>
    %add3A_274 = arith.constant 33 : i32
    %add3A_275 = vector.broadcast %add3A_274 : i32 to vector<16xi32>
    %add3A_276 = arith.addi %add3A_275, %min3A_273 : vector<16xi32>
    %gather3A_277 = tpu.vector_load_idx %arg9[%add3A_276] : memref<64xi32, #tpu.memory_space<vmem>>[vector<16xi32>], vector<16xi32>,
    %ge3A_278 = vector.broadcast %add3A_263 : i32 to vector<16xi32>
    %ge3A_279 = arith.cmpi sge, %iota3A, %ge3A_278 : vector<16xi32>
    %and3A_280 = vector.broadcast %lt3A_265 : i1 to vector<16xi1>
    %and3A_281 = arith.andi %and3A_280, %ge3A_279 : vector<16xi1>
    %add3A_282 = arith.addi %add3A_263, %reduce_sum3A_198 : i32
    %lt3A_283 = vector.broadcast %add3A_282 : i32 to vector<16xi32>
    %lt3A_284 = arith.cmpi slt, %iota3A, %lt3A_283 : vector<16xi32>
    %and3A_285 = arith.andi %and3A_281, %lt3A_284 : vector<16xi1>
    %select_n3A_286 = arith.select %and3A_285, %gather3A_277, %select_n3A_259 : vector<16xi1>, vector<16xi32>
    %jit3A_287 = arith.constant 0 : i32
    %select_n3A_288 = arith.select %lt3A_265, %reduce_sum3A_198, %jit3A_287 : i32
    %add3A_289 = arith.addi %add3A_263, %select_n3A_288 : i32
    %lt3A_290 = arith.constant 3 : i32
    %lt3A_291 = arith.cmpi slt, %select_n3A_28, %lt3A_290 : i32
    %sub3A_292 = vector.broadcast %add3A_289 : i32 to vector<16xi32>
    %sub3A_293 = arith.subi %iota3A, %sub3A_292 : vector<16xi32>
    %jit3A_294 = arith.constant 0 : i32
    %jit3A_295 = arith.constant 14 : i32
    %max3A_296 = vector.broadcast %jit3A_294 : i32 to vector<16xi32>
    %max3A_297 = arith.maxsi %max3A_296, %sub3A_293 : vector<16xi32>
    %min3A_298 = vector.broadcast %jit3A_295 : i32 to vector<16xi32>
    %min3A_299 = arith.minsi %min3A_298, %max3A_297 : vector<16xi32>
    %add3A_300 = arith.constant 49 : i32
    %add3A_301 = vector.broadcast %add3A_300 : i32 to vector<16xi32>
    %add3A_302 = arith.addi %add3A_301, %min3A_299 : vector<16xi32>
    %gather3A_303 = tpu.vector_load_idx %arg9[%add3A_302] : memref<64xi32, #tpu.memory_space<vmem>>[vector<16xi32>], vector<16xi32>,
    %ge3A_304 = vector.broadcast %add3A_289 : i32 to vector<16xi32>
    %ge3A_305 = arith.cmpi sge, %iota3A, %ge3A_304 : vector<16xi32>
    %and3A_306 = vector.broadcast %lt3A_291 : i1 to vector<16xi1>
    %and3A_307 = arith.andi %and3A_306, %ge3A_305 : vector<16xi1>
    %add3A_308 = arith.addi %add3A_289, %reduce_sum3A_214 : i32
    %lt3A_309 = vector.broadcast %add3A_308 : i32 to vector<16xi32>
    %lt3A_310 = arith.cmpi slt, %iota3A, %lt3A_309 : vector<16xi32>
    %and3A_311 = arith.andi %and3A_307, %lt3A_310 : vector<16xi1>
    %select_n3A_312 = arith.select %and3A_311, %gather3A_303, %select_n3A_286 : vector<16xi1>, vector<16xi32>
    %jit3A_313 = arith.constant 0 : i32
    %select_n3A_314 = arith.select %lt3A_291, %reduce_sum3A_214, %jit3A_313 : i32
    %add3A_315 = arith.addi %add3A_289, %select_n3A_314 : i32
    %swap3A_316 = arith.constant 0 : index
    %swap3A_317 = tpu.vector_load %arg10[%swap3A_316] {strides = array<i32>} : memref<16xi32, #tpu.memory_space<vmem>>, vector<16xi32>,
    tpu.vector_store %arg10[%swap3A_316], %select_n3A_312 {strides = array<i32>} : memref<16xi32, #tpu.memory_space<vmem>>, vector<16xi32>,
    %add3A_318 = arith.constant 15 : i32
    %add3A_319 = arith.addi %add3A_227, %add3A_318 : i32
    %shift_right_arithmetic3A = arith.constant 4 : i32
    %shift_right_arithmetic3A_320 = arith.shrsi %add3A_319, %shift_right_arithmetic3A : i32
    %add3A_321 = arith.addi %add3A_227, %parallel_loop3A_141 : i32
    %add3A_322 = arith.constant 15 : i32
    %add3A_323 = arith.addi %add3A_321, %add3A_322 : i32
    %shift_right_arithmetic3A_324 = arith.constant 4 : i32
    %shift_right_arithmetic3A_325 = arith.shrsi %add3A_323, %shift_right_arithmetic3A_324 : i32
    %sub3A_326 = arith.subi %shift_right_arithmetic3A_325, %shift_right_arithmetic3A_320 : i32
    %mul3A_327 = arith.constant 16 : i32
    %mul3A_328 = arith.muli %shift_right_arithmetic3A_320, %mul3A_327 : i32
    %sub3A_329 = arith.subi %mul3A_328, %add3A_227 : i32
    %parallel_loop3A_330 = arith.constant 0 : i32
    %parallel_loop3A_331 = arith.constant 1 : i32
    scf.for %parallel_loop3A_379 = %parallel_loop3A_330 to %sub3A_326 step %parallel_loop3A_331  : i32 {
      %parallel_loop3A_380 = arith.constant 16 : i32
      %parallel_loop3A_381 = arith.muli %parallel_loop3A_379, %parallel_loop3A_380 : i32
      %parallel_loop3A_382 = arith.addi %sub3A_329, %parallel_loop3A_381 : i32
      %parallel_loop3A_383 = vector.broadcast %parallel_loop3A_382 : i32 to vector<16xi32>
      %parallel_loop3A_384 = arith.addi %parallel_loop3A_383, %iota3A : vector<16xi32>
      %parallel_loop3A_385 = arith.constant 0 : i32
      %parallel_loop3A_386 = arith.constant 50175 : i32
      %parallel_loop3A_387 = vector.broadcast %parallel_loop3A_385 : i32 to vector<16xi32>
      %parallel_loop3A_388 = arith.maxsi %parallel_loop3A_387, %parallel_loop3A_384 : vector<16xi32>
      %parallel_loop3A_389 = vector.broadcast %parallel_loop3A_386 : i32 to vector<16xi32>
      %parallel_loop3A_390 = arith.minsi %parallel_loop3A_389, %parallel_loop3A_388 : vector<16xi32>
      %parallel_loop3A_391 = tpu.vector_load_idx %arg6[%parallel_loop3A_390] : memref<50176xi32, #tpu.memory_space<vmem>>[vector<16xi32>], vector<16xi32>,
      %parallel_loop3A_392 = vector.broadcast %parallel_loop3A_141 : i32 to vector<16xi32>
      %parallel_loop3A_393 = arith.subi %parallel_loop3A_384, %parallel_loop3A_392 : vector<16xi32>
      %parallel_loop3A_394 = arith.constant 0 : i32
      %parallel_loop3A_395 = arith.constant 15 : i32
      %parallel_loop3A_396 = vector.broadcast %parallel_loop3A_394 : i32 to vector<16xi32>
      %parallel_loop3A_397 = arith.maxsi %parallel_loop3A_396, %parallel_loop3A_393 : vector<16xi32>
      %parallel_loop3A_398 = vector.broadcast %parallel_loop3A_395 : i32 to vector<16xi32>
      %parallel_loop3A_399 = arith.minsi %parallel_loop3A_398, %parallel_loop3A_397 : vector<16xi32>
      %parallel_loop3A_400 = tpu.vector_load_idx %arg10[%parallel_loop3A_399] : memref<16xi32, #tpu.memory_space<vmem>>[vector<16xi32>], vector<16xi32>,
      %parallel_loop3A_401 = vector.broadcast %parallel_loop3A_141 : i32 to vector<16xi32>
      %parallel_loop3A_402 = arith.cmpi slt, %parallel_loop3A_384, %parallel_loop3A_401 : vector<16xi32>
      %parallel_loop3A_403 = arith.select %parallel_loop3A_402, %parallel_loop3A_391, %parallel_loop3A_400 : vector<16xi1>, vector<16xi32>
      %parallel_loop3A_404 = arith.index_cast %parallel_loop3A_379 : i32 to index
      %parallel_loop3A_405 = arith.constant 0 : index
      %parallel_loop3A_406 = tpu.vector_load %arg5[%parallel_loop3A_404, %parallel_loop3A_405] {strides = array<i32>} : memref<3584x16xi32, #tpu.memory_space<vmem>>, vector<16xi32>,
      tpu.vector_store %arg5[%parallel_loop3A_404, %parallel_loop3A_405], %parallel_loop3A_403 {strides = array<i32>} : memref<3584x16xi32, #tpu.memory_space<vmem>>, vector<16xi32>,
    } {sc.loop_unroll_factor = 8 : i64, sc.parallel_access}
    %mul3A_332 = arith.constant 3137 : i32
    %mul3A_333 = arith.muli %add3A_30, %mul3A_332 : i32
    %add3A_334 = arith.addi %mul3A_333, %shift_right_arithmetic3A_320 : i32
    %mul3A_335 = arith.constant 3137 : i32
    %mul3A_336 = arith.muli %add3A_30, %mul3A_335 : i32
    %add3A_337 = arith.constant 3136 : i32
    %add3A_338 = arith.addi %mul3A_336, %add3A_337 : i32
    %add3A_339 = arith.constant 512 : i32
    %add3A_340 = arith.addi %sub3A_326, %add3A_339 : i32
    %sub3A_341 = arith.constant 1 : i32
    %sub3A_342 = arith.subi %add3A_340, %sub3A_341 : i32
    %jit3A_343 = arith.constant 512 : i32
    %div3A_344 = arith.divsi %sub3A_342, %jit3A_343 : i32
    %sign3A_345 = arith.constant 0 : i32
    %sign3A_346 = arith.cmpi sgt, %sub3A_342, %sign3A_345 : i32
    %sign3A_347 = arith.extui %sign3A_346 : i1 to i32
    %sign3A_348 = arith.constant 0 : i32
    %sign3A_349 = arith.cmpi slt, %sub3A_342, %sign3A_348 : i32
    %sign3A_350 = arith.extui %sign3A_349 : i1 to i32
    %sign3A_351 = arith.subi %sign3A_347, %sign3A_350 : i32
    %sign3A_352 = arith.constant 0 : i32
    %sign3A_353 = arith.cmpi sgt, %jit3A_343, %sign3A_352 : i32
    %sign3A_354 = arith.extui %sign3A_353 : i1 to i32
    %sign3A_355 = arith.constant 0 : i32
    %sign3A_356 = arith.cmpi slt, %jit3A_343, %sign3A_355 : i32
    %sign3A_357 = arith.extui %sign3A_356 : i1 to i32
    %sign3A_358 = arith.subi %sign3A_354, %sign3A_357 : i32
    %ne3A_359 = arith.cmpi ne, %sign3A_351, %sign3A_358 : i32
    %rem3A_360 = arith.remsi %sub3A_342, %jit3A_343 : i32
    %ne3A_361 = arith.constant 0 : i32
    %ne3A_362 = arith.cmpi ne, %rem3A_360, %ne3A_361 : i32
    %and3A_363 = arith.andi %ne3A_359, %ne3A_362 : i1
    %sub3A_364 = arith.constant 1 : i32
    %sub3A_365 = arith.subi %div3A_344, %sub3A_364 : i32
    %select_n3A_366 = arith.select %and3A_363, %sub3A_365, %div3A_344 : i32
    %while3A_367 = arith.constant 0 : i32
    %while3A_368 = arith.constant 0 : i32
    %while3A_369 = arith.subi %select_n3A_366, %while3A_367 : i32
    %while3A_370 = arith.addi %while3A_367, %while3A_369 : i32
    %while3A_371 = arith.constant 1 : i32
    %while3A_372 = arith.divsi %while3A_369, %while3A_371 : i32
    %while3A_373 = arith.muli %while3A_372, %while3A_371 : i32
    %while3A_374 = arith.addi %while3A_367, %while3A_373 : i32
    %while3A_375 = arith.constant 1 : i32
    %while3A_376 = scf.for %while3A_379 = %while3A_367 to %while3A_374 step %while3A_375 iter_args(%while3A_380 = %while3A_368) -> (i32)  : i32 {
      %mul3A_381 = arith.constant 512 : i32
      %mul3A_382 = arith.muli %while3A_379, %mul3A_381 : i32
      %add3A_383 = vector.broadcast %mul3A_382 : i32 to vector<16xi32>
      %add3A_384 = arith.addi %iota3A, %add3A_383 : vector<16xi32>
      %add3A_385 = arith.constant 0 : i32
      %add3A_386 = vector.broadcast %add3A_385 : i32 to vector<16xi32>
      %add3A_387 = arith.addi %add3A_384, %add3A_386 : vector<16xi32>
      %lt3A_388 = vector.broadcast %sub3A_326 : i32 to vector<16xi32>
      %lt3A_389 = arith.cmpi slt, %add3A_387, %lt3A_388 : vector<16xi32>
      %add3A_390 = vector.broadcast %add3A_334 : i32 to vector<16xi32>
      %add3A_391 = arith.addi %add3A_390, %add3A_387 : vector<16xi32>
      %broadcast_in_dim3A_392 = vector.broadcast %add3A_338 : i32 to vector<16xi32>
      %select_n3A_393 = arith.select %lt3A_389, %add3A_391, %broadcast_in_dim3A_392 : vector<16xi1>, vector<16xi32>
      %swap3A_394 = arith.constant 0 : index
      %swap3A_395 = tpu.vector_load %arg11[%swap3A_394] {strides = array<i32>} : memref<512xi32, #tpu.memory_space<vmem>>, vector<16xi32>,
      tpu.vector_store %arg11[%swap3A_394], %select_n3A_393 {strides = array<i32>} : memref<512xi32, #tpu.memory_space<vmem>>, vector<16xi32>,
      %mul3A_396 = arith.constant 512 : i32
      %mul3A_397 = arith.muli %while3A_379, %mul3A_396 : i32
      %add3A_398 = vector.broadcast %mul3A_397 : i32 to vector<16xi32>
      %add3A_399 = arith.addi %iota3A, %add3A_398 : vector<16xi32>
      %add3A_400 = arith.constant 16 : i32
      %add3A_401 = vector.broadcast %add3A_400 : i32 to vector<16xi32>
      %add3A_402 = arith.addi %add3A_399, %add3A_401 : vector<16xi32>
      %lt3A_403 = vector.broadcast %sub3A_326 : i32 to vector<16xi32>
      %lt3A_404 = arith.cmpi slt, %add3A_402, %lt3A_403 : vector<16xi32>
      %add3A_405 = vector.broadcast %add3A_334 : i32 to vector<16xi32>
      %add3A_406 = arith.addi %add3A_405, %add3A_402 : vector<16xi32>
      %broadcast_in_dim3A_407 = vector.broadcast %add3A_338 : i32 to vector<16xi32>
      %select_n3A_408 = arith.select %lt3A_404, %add3A_406, %broadcast_in_dim3A_407 : vector<16xi1>, vector<16xi32>
      %swap3A_409 = arith.constant 16 : index
      %swap3A_410 = tpu.vector_load %arg11[%swap3A_409] {strides = array<i32>} : memref<512xi32, #tpu.memory_space<vmem>>, vector<16xi32>,
      tpu.vector_store %arg11[%swap3A_409], %select_n3A_408 {strides = array<i32>} : memref<512xi32, #tpu.memory_space<vmem>>, vector<16xi32>,
      %mul3A_411 = arith.constant 512 : i32
      %mul3A_412 = arith.muli %while3A_379, %mul3A_411 : i32
      %add3A_413 = vector.broadcast %mul3A_412 : i32 to vector<16xi32>
      %add3A_414 = arith.addi %iota3A, %add3A_413 : vector<16xi32>
      %add3A_415 = arith.constant 32 : i32
      %add3A_416 = vector.broadcast %add3A_415 : i32 to vector<16xi32>
      %add3A_417 = arith.addi %add3A_414, %add3A_416 : vector<16xi32>
      %lt3A_418 = vector.broadcast %sub3A_326 : i32 to vector<16xi32>
      %lt3A_419 = arith.cmpi slt, %add3A_417, %lt3A_418 : vector<16xi32>
      %add3A_420 = vector.broadcast %add3A_334 : i32 to vector<16xi32>
      %add3A_421 = arith.addi %add3A_420, %add3A_417 : vector<16xi32>
      %broadcast_in_dim3A_422 = vector.broadcast %add3A_338 : i32 to vector<16xi32>
      %select_n3A_423 = arith.select %lt3A_419, %add3A_421, %broadcast_in_dim3A_422 : vector<16xi1>, vector<16xi32>
      %swap3A_424 = arith.constant 32 : index
      %swap3A_425 = tpu.vector_load %arg11[%swap3A_424] {strides = array<i32>} : memref<512xi32, #tpu.memory_space<vmem>>, vector<16xi32>,
      tpu.vector_store %arg11[%swap3A_424], %select_n3A_423 {strides = array<i32>} : memref<512xi32, #tpu.memory_space<vmem>>, vector<16xi32>,
      %mul3A_426 = arith.constant 512 : i32
      %mul3A_427 = arith.muli %while3A_379, %mul3A_426 : i32
      %add3A_428 = vector.broadcast %mul3A_427 : i32 to vector<16xi32>
      %add3A_429 = arith.addi %iota3A, %add3A_428 : vector<16xi32>
      %add3A_430 = arith.constant 48 : i32
      %add3A_431 = vector.broadcast %add3A_430 : i32 to vector<16xi32>
      %add3A_432 = arith.addi %add3A_429, %add3A_431 : vector<16xi32>
      %lt3A_433 = vector.broadcast %sub3A_326 : i32 to vector<16xi32>
      %lt3A_434 = arith.cmpi slt, %add3A_432, %lt3A_433 : vector<16xi32>
      %add3A_435 = vector.broadcast %add3A_334 : i32 to vector<16xi32>
      %add3A_436 = arith.addi %add3A_435, %add3A_432 : vector<16xi32>
      %broadcast_in_dim3A_437 = vector.broadcast %add3A_338 : i32 to vector<16xi32>
      %select_n3A_438 = arith.select %lt3A_434, %add3A_436, %broadcast_in_dim3A_437 : vector<16xi1>, vector<16xi32>
      %swap3A_439 = arith.constant 48 : index
      %swap3A_440 = tpu.vector_load %arg11[%swap3A_439] {strides = array<i32>} : memref<512xi32, #tpu.memory_space<vmem>>, vector<16xi32>,
      tpu.vector_store %arg11[%swap3A_439], %select_n3A_438 {strides = array<i32>} : memref<512xi32, #tpu.memory_space<vmem>>, vector<16xi32>,
      %mul3A_441 = arith.constant 512 : i32
      %mul3A_442 = arith.muli %while3A_379, %mul3A_441 : i32
      %add3A_443 = vector.broadcast %mul3A_442 : i32 to vector<16xi32>
      %add3A_444 = arith.addi %iota3A, %add3A_443 : vector<16xi32>
      %add3A_445 = arith.constant 64 : i32
      %add3A_446 = vector.broadcast %add3A_445 : i32 to vector<16xi32>
      %add3A_447 = arith.addi %add3A_444, %add3A_446 : vector<16xi32>
      %lt3A_448 = vector.broadcast %sub3A_326 : i32 to vector<16xi32>
      %lt3A_449 = arith.cmpi slt, %add3A_447, %lt3A_448 : vector<16xi32>
      %add3A_450 = vector.broadcast %add3A_334 : i32 to vector<16xi32>
      %add3A_451 = arith.addi %add3A_450, %add3A_447 : vector<16xi32>
      %broadcast_in_dim3A_452 = vector.broadcast %add3A_338 : i32 to vector<16xi32>
      %select_n3A_453 = arith.select %lt3A_449, %add3A_451, %broadcast_in_dim3A_452 : vector<16xi1>, vector<16xi32>
      %swap3A_454 = arith.constant 64 : index
      %swap3A_455 = tpu.vector_load %arg11[%swap3A_454] {strides = array<i32>} : memref<512xi32, #tpu.memory_space<vmem>>, vector<16xi32>,
      tpu.vector_store %arg11[%swap3A_454], %select_n3A_453 {strides = array<i32>} : memref<512xi32, #tpu.memory_space<vmem>>, vector<16xi32>,
      %mul3A_456 = arith.constant 512 : i32
      %mul3A_457 = arith.muli %while3A_379, %mul3A_456 : i32
      %add3A_458 = vector.broadcast %mul3A_457 : i32 to vector<16xi32>
      %add3A_459 = arith.addi %iota3A, %add3A_458 : vector<16xi32>
      %add3A_460 = arith.constant 80 : i32
      %add3A_461 = vector.broadcast %add3A_460 : i32 to vector<16xi32>
      %add3A_462 = arith.addi %add3A_459, %add3A_461 : vector<16xi32>
      %lt3A_463 = vector.broadcast %sub3A_326 : i32 to vector<16xi32>
      %lt3A_464 = arith.cmpi slt, %add3A_462, %lt3A_463 : vector<16xi32>
      %add3A_465 = vector.broadcast %add3A_334 : i32 to vector<16xi32>
      %add3A_466 = arith.addi %add3A_465, %add3A_462 : vector<16xi32>
      %broadcast_in_dim3A_467 = vector.broadcast %add3A_338 : i32 to vector<16xi32>
      %select_n3A_468 = arith.select %lt3A_464, %add3A_466, %broadcast_in_dim3A_467 : vector<16xi1>, vector<16xi32>
      %swap3A_469 = arith.constant 80 : index
      %swap3A_470 = tpu.vector_load %arg11[%swap3A_469] {strides = array<i32>} : memref<512xi32, #tpu.memory_space<vmem>>, vector<16xi32>,
      tpu.vector_store %arg11[%swap3A_469], %select_n3A_468 {strides = array<i32>} : memref<512xi32, #tpu.memory_space<vmem>>, vector<16xi32>,
      %mul3A_471 = arith.constant 512 : i32
      %mul3A_472 = arith.muli %while3A_379, %mul3A_471 : i32
      %add3A_473 = vector.broadcast %mul3A_472 : i32 to vector<16xi32>
      %add3A_474 = arith.addi %iota3A, %add3A_473 : vector<16xi32>
      %add3A_475 = arith.constant 96 : i32
      %add3A_476 = vector.broadcast %add3A_475 : i32 to vector<16xi32>
      %add3A_477 = arith.addi %add3A_474, %add3A_476 : vector<16xi32>
      %lt3A_478 = vector.broadcast %sub3A_326 : i32 to vector<16xi32>
      %lt3A_479 = arith.cmpi slt, %add3A_477, %lt3A_478 : vector<16xi32>
      %add3A_480 = vector.broadcast %add3A_334 : i32 to vector<16xi32>
      %add3A_481 = arith.addi %add3A_480, %add3A_477 : vector<16xi32>
      %broadcast_in_dim3A_482 = vector.broadcast %add3A_338 : i32 to vector<16xi32>
      %select_n3A_483 = arith.select %lt3A_479, %add3A_481, %broadcast_in_dim3A_482 : vector<16xi1>, vector<16xi32>
      %swap3A_484 = arith.constant 96 : index
      %swap3A_485 = tpu.vector_load %arg11[%swap3A_484] {strides = array<i32>} : memref<512xi32, #tpu.memory_space<vmem>>, vector<16xi32>,
      tpu.vector_store %arg11[%swap3A_484], %select_n3A_483 {strides = array<i32>} : memref<512xi32, #tpu.memory_space<vmem>>, vector<16xi32>,
      %mul3A_486 = arith.constant 512 : i32
      %mul3A_487 = arith.muli %while3A_379, %mul3A_486 : i32
      %add3A_488 = vector.broadcast %mul3A_487 : i32 to vector<16xi32>
      %add3A_489 = arith.addi %iota3A, %add3A_488 : vector<16xi32>
      %add3A_490 = arith.constant 112 : i32
      %add3A_491 = vector.broadcast %add3A_490 : i32 to vector<16xi32>
      %add3A_492 = arith.addi %add3A_489, %add3A_491 : vector<16xi32>
      %lt3A_493 = vector.broadcast %sub3A_326 : i32 to vector<16xi32>
      %lt3A_494 = arith.cmpi slt, %add3A_492, %lt3A_493 : vector<16xi32>
      %add3A_495 = vector.broadcast %add3A_334 : i32 to vector<16xi32>
      %add3A_496 = arith.addi %add3A_495, %add3A_492 : vector<16xi32>
      %broadcast_in_dim3A_497 = vector.broadcast %add3A_338 : i32 to vector<16xi32>
      %select_n3A_498 = arith.select %lt3A_494, %add3A_496, %broadcast_in_dim3A_497 : vector<16xi1>, vector<16xi32>
      %swap3A_499 = arith.constant 112 : index
      %swap3A_500 = tpu.vector_load %arg11[%swap3A_499] {strides = array<i32>} : memref<512xi32, #tpu.memory_space<vmem>>, vector<16xi32>,
      tpu.vector_store %arg11[%swap3A_499], %select_n3A_498 {strides = array<i32>} : memref<512xi32, #tpu.memory_space<vmem>>, vector<16xi32>,
      %mul3A_501 = arith.constant 512 : i32
      %mul3A_502 = arith.muli %while3A_379, %mul3A_501 : i32
      %add3A_503 = vector.broadcast %mul3A_502 : i32 to vector<16xi32>
      %add3A_504 = arith.addi %iota3A, %add3A_503 : vector<16xi32>
      %add3A_505 = arith.constant 128 : i32
      %add3A_506 = vector.broadcast %add3A_505 : i32 to vector<16xi32>
      %add3A_507 = arith.addi %add3A_504, %add3A_506 : vector<16xi32>
      %lt3A_508 = vector.broadcast %sub3A_326 : i32 to vector<16xi32>
      %lt3A_509 = arith.cmpi slt, %add3A_507, %lt3A_508 : vector<16xi32>
      %add3A_510 = vector.broadcast %add3A_334 : i32 to vector<16xi32>
      %add3A_511 = arith.addi %add3A_510, %add3A_507 : vector<16xi32>
      %broadcast_in_dim3A_512 = vector.broadcast %add3A_338 : i32 to vector<16xi32>
      %select_n3A_513 = arith.select %lt3A_509, %add3A_511, %broadcast_in_dim3A_512 : vector<16xi1>, vector<16xi32>
      %swap3A_514 = arith.constant 128 : index
      %swap3A_515 = tpu.vector_load %arg11[%swap3A_514] {strides = array<i32>} : memref<512xi32, #tpu.memory_space<vmem>>, vector<16xi32>,
      tpu.vector_store %arg11[%swap3A_514], %select_n3A_513 {strides = array<i32>} : memref<512xi32, #tpu.memory_space<vmem>>, vector<16xi32>,
      %mul3A_516 = arith.constant 512 : i32
      %mul3A_517 = arith.muli %while3A_379, %mul3A_516 : i32
      %add3A_518 = vector.broadcast %mul3A_517 : i32 to vector<16xi32>
      %add3A_519 = arith.addi %iota3A, %add3A_518 : vector<16xi32>
      %add3A_520 = arith.constant 144 : i32
      %add3A_521 = vector.broadcast %add3A_520 : i32 to vector<16xi32>
      %add3A_522 = arith.addi %add3A_519, %add3A_521 : vector<16xi32>
      %lt3A_523 = vector.broadcast %sub3A_326 : i32 to vector<16xi32>
      %lt3A_524 = arith.cmpi slt, %add3A_522, %lt3A_523 : vector<16xi32>
      %add3A_525 = vector.broadcast %add3A_334 : i32 to vector<16xi32>
      %add3A_526 = arith.addi %add3A_525, %add3A_522 : vector<16xi32>
      %broadcast_in_dim3A_527 = vector.broadcast %add3A_338 : i32 to vector<16xi32>
      %select_n3A_528 = arith.select %lt3A_524, %add3A_526, %broadcast_in_dim3A_527 : vector<16xi1>, vector<16xi32>
      %swap3A_529 = arith.constant 144 : index
      %swap3A_530 = tpu.vector_load %arg11[%swap3A_529] {strides = array<i32>} : memref<512xi32, #tpu.memory_space<vmem>>, vector<16xi32>,
      tpu.vector_store %arg11[%swap3A_529], %select_n3A_528 {strides = array<i32>} : memref<512xi32, #tpu.memory_space<vmem>>, vector<16xi32>,
      %mul3A_531 = arith.constant 512 : i32
      %mul3A_532 = arith.muli %while3A_379, %mul3A_531 : i32
      %add3A_533 = vector.broadcast %mul3A_532 : i32 to vector<16xi32>
      %add3A_534 = arith.addi %iota3A, %add3A_533 : vector<16xi32>
      %add3A_535 = arith.constant 160 : i32
      %add3A_536 = vector.broadcast %add3A_535 : i32 to vector<16xi32>
      %add3A_537 = arith.addi %add3A_534, %add3A_536 : vector<16xi32>
      %lt3A_538 = vector.broadcast %sub3A_326 : i32 to vector<16xi32>
      %lt3A_539 = arith.cmpi slt, %add3A_537, %lt3A_538 : vector<16xi32>
      %add3A_540 = vector.broadcast %add3A_334 : i32 to vector<16xi32>
      %add3A_541 = arith.addi %add3A_540, %add3A_537 : vector<16xi32>
      %broadcast_in_dim3A_542 = vector.broadcast %add3A_338 : i32 to vector<16xi32>
      %select_n3A_543 = arith.select %lt3A_539, %add3A_541, %broadcast_in_dim3A_542 : vector<16xi1>, vector<16xi32>
      %swap3A_544 = arith.constant 160 : index
      %swap3A_545 = tpu.vector_load %arg11[%swap3A_544] {strides = array<i32>} : memref<512xi32, #tpu.memory_space<vmem>>, vector<16xi32>,
      tpu.vector_store %arg11[%swap3A_544], %select_n3A_543 {strides = array<i32>} : memref<512xi32, #tpu.memory_space<vmem>>, vector<16xi32>,
      %mul3A_546 = arith.constant 512 : i32
      %mul3A_547 = arith.muli %while3A_379, %mul3A_546 : i32
      %add3A_548 = vector.broadcast %mul3A_547 : i32 to vector<16xi32>
      %add3A_549 = arith.addi %iota3A, %add3A_548 : vector<16xi32>
      %add3A_550 = arith.constant 176 : i32
      %add3A_551 = vector.broadcast %add3A_550 : i32 to vector<16xi32>
      %add3A_552 = arith.addi %add3A_549, %add3A_551 : vector<16xi32>
      %lt3A_553 = vector.broadcast %sub3A_326 : i32 to vector<16xi32>
      %lt3A_554 = arith.cmpi slt, %add3A_552, %lt3A_553 : vector<16xi32>
      %add3A_555 = vector.broadcast %add3A_334 : i32 to vector<16xi32>
      %add3A_556 = arith.addi %add3A_555, %add3A_552 : vector<16xi32>
      %broadcast_in_dim3A_557 = vector.broadcast %add3A_338 : i32 to vector<16xi32>
      %select_n3A_558 = arith.select %lt3A_554, %add3A_556, %broadcast_in_dim3A_557 : vector<16xi1>, vector<16xi32>
      %swap3A_559 = arith.constant 176 : index
      %swap3A_560 = tpu.vector_load %arg11[%swap3A_559] {strides = array<i32>} : memref<512xi32, #tpu.memory_space<vmem>>, vector<16xi32>,
      tpu.vector_store %arg11[%swap3A_559], %select_n3A_558 {strides = array<i32>} : memref<512xi32, #tpu.memory_space<vmem>>, vector<16xi32>,
      %mul3A_561 = arith.constant 512 : i32
      %mul3A_562 = arith.muli %while3A_379, %mul3A_561 : i32
      %add3A_563 = vector.broadcast %mul3A_562 : i32 to vector<16xi32>
      %add3A_564 = arith.addi %iota3A, %add3A_563 : vector<16xi32>
      %add3A_565 = arith.constant 192 : i32
      %add3A_566 = vector.broadcast %add3A_565 : i32 to vector<16xi32>
      %add3A_567 = arith.addi %add3A_564, %add3A_566 : vector<16xi32>
      %lt3A_568 = vector.broadcast %sub3A_326 : i32 to vector<16xi32>
      %lt3A_569 = arith.cmpi slt, %add3A_567, %lt3A_568 : vector<16xi32>
      %add3A_570 = vector.broadcast %add3A_334 : i32 to vector<16xi32>
      %add3A_571 = arith.addi %add3A_570, %add3A_567 : vector<16xi32>
      %broadcast_in_dim3A_572 = vector.broadcast %add3A_338 : i32 to vector<16xi32>
      %select_n3A_573 = arith.select %lt3A_569, %add3A_571, %broadcast_in_dim3A_572 : vector<16xi1>, vector<16xi32>
      %swap3A_574 = arith.constant 192 : index
      %swap3A_575 = tpu.vector_load %arg11[%swap3A_574] {strides = array<i32>} : memref<512xi32, #tpu.memory_space<vmem>>, vector<16xi32>,
      tpu.vector_store %arg11[%swap3A_574], %select_n3A_573 {strides = array<i32>} : memref<512xi32, #tpu.memory_space<vmem>>, vector<16xi32>,
      %mul3A_576 = arith.constant 512 : i32
      %mul3A_577 = arith.muli %while3A_379, %mul3A_576 : i32
      %add3A_578 = vector.broadcast %mul3A_577 : i32 to vector<16xi32>
      %add3A_579 = arith.addi %iota3A, %add3A_578 : vector<16xi32>
      %add3A_580 = arith.constant 208 : i32
      %add3A_581 = vector.broadcast %add3A_580 : i32 to vector<16xi32>
      %add3A_582 = arith.addi %add3A_579, %add3A_581 : vector<16xi32>
      %lt3A_583 = vector.broadcast %sub3A_326 : i32 to vector<16xi32>
      %lt3A_584 = arith.cmpi slt, %add3A_582, %lt3A_583 : vector<16xi32>
      %add3A_585 = vector.broadcast %add3A_334 : i32 to vector<16xi32>
      %add3A_586 = arith.addi %add3A_585, %add3A_582 : vector<16xi32>
      %broadcast_in_dim3A_587 = vector.broadcast %add3A_338 : i32 to vector<16xi32>
      %select_n3A_588 = arith.select %lt3A_584, %add3A_586, %broadcast_in_dim3A_587 : vector<16xi1>, vector<16xi32>
      %swap3A_589 = arith.constant 208 : index
      %swap3A_590 = tpu.vector_load %arg11[%swap3A_589] {strides = array<i32>} : memref<512xi32, #tpu.memory_space<vmem>>, vector<16xi32>,
      tpu.vector_store %arg11[%swap3A_589], %select_n3A_588 {strides = array<i32>} : memref<512xi32, #tpu.memory_space<vmem>>, vector<16xi32>,
      %mul3A_591 = arith.constant 512 : i32
      %mul3A_592 = arith.muli %while3A_379, %mul3A_591 : i32
      %add3A_593 = vector.broadcast %mul3A_592 : i32 to vector<16xi32>
      %add3A_594 = arith.addi %iota3A, %add3A_593 : vector<16xi32>
      %add3A_595 = arith.constant 224 : i32
      %add3A_596 = vector.broadcast %add3A_595 : i32 to vector<16xi32>
      %add3A_597 = arith.addi %add3A_594, %add3A_596 : vector<16xi32>
      %lt3A_598 = vector.broadcast %sub3A_326 : i32 to vector<16xi32>
      %lt3A_599 = arith.cmpi slt, %add3A_597, %lt3A_598 : vector<16xi32>
      %add3A_600 = vector.broadcast %add3A_334 : i32 to vector<16xi32>
      %add3A_601 = arith.addi %add3A_600, %add3A_597 : vector<16xi32>
      %broadcast_in_dim3A_602 = vector.broadcast %add3A_338 : i32 to vector<16xi32>
      %select_n3A_603 = arith.select %lt3A_599, %add3A_601, %broadcast_in_dim3A_602 : vector<16xi1>, vector<16xi32>
      %swap3A_604 = arith.constant 224 : index
      %swap3A_605 = tpu.vector_load %arg11[%swap3A_604] {strides = array<i32>} : memref<512xi32, #tpu.memory_space<vmem>>, vector<16xi32>,
      tpu.vector_store %arg11[%swap3A_604], %select_n3A_603 {strides = array<i32>} : memref<512xi32, #tpu.memory_space<vmem>>, vector<16xi32>,
      %mul3A_606 = arith.constant 512 : i32
      %mul3A_607 = arith.muli %while3A_379, %mul3A_606 : i32
      %add3A_608 = vector.broadcast %mul3A_607 : i32 to vector<16xi32>
      %add3A_609 = arith.addi %iota3A, %add3A_608 : vector<16xi32>
      %add3A_610 = arith.constant 240 : i32
      %add3A_611 = vector.broadcast %add3A_610 : i32 to vector<16xi32>
      %add3A_612 = arith.addi %add3A_609, %add3A_611 : vector<16xi32>
      %lt3A_613 = vector.broadcast %sub3A_326 : i32 to vector<16xi32>
      %lt3A_614 = arith.cmpi slt, %add3A_612, %lt3A_613 : vector<16xi32>
      %add3A_615 = vector.broadcast %add3A_334 : i32 to vector<16xi32>
      %add3A_616 = arith.addi %add3A_615, %add3A_612 : vector<16xi32>
      %broadcast_in_dim3A_617 = vector.broadcast %add3A_338 : i32 to vector<16xi32>
      %select_n3A_618 = arith.select %lt3A_614, %add3A_616, %broadcast_in_dim3A_617 : vector<16xi1>, vector<16xi32>
      %swap3A_619 = arith.constant 240 : index
      %swap3A_620 = tpu.vector_load %arg11[%swap3A_619] {strides = array<i32>} : memref<512xi32, #tpu.memory_space<vmem>>, vector<16xi32>,
      tpu.vector_store %arg11[%swap3A_619], %select_n3A_618 {strides = array<i32>} : memref<512xi32, #tpu.memory_space<vmem>>, vector<16xi32>,
      %mul3A_621 = arith.constant 512 : i32
      %mul3A_622 = arith.muli %while3A_379, %mul3A_621 : i32
      %add3A_623 = vector.broadcast %mul3A_622 : i32 to vector<16xi32>
      %add3A_624 = arith.addi %iota3A, %add3A_623 : vector<16xi32>
      %add3A_625 = arith.constant 256 : i32
      %add3A_626 = vector.broadcast %add3A_625 : i32 to vector<16xi32>
      %add3A_627 = arith.addi %add3A_624, %add3A_626 : vector<16xi32>
      %lt3A_628 = vector.broadcast %sub3A_326 : i32 to vector<16xi32>
      %lt3A_629 = arith.cmpi slt, %add3A_627, %lt3A_628 : vector<16xi32>
      %add3A_630 = vector.broadcast %add3A_334 : i32 to vector<16xi32>
      %add3A_631 = arith.addi %add3A_630, %add3A_627 : vector<16xi32>
      %broadcast_in_dim3A_632 = vector.broadcast %add3A_338 : i32 to vector<16xi32>
      %select_n3A_633 = arith.select %lt3A_629, %add3A_631, %broadcast_in_dim3A_632 : vector<16xi1>, vector<16xi32>
      %swap3A_634 = arith.constant 256 : index
      %swap3A_635 = tpu.vector_load %arg11[%swap3A_634] {strides = array<i32>} : memref<512xi32, #tpu.memory_space<vmem>>, vector<16xi32>,
      tpu.vector_store %arg11[%swap3A_634], %select_n3A_633 {strides = array<i32>} : memref<512xi32, #tpu.memory_space<vmem>>, vector<16xi32>,
      %mul3A_636 = arith.constant 512 : i32
      %mul3A_637 = arith.muli %while3A_379, %mul3A_636 : i32
      %add3A_638 = vector.broadcast %mul3A_637 : i32 to vector<16xi32>
      %add3A_639 = arith.addi %iota3A, %add3A_638 : vector<16xi32>
      %add3A_640 = arith.constant 272 : i32
      %add3A_641 = vector.broadcast %add3A_640 : i32 to vector<16xi32>
      %add3A_642 = arith.addi %add3A_639, %add3A_641 : vector<16xi32>
      %lt3A_643 = vector.broadcast %sub3A_326 : i32 to vector<16xi32>
      %lt3A_644 = arith.cmpi slt, %add3A_642, %lt3A_643 : vector<16xi32>
      %add3A_645 = vector.broadcast %add3A_334 : i32 to vector<16xi32>
      %add3A_646 = arith.addi %add3A_645, %add3A_642 : vector<16xi32>
      %broadcast_in_dim3A_647 = vector.broadcast %add3A_338 : i32 to vector<16xi32>
      %select_n3A_648 = arith.select %lt3A_644, %add3A_646, %broadcast_in_dim3A_647 : vector<16xi1>, vector<16xi32>
      %swap3A_649 = arith.constant 272 : index
      %swap3A_650 = tpu.vector_load %arg11[%swap3A_649] {strides = array<i32>} : memref<512xi32, #tpu.memory_space<vmem>>, vector<16xi32>,
      tpu.vector_store %arg11[%swap3A_649], %select_n3A_648 {strides = array<i32>} : memref<512xi32, #tpu.memory_space<vmem>>, vector<16xi32>,
      %mul3A_651 = arith.constant 512 : i32
      %mul3A_652 = arith.muli %while3A_379, %mul3A_651 : i32
      %add3A_653 = vector.broadcast %mul3A_652 : i32 to vector<16xi32>
      %add3A_654 = arith.addi %iota3A, %add3A_653 : vector<16xi32>
      %add3A_655 = arith.constant 288 : i32
      %add3A_656 = vector.broadcast %add3A_655 : i32 to vector<16xi32>
      %add3A_657 = arith.addi %add3A_654, %add3A_656 : vector<16xi32>
      %lt3A_658 = vector.broadcast %sub3A_326 : i32 to vector<16xi32>
      %lt3A_659 = arith.cmpi slt, %add3A_657, %lt3A_658 : vector<16xi32>
      %add3A_660 = vector.broadcast %add3A_334 : i32 to vector<16xi32>
      %add3A_661 = arith.addi %add3A_660, %add3A_657 : vector<16xi32>
      %broadcast_in_dim3A_662 = vector.broadcast %add3A_338 : i32 to vector<16xi32>
      %select_n3A_663 = arith.select %lt3A_659, %add3A_661, %broadcast_in_dim3A_662 : vector<16xi1>, vector<16xi32>
      %swap3A_664 = arith.constant 288 : index
      %swap3A_665 = tpu.vector_load %arg11[%swap3A_664] {strides = array<i32>} : memref<512xi32, #tpu.memory_space<vmem>>, vector<16xi32>,
      tpu.vector_store %arg11[%swap3A_664], %select_n3A_663 {strides = array<i32>} : memref<512xi32, #tpu.memory_space<vmem>>, vector<16xi32>,
      %mul3A_666 = arith.constant 512 : i32
      %mul3A_667 = arith.muli %while3A_379, %mul3A_666 : i32
      %add3A_668 = vector.broadcast %mul3A_667 : i32 to vector<16xi32>
      %add3A_669 = arith.addi %iota3A, %add3A_668 : vector<16xi32>
      %add3A_670 = arith.constant 304 : i32
      %add3A_671 = vector.broadcast %add3A_670 : i32 to vector<16xi32>
      %add3A_672 = arith.addi %add3A_669, %add3A_671 : vector<16xi32>
      %lt3A_673 = vector.broadcast %sub3A_326 : i32 to vector<16xi32>
      %lt3A_674 = arith.cmpi slt, %add3A_672, %lt3A_673 : vector<16xi32>
      %add3A_675 = vector.broadcast %add3A_334 : i32 to vector<16xi32>
      %add3A_676 = arith.addi %add3A_675, %add3A_672 : vector<16xi32>
      %broadcast_in_dim3A_677 = vector.broadcast %add3A_338 : i32 to vector<16xi32>
      %select_n3A_678 = arith.select %lt3A_674, %add3A_676, %broadcast_in_dim3A_677 : vector<16xi1>, vector<16xi32>
      %swap3A_679 = arith.constant 304 : index
      %swap3A_680 = tpu.vector_load %arg11[%swap3A_679] {strides = array<i32>} : memref<512xi32, #tpu.memory_space<vmem>>, vector<16xi32>,
      tpu.vector_store %arg11[%swap3A_679], %select_n3A_678 {strides = array<i32>} : memref<512xi32, #tpu.memory_space<vmem>>, vector<16xi32>,
      %mul3A_681 = arith.constant 512 : i32
      %mul3A_682 = arith.muli %while3A_379, %mul3A_681 : i32
      %add3A_683 = vector.broadcast %mul3A_682 : i32 to vector<16xi32>
      %add3A_684 = arith.addi %iota3A, %add3A_683 : vector<16xi32>
      %add3A_685 = arith.constant 320 : i32
      %add3A_686 = vector.broadcast %add3A_685 : i32 to vector<16xi32>
      %add3A_687 = arith.addi %add3A_684, %add3A_686 : vector<16xi32>
      %lt3A_688 = vector.broadcast %sub3A_326 : i32 to vector<16xi32>
      %lt3A_689 = arith.cmpi slt, %add3A_687, %lt3A_688 : vector<16xi32>
      %add3A_690 = vector.broadcast %add3A_334 : i32 to vector<16xi32>
      %add3A_691 = arith.addi %add3A_690, %add3A_687 : vector<16xi32>
      %broadcast_in_dim3A_692 = vector.broadcast %add3A_338 : i32 to vector<16xi32>
      %select_n3A_693 = arith.select %lt3A_689, %add3A_691, %broadcast_in_dim3A_692 : vector<16xi1>, vector<16xi32>
      %swap3A_694 = arith.constant 320 : index
      %swap3A_695 = tpu.vector_load %arg11[%swap3A_694] {strides = array<i32>} : memref<512xi32, #tpu.memory_space<vmem>>, vector<16xi32>,
      tpu.vector_store %arg11[%swap3A_694], %select_n3A_693 {strides = array<i32>} : memref<512xi32, #tpu.memory_space<vmem>>, vector<16xi32>,
      %mul3A_696 = arith.constant 512 : i32
      %mul3A_697 = arith.muli %while3A_379, %mul3A_696 : i32
      %add3A_698 = vector.broadcast %mul3A_697 : i32 to vector<16xi32>
      %add3A_699 = arith.addi %iota3A, %add3A_698 : vector<16xi32>
      %add3A_700 = arith.constant 336 : i32
      %add3A_701 = vector.broadcast %add3A_700 : i32 to vector<16xi32>
      %add3A_702 = arith.addi %add3A_699, %add3A_701 : vector<16xi32>
      %lt3A_703 = vector.broadcast %sub3A_326 : i32 to vector<16xi32>
      %lt3A_704 = arith.cmpi slt, %add3A_702, %lt3A_703 : vector<16xi32>
      %add3A_705 = vector.broadcast %add3A_334 : i32 to vector<16xi32>
      %add3A_706 = arith.addi %add3A_705, %add3A_702 : vector<16xi32>
      %broadcast_in_dim3A_707 = vector.broadcast %add3A_338 : i32 to vector<16xi32>
      %select_n3A_708 = arith.select %lt3A_704, %add3A_706, %broadcast_in_dim3A_707 : vector<16xi1>, vector<16xi32>
      %swap3A_709 = arith.constant 336 : index
      %swap3A_710 = tpu.vector_load %arg11[%swap3A_709] {strides = array<i32>} : memref<512xi32, #tpu.memory_space<vmem>>, vector<16xi32>,
      tpu.vector_store %arg11[%swap3A_709], %select_n3A_708 {strides = array<i32>} : memref<512xi32, #tpu.memory_space<vmem>>, vector<16xi32>,
      %mul3A_711 = arith.constant 512 : i32
      %mul3A_712 = arith.muli %while3A_379, %mul3A_711 : i32
      %add3A_713 = vector.broadcast %mul3A_712 : i32 to vector<16xi32>
      %add3A_714 = arith.addi %iota3A, %add3A_713 : vector<16xi32>
      %add3A_715 = arith.constant 352 : i32
      %add3A_716 = vector.broadcast %add3A_715 : i32 to vector<16xi32>
      %add3A_717 = arith.addi %add3A_714, %add3A_716 : vector<16xi32>
      %lt3A_718 = vector.broadcast %sub3A_326 : i32 to vector<16xi32>
      %lt3A_719 = arith.cmpi slt, %add3A_717, %lt3A_718 : vector<16xi32>
      %add3A_720 = vector.broadcast %add3A_334 : i32 to vector<16xi32>
      %add3A_721 = arith.addi %add3A_720, %add3A_717 : vector<16xi32>
      %broadcast_in_dim3A_722 = vector.broadcast %add3A_338 : i32 to vector<16xi32>
      %select_n3A_723 = arith.select %lt3A_719, %add3A_721, %broadcast_in_dim3A_722 : vector<16xi1>, vector<16xi32>
      %swap3A_724 = arith.constant 352 : index
      %swap3A_725 = tpu.vector_load %arg11[%swap3A_724] {strides = array<i32>} : memref<512xi32, #tpu.memory_space<vmem>>, vector<16xi32>,
      tpu.vector_store %arg11[%swap3A_724], %select_n3A_723 {strides = array<i32>} : memref<512xi32, #tpu.memory_space<vmem>>, vector<16xi32>,
      %mul3A_726 = arith.constant 512 : i32
      %mul3A_727 = arith.muli %while3A_379, %mul3A_726 : i32
      %add3A_728 = vector.broadcast %mul3A_727 : i32 to vector<16xi32>
      %add3A_729 = arith.addi %iota3A, %add3A_728 : vector<16xi32>
      %add3A_730 = arith.constant 368 : i32
      %add3A_731 = vector.broadcast %add3A_730 : i32 to vector<16xi32>
      %add3A_732 = arith.addi %add3A_729, %add3A_731 : vector<16xi32>
      %lt3A_733 = vector.broadcast %sub3A_326 : i32 to vector<16xi32>
      %lt3A_734 = arith.cmpi slt, %add3A_732, %lt3A_733 : vector<16xi32>
      %add3A_735 = vector.broadcast %add3A_334 : i32 to vector<16xi32>
      %add3A_736 = arith.addi %add3A_735, %add3A_732 : vector<16xi32>
      %broadcast_in_dim3A_737 = vector.broadcast %add3A_338 : i32 to vector<16xi32>
      %select_n3A_738 = arith.select %lt3A_734, %add3A_736, %broadcast_in_dim3A_737 : vector<16xi1>, vector<16xi32>
      %swap3A_739 = arith.constant 368 : index
      %swap3A_740 = tpu.vector_load %arg11[%swap3A_739] {strides = array<i32>} : memref<512xi32, #tpu.memory_space<vmem>>, vector<16xi32>,
      tpu.vector_store %arg11[%swap3A_739], %select_n3A_738 {strides = array<i32>} : memref<512xi32, #tpu.memory_space<vmem>>, vector<16xi32>,
      %mul3A_741 = arith.constant 512 : i32
      %mul3A_742 = arith.muli %while3A_379, %mul3A_741 : i32
      %add3A_743 = vector.broadcast %mul3A_742 : i32 to vector<16xi32>
      %add3A_744 = arith.addi %iota3A, %add3A_743 : vector<16xi32>
      %add3A_745 = arith.constant 384 : i32
      %add3A_746 = vector.broadcast %add3A_745 : i32 to vector<16xi32>
      %add3A_747 = arith.addi %add3A_744, %add3A_746 : vector<16xi32>
      %lt3A_748 = vector.broadcast %sub3A_326 : i32 to vector<16xi32>
      %lt3A_749 = arith.cmpi slt, %add3A_747, %lt3A_748 : vector<16xi32>
      %add3A_750 = vector.broadcast %add3A_334 : i32 to vector<16xi32>
      %add3A_751 = arith.addi %add3A_750, %add3A_747 : vector<16xi32>
      %broadcast_in_dim3A_752 = vector.broadcast %add3A_338 : i32 to vector<16xi32>
      %select_n3A_753 = arith.select %lt3A_749, %add3A_751, %broadcast_in_dim3A_752 : vector<16xi1>, vector<16xi32>
      %swap3A_754 = arith.constant 384 : index
      %swap3A_755 = tpu.vector_load %arg11[%swap3A_754] {strides = array<i32>} : memref<512xi32, #tpu.memory_space<vmem>>, vector<16xi32>,
      tpu.vector_store %arg11[%swap3A_754], %select_n3A_753 {strides = array<i32>} : memref<512xi32, #tpu.memory_space<vmem>>, vector<16xi32>,
      %mul3A_756 = arith.constant 512 : i32
      %mul3A_757 = arith.muli %while3A_379, %mul3A_756 : i32
      %add3A_758 = vector.broadcast %mul3A_757 : i32 to vector<16xi32>
      %add3A_759 = arith.addi %iota3A, %add3A_758 : vector<16xi32>
      %add3A_760 = arith.constant 400 : i32
      %add3A_761 = vector.broadcast %add3A_760 : i32 to vector<16xi32>
      %add3A_762 = arith.addi %add3A_759, %add3A_761 : vector<16xi32>
      %lt3A_763 = vector.broadcast %sub3A_326 : i32 to vector<16xi32>
      %lt3A_764 = arith.cmpi slt, %add3A_762, %lt3A_763 : vector<16xi32>
      %add3A_765 = vector.broadcast %add3A_334 : i32 to vector<16xi32>
      %add3A_766 = arith.addi %add3A_765, %add3A_762 : vector<16xi32>
      %broadcast_in_dim3A_767 = vector.broadcast %add3A_338 : i32 to vector<16xi32>
      %select_n3A_768 = arith.select %lt3A_764, %add3A_766, %broadcast_in_dim3A_767 : vector<16xi1>, vector<16xi32>
      %swap3A_769 = arith.constant 400 : index
      %swap3A_770 = tpu.vector_load %arg11[%swap3A_769] {strides = array<i32>} : memref<512xi32, #tpu.memory_space<vmem>>, vector<16xi32>,
      tpu.vector_store %arg11[%swap3A_769], %select_n3A_768 {strides = array<i32>} : memref<512xi32, #tpu.memory_space<vmem>>, vector<16xi32>,
      %mul3A_771 = arith.constant 512 : i32
      %mul3A_772 = arith.muli %while3A_379, %mul3A_771 : i32
      %add3A_773 = vector.broadcast %mul3A_772 : i32 to vector<16xi32>
      %add3A_774 = arith.addi %iota3A, %add3A_773 : vector<16xi32>
      %add3A_775 = arith.constant 416 : i32
      %add3A_776 = vector.broadcast %add3A_775 : i32 to vector<16xi32>
      %add3A_777 = arith.addi %add3A_774, %add3A_776 : vector<16xi32>
      %lt3A_778 = vector.broadcast %sub3A_326 : i32 to vector<16xi32>
      %lt3A_779 = arith.cmpi slt, %add3A_777, %lt3A_778 : vector<16xi32>
      %add3A_780 = vector.broadcast %add3A_334 : i32 to vector<16xi32>
      %add3A_781 = arith.addi %add3A_780, %add3A_777 : vector<16xi32>
      %broadcast_in_dim3A_782 = vector.broadcast %add3A_338 : i32 to vector<16xi32>
      %select_n3A_783 = arith.select %lt3A_779, %add3A_781, %broadcast_in_dim3A_782 : vector<16xi1>, vector<16xi32>
      %swap3A_784 = arith.constant 416 : index
      %swap3A_785 = tpu.vector_load %arg11[%swap3A_784] {strides = array<i32>} : memref<512xi32, #tpu.memory_space<vmem>>, vector<16xi32>,
      tpu.vector_store %arg11[%swap3A_784], %select_n3A_783 {strides = array<i32>} : memref<512xi32, #tpu.memory_space<vmem>>, vector<16xi32>,
      %mul3A_786 = arith.constant 512 : i32
      %mul3A_787 = arith.muli %while3A_379, %mul3A_786 : i32
      %add3A_788 = vector.broadcast %mul3A_787 : i32 to vector<16xi32>
      %add3A_789 = arith.addi %iota3A, %add3A_788 : vector<16xi32>
      %add3A_790 = arith.constant 432 : i32
      %add3A_791 = vector.broadcast %add3A_790 : i32 to vector<16xi32>
      %add3A_792 = arith.addi %add3A_789, %add3A_791 : vector<16xi32>
      %lt3A_793 = vector.broadcast %sub3A_326 : i32 to vector<16xi32>
      %lt3A_794 = arith.cmpi slt, %add3A_792, %lt3A_793 : vector<16xi32>
      %add3A_795 = vector.broadcast %add3A_334 : i32 to vector<16xi32>
      %add3A_796 = arith.addi %add3A_795, %add3A_792 : vector<16xi32>
      %broadcast_in_dim3A_797 = vector.broadcast %add3A_338 : i32 to vector<16xi32>
      %select_n3A_798 = arith.select %lt3A_794, %add3A_796, %broadcast_in_dim3A_797 : vector<16xi1>, vector<16xi32>
      %swap3A_799 = arith.constant 432 : index
      %swap3A_800 = tpu.vector_load %arg11[%swap3A_799] {strides = array<i32>} : memref<512xi32, #tpu.memory_space<vmem>>, vector<16xi32>,
      tpu.vector_store %arg11[%swap3A_799], %select_n3A_798 {strides = array<i32>} : memref<512xi32, #tpu.memory_space<vmem>>, vector<16xi32>,
      %mul3A_801 = arith.constant 512 : i32
      %mul3A_802 = arith.muli %while3A_379, %mul3A_801 : i32
      %add3A_803 = vector.broadcast %mul3A_802 : i32 to vector<16xi32>
      %add3A_804 = arith.addi %iota3A, %add3A_803 : vector<16xi32>
      %add3A_805 = arith.constant 448 : i32
      %add3A_806 = vector.broadcast %add3A_805 : i32 to vector<16xi32>
      %add3A_807 = arith.addi %add3A_804, %add3A_806 : vector<16xi32>
      %lt3A_808 = vector.broadcast %sub3A_326 : i32 to vector<16xi32>
      %lt3A_809 = arith.cmpi slt, %add3A_807, %lt3A_808 : vector<16xi32>
      %add3A_810 = vector.broadcast %add3A_334 : i32 to vector<16xi32>
      %add3A_811 = arith.addi %add3A_810, %add3A_807 : vector<16xi32>
      %broadcast_in_dim3A_812 = vector.broadcast %add3A_338 : i32 to vector<16xi32>
      %select_n3A_813 = arith.select %lt3A_809, %add3A_811, %broadcast_in_dim3A_812 : vector<16xi1>, vector<16xi32>
      %swap3A_814 = arith.constant 448 : index
      %swap3A_815 = tpu.vector_load %arg11[%swap3A_814] {strides = array<i32>} : memref<512xi32, #tpu.memory_space<vmem>>, vector<16xi32>,
      tpu.vector_store %arg11[%swap3A_814], %select_n3A_813 {strides = array<i32>} : memref<512xi32, #tpu.memory_space<vmem>>, vector<16xi32>,
      %mul3A_816 = arith.constant 512 : i32
      %mul3A_817 = arith.muli %while3A_379, %mul3A_816 : i32
      %add3A_818 = vector.broadcast %mul3A_817 : i32 to vector<16xi32>
      %add3A_819 = arith.addi %iota3A, %add3A_818 : vector<16xi32>
      %add3A_820 = arith.constant 464 : i32
      %add3A_821 = vector.broadcast %add3A_820 : i32 to vector<16xi32>
      %add3A_822 = arith.addi %add3A_819, %add3A_821 : vector<16xi32>
      %lt3A_823 = vector.broadcast %sub3A_326 : i32 to vector<16xi32>
      %lt3A_824 = arith.cmpi slt, %add3A_822, %lt3A_823 : vector<16xi32>
      %add3A_825 = vector.broadcast %add3A_334 : i32 to vector<16xi32>
      %add3A_826 = arith.addi %add3A_825, %add3A_822 : vector<16xi32>
      %broadcast_in_dim3A_827 = vector.broadcast %add3A_338 : i32 to vector<16xi32>
      %select_n3A_828 = arith.select %lt3A_824, %add3A_826, %broadcast_in_dim3A_827 : vector<16xi1>, vector<16xi32>
      %swap3A_829 = arith.constant 464 : index
      %swap3A_830 = tpu.vector_load %arg11[%swap3A_829] {strides = array<i32>} : memref<512xi32, #tpu.memory_space<vmem>>, vector<16xi32>,
      tpu.vector_store %arg11[%swap3A_829], %select_n3A_828 {strides = array<i32>} : memref<512xi32, #tpu.memory_space<vmem>>, vector<16xi32>,
      %mul3A_831 = arith.constant 512 : i32
      %mul3A_832 = arith.muli %while3A_379, %mul3A_831 : i32
      %add3A_833 = vector.broadcast %mul3A_832 : i32 to vector<16xi32>
      %add3A_834 = arith.addi %iota3A, %add3A_833 : vector<16xi32>
      %add3A_835 = arith.constant 480 : i32
      %add3A_836 = vector.broadcast %add3A_835 : i32 to vector<16xi32>
      %add3A_837 = arith.addi %add3A_834, %add3A_836 : vector<16xi32>
      %lt3A_838 = vector.broadcast %sub3A_326 : i32 to vector<16xi32>
      %lt3A_839 = arith.cmpi slt, %add3A_837, %lt3A_838 : vector<16xi32>
      %add3A_840 = vector.broadcast %add3A_334 : i32 to vector<16xi32>
      %add3A_841 = arith.addi %add3A_840, %add3A_837 : vector<16xi32>
      %broadcast_in_dim3A_842 = vector.broadcast %add3A_338 : i32 to vector<16xi32>
      %select_n3A_843 = arith.select %lt3A_839, %add3A_841, %broadcast_in_dim3A_842 : vector<16xi1>, vector<16xi32>
      %swap3A_844 = arith.constant 480 : index
      %swap3A_845 = tpu.vector_load %arg11[%swap3A_844] {strides = array<i32>} : memref<512xi32, #tpu.memory_space<vmem>>, vector<16xi32>,
      tpu.vector_store %arg11[%swap3A_844], %select_n3A_843 {strides = array<i32>} : memref<512xi32, #tpu.memory_space<vmem>>, vector<16xi32>,
      %mul3A_846 = arith.constant 512 : i32
      %mul3A_847 = arith.muli %while3A_379, %mul3A_846 : i32
      %add3A_848 = vector.broadcast %mul3A_847 : i32 to vector<16xi32>
      %add3A_849 = arith.addi %iota3A, %add3A_848 : vector<16xi32>
      %add3A_850 = arith.constant 496 : i32
      %add3A_851 = vector.broadcast %add3A_850 : i32 to vector<16xi32>
      %add3A_852 = arith.addi %add3A_849, %add3A_851 : vector<16xi32>
      %lt3A_853 = vector.broadcast %sub3A_326 : i32 to vector<16xi32>
      %lt3A_854 = arith.cmpi slt, %add3A_852, %lt3A_853 : vector<16xi32>
      %add3A_855 = vector.broadcast %add3A_334 : i32 to vector<16xi32>
      %add3A_856 = arith.addi %add3A_855, %add3A_852 : vector<16xi32>
      %broadcast_in_dim3A_857 = vector.broadcast %add3A_338 : i32 to vector<16xi32>
      %select_n3A_858 = arith.select %lt3A_854, %add3A_856, %broadcast_in_dim3A_857 : vector<16xi1>, vector<16xi32>
      %swap3A_859 = arith.constant 496 : index
      %swap3A_860 = tpu.vector_load %arg11[%swap3A_859] {strides = array<i32>} : memref<512xi32, #tpu.memory_space<vmem>>, vector<16xi32>,
      tpu.vector_store %arg11[%swap3A_859], %select_n3A_858 {strides = array<i32>} : memref<512xi32, #tpu.memory_space<vmem>>, vector<16xi32>,
      %mul3A_861 = arith.constant 512 : i32
      %mul3A_862 = arith.muli %while3A_379, %mul3A_861 : i32
      %dma_start3A = arith.constant 0 : i32
      %dma_start3A_863 = tpu.memref_slice %arg5[%mul3A_862, %dma_start3A] : memref<3584x16xi32, #tpu.memory_space<vmem>> -> memref<512x16xi32, #tpu.memory_space<vmem>>
      %dma_start3A_864 = arith.constant 0 : i32
      %dma_start3A_865 = arith.constant 0 : i32
      %dma_start3A_866 = tpu.memref_slice %arg3[%dma_start3A_864, %dma_start3A_865] : memref<25096x16xi32, #tpu.memory_space<hbm>> -> memref<25096x16xi32, #tpu.memory_space<hbm>>
      tpu.enqueue_indirect_dma source(%dma_start3A_863 : memref<512x16xi32, #tpu.memory_space<vmem>>) target(%dma_start3A_866 : memref<25096x16xi32, #tpu.memory_space<hbm>>) offsets(%arg11 : memref<512xi32, #tpu.memory_space<vmem>>) semaphore(%arg13 : memref<!tpu.dma_semaphore, #tpu.memory_space<semaphore_mem>>)
      %dma_wait3A = arith.constant 0 : i32
      %dma_wait3A_867 = tpu.memref_slice %arg5[%mul3A_862, %dma_wait3A] : memref<3584x16xi32, #tpu.memory_space<vmem>> -> memref<512x16xi32, #tpu.memory_space<vmem>>
      %dma_wait3A_868 = arith.constant 0 : i32
      %dma_wait3A_869 = arith.constant 0 : i32
      %dma_wait3A_870 = tpu.memref_slice %arg3[%dma_wait3A_868, %dma_wait3A_869] : memref<25096x16xi32, #tpu.memory_space<hbm>> -> memref<25096x16xi32, #tpu.memory_space<hbm>>
      tpu.wait_indirect_dma semaphore(%arg13 : memref<!tpu.dma_semaphore, #tpu.memory_space<semaphore_mem>>) src(%dma_wait3A_867 : memref<512x16xi32, #tpu.memory_space<vmem>>) dst(%dma_wait3A_870 : memref<25096x16xi32, #tpu.memory_space<hbm>>)
      %while3A_871 = arith.constant 0 : i32
      scf.yield %while3A_871 : i32
    }
    %while3A_377 = arith.constant 1 : i32
    %while3A_378 = scf.for %while3A_379 = %while3A_374 to %while3A_370 step %while3A_377 iter_args(%while3A_380 = %while3A_376) -> (i32)  : i32 {
      %mul3A_381 = arith.constant 512 : i32
      %mul3A_382 = arith.muli %while3A_379, %mul3A_381 : i32
      %add3A_383 = vector.broadcast %mul3A_382 : i32 to vector<16xi32>
      %add3A_384 = arith.addi %iota3A, %add3A_383 : vector<16xi32>
      %add3A_385 = arith.constant 0 : i32
      %add3A_386 = vector.broadcast %add3A_385 : i32 to vector<16xi32>
      %add3A_387 = arith.addi %add3A_384, %add3A_386 : vector<16xi32>
      %lt3A_388 = vector.broadcast %sub3A_326 : i32 to vector<16xi32>
      %lt3A_389 = arith.cmpi slt, %add3A_387, %lt3A_388 : vector<16xi32>
      %add3A_390 = vector.broadcast %add3A_334 : i32 to vector<16xi32>
      %add3A_391 = arith.addi %add3A_390, %add3A_387 : vector<16xi32>
      %broadcast_in_dim3A_392 = vector.broadcast %add3A_338 : i32 to vector<16xi32>
      %select_n3A_393 = arith.select %lt3A_389, %add3A_391, %broadcast_in_dim3A_392 : vector<16xi1>, vector<16xi32>
      %swap3A_394 = arith.constant 0 : index
      %swap3A_395 = tpu.vector_load %arg11[%swap3A_394] {strides = array<i32>} : memref<512xi32, #tpu.memory_space<vmem>>, vector<16xi32>,
      tpu.vector_store %arg11[%swap3A_394], %select_n3A_393 {strides = array<i32>} : memref<512xi32, #tpu.memory_space<vmem>>, vector<16xi32>,
      %mul3A_396 = arith.constant 512 : i32
      %mul3A_397 = arith.muli %while3A_379, %mul3A_396 : i32
      %add3A_398 = vector.broadcast %mul3A_397 : i32 to vector<16xi32>
      %add3A_399 = arith.addi %iota3A, %add3A_398 : vector<16xi32>
      %add3A_400 = arith.constant 16 : i32
      %add3A_401 = vector.broadcast %add3A_400 : i32 to vector<16xi32>
      %add3A_402 = arith.addi %add3A_399, %add3A_401 : vector<16xi32>
      %lt3A_403 = vector.broadcast %sub3A_326 : i32 to vector<16xi32>
      %lt3A_404 = arith.cmpi slt, %add3A_402, %lt3A_403 : vector<16xi32>
      %add3A_405 = vector.broadcast %add3A_334 : i32 to vector<16xi32>
      %add3A_406 = arith.addi %add3A_405, %add3A_402 : vector<16xi32>
      %broadcast_in_dim3A_407 = vector.broadcast %add3A_338 : i32 to vector<16xi32>
      %select_n3A_408 = arith.select %lt3A_404, %add3A_406, %broadcast_in_dim3A_407 : vector<16xi1>, vector<16xi32>
      %swap3A_409 = arith.constant 16 : index
      %swap3A_410 = tpu.vector_load %arg11[%swap3A_409] {strides = array<i32>} : memref<512xi32, #tpu.memory_space<vmem>>, vector<16xi32>,
      tpu.vector_store %arg11[%swap3A_409], %select_n3A_408 {strides = array<i32>} : memref<512xi32, #tpu.memory_space<vmem>>, vector<16xi32>,
      %mul3A_411 = arith.constant 512 : i32
      %mul3A_412 = arith.muli %while3A_379, %mul3A_411 : i32
      %add3A_413 = vector.broadcast %mul3A_412 : i32 to vector<16xi32>
      %add3A_414 = arith.addi %iota3A, %add3A_413 : vector<16xi32>
      %add3A_415 = arith.constant 32 : i32
      %add3A_416 = vector.broadcast %add3A_415 : i32 to vector<16xi32>
      %add3A_417 = arith.addi %add3A_414, %add3A_416 : vector<16xi32>
      %lt3A_418 = vector.broadcast %sub3A_326 : i32 to vector<16xi32>
      %lt3A_419 = arith.cmpi slt, %add3A_417, %lt3A_418 : vector<16xi32>
      %add3A_420 = vector.broadcast %add3A_334 : i32 to vector<16xi32>
      %add3A_421 = arith.addi %add3A_420, %add3A_417 : vector<16xi32>
      %broadcast_in_dim3A_422 = vector.broadcast %add3A_338 : i32 to vector<16xi32>
      %select_n3A_423 = arith.select %lt3A_419, %add3A_421, %broadcast_in_dim3A_422 : vector<16xi1>, vector<16xi32>
      %swap3A_424 = arith.constant 32 : index
      %swap3A_425 = tpu.vector_load %arg11[%swap3A_424] {strides = array<i32>} : memref<512xi32, #tpu.memory_space<vmem>>, vector<16xi32>,
      tpu.vector_store %arg11[%swap3A_424], %select_n3A_423 {strides = array<i32>} : memref<512xi32, #tpu.memory_space<vmem>>, vector<16xi32>,
      %mul3A_426 = arith.constant 512 : i32
      %mul3A_427 = arith.muli %while3A_379, %mul3A_426 : i32
      %add3A_428 = vector.broadcast %mul3A_427 : i32 to vector<16xi32>
      %add3A_429 = arith.addi %iota3A, %add3A_428 : vector<16xi32>
      %add3A_430 = arith.constant 48 : i32
      %add3A_431 = vector.broadcast %add3A_430 : i32 to vector<16xi32>
      %add3A_432 = arith.addi %add3A_429, %add3A_431 : vector<16xi32>
      %lt3A_433 = vector.broadcast %sub3A_326 : i32 to vector<16xi32>
      %lt3A_434 = arith.cmpi slt, %add3A_432, %lt3A_433 : vector<16xi32>
      %add3A_435 = vector.broadcast %add3A_334 : i32 to vector<16xi32>
      %add3A_436 = arith.addi %add3A_435, %add3A_432 : vector<16xi32>
      %broadcast_in_dim3A_437 = vector.broadcast %add3A_338 : i32 to vector<16xi32>
      %select_n3A_438 = arith.select %lt3A_434, %add3A_436, %broadcast_in_dim3A_437 : vector<16xi1>, vector<16xi32>
      %swap3A_439 = arith.constant 48 : index
      %swap3A_440 = tpu.vector_load %arg11[%swap3A_439] {strides = array<i32>} : memref<512xi32, #tpu.memory_space<vmem>>, vector<16xi32>,
      tpu.vector_store %arg11[%swap3A_439], %select_n3A_438 {strides = array<i32>} : memref<512xi32, #tpu.memory_space<vmem>>, vector<16xi32>,
      %mul3A_441 = arith.constant 512 : i32
      %mul3A_442 = arith.muli %while3A_379, %mul3A_441 : i32
      %add3A_443 = vector.broadcast %mul3A_442 : i32 to vector<16xi32>
      %add3A_444 = arith.addi %iota3A, %add3A_443 : vector<16xi32>
      %add3A_445 = arith.constant 64 : i32
      %add3A_446 = vector.broadcast %add3A_445 : i32 to vector<16xi32>
      %add3A_447 = arith.addi %add3A_444, %add3A_446 : vector<16xi32>
      %lt3A_448 = vector.broadcast %sub3A_326 : i32 to vector<16xi32>
      %lt3A_449 = arith.cmpi slt, %add3A_447, %lt3A_448 : vector<16xi32>
      %add3A_450 = vector.broadcast %add3A_334 : i32 to vector<16xi32>
      %add3A_451 = arith.addi %add3A_450, %add3A_447 : vector<16xi32>
      %broadcast_in_dim3A_452 = vector.broadcast %add3A_338 : i32 to vector<16xi32>
      %select_n3A_453 = arith.select %lt3A_449, %add3A_451, %broadcast_in_dim3A_452 : vector<16xi1>, vector<16xi32>
      %swap3A_454 = arith.constant 64 : index
      %swap3A_455 = tpu.vector_load %arg11[%swap3A_454] {strides = array<i32>} : memref<512xi32, #tpu.memory_space<vmem>>, vector<16xi32>,
      tpu.vector_store %arg11[%swap3A_454], %select_n3A_453 {strides = array<i32>} : memref<512xi32, #tpu.memory_space<vmem>>, vector<16xi32>,
      %mul3A_456 = arith.constant 512 : i32
      %mul3A_457 = arith.muli %while3A_379, %mul3A_456 : i32
      %add3A_458 = vector.broadcast %mul3A_457 : i32 to vector<16xi32>
      %add3A_459 = arith.addi %iota3A, %add3A_458 : vector<16xi32>
      %add3A_460 = arith.constant 80 : i32
      %add3A_461 = vector.broadcast %add3A_460 : i32 to vector<16xi32>
      %add3A_462 = arith.addi %add3A_459, %add3A_461 : vector<16xi32>
      %lt3A_463 = vector.broadcast %sub3A_326 : i32 to vector<16xi32>
      %lt3A_464 = arith.cmpi slt, %add3A_462, %lt3A_463 : vector<16xi32>
      %add3A_465 = vector.broadcast %add3A_334 : i32 to vector<16xi32>
      %add3A_466 = arith.addi %add3A_465, %add3A_462 : vector<16xi32>
      %broadcast_in_dim3A_467 = vector.broadcast %add3A_338 : i32 to vector<16xi32>
      %select_n3A_468 = arith.select %lt3A_464, %add3A_466, %broadcast_in_dim3A_467 : vector<16xi1>, vector<16xi32>
      %swap3A_469 = arith.constant 80 : index
      %swap3A_470 = tpu.vector_load %arg11[%swap3A_469] {strides = array<i32>} : memref<512xi32, #tpu.memory_space<vmem>>, vector<16xi32>,
      tpu.vector_store %arg11[%swap3A_469], %select_n3A_468 {strides = array<i32>} : memref<512xi32, #tpu.memory_space<vmem>>, vector<16xi32>,
      %mul3A_471 = arith.constant 512 : i32
      %mul3A_472 = arith.muli %while3A_379, %mul3A_471 : i32
      %add3A_473 = vector.broadcast %mul3A_472 : i32 to vector<16xi32>
      %add3A_474 = arith.addi %iota3A, %add3A_473 : vector<16xi32>
      %add3A_475 = arith.constant 96 : i32
      %add3A_476 = vector.broadcast %add3A_475 : i32 to vector<16xi32>
      %add3A_477 = arith.addi %add3A_474, %add3A_476 : vector<16xi32>
      %lt3A_478 = vector.broadcast %sub3A_326 : i32 to vector<16xi32>
      %lt3A_479 = arith.cmpi slt, %add3A_477, %lt3A_478 : vector<16xi32>
      %add3A_480 = vector.broadcast %add3A_334 : i32 to vector<16xi32>
      %add3A_481 = arith.addi %add3A_480, %add3A_477 : vector<16xi32>
      %broadcast_in_dim3A_482 = vector.broadcast %add3A_338 : i32 to vector<16xi32>
      %select_n3A_483 = arith.select %lt3A_479, %add3A_481, %broadcast_in_dim3A_482 : vector<16xi1>, vector<16xi32>
      %swap3A_484 = arith.constant 96 : index
      %swap3A_485 = tpu.vector_load %arg11[%swap3A_484] {strides = array<i32>} : memref<512xi32, #tpu.memory_space<vmem>>, vector<16xi32>,
      tpu.vector_store %arg11[%swap3A_484], %select_n3A_483 {strides = array<i32>} : memref<512xi32, #tpu.memory_space<vmem>>, vector<16xi32>,
      %mul3A_486 = arith.constant 512 : i32
      %mul3A_487 = arith.muli %while3A_379, %mul3A_486 : i32
      %add3A_488 = vector.broadcast %mul3A_487 : i32 to vector<16xi32>
      %add3A_489 = arith.addi %iota3A, %add3A_488 : vector<16xi32>
      %add3A_490 = arith.constant 112 : i32
      %add3A_491 = vector.broadcast %add3A_490 : i32 to vector<16xi32>
      %add3A_492 = arith.addi %add3A_489, %add3A_491 : vector<16xi32>
      %lt3A_493 = vector.broadcast %sub3A_326 : i32 to vector<16xi32>
      %lt3A_494 = arith.cmpi slt, %add3A_492, %lt3A_493 : vector<16xi32>
      %add3A_495 = vector.broadcast %add3A_334 : i32 to vector<16xi32>
      %add3A_496 = arith.addi %add3A_495, %add3A_492 : vector<16xi32>
      %broadcast_in_dim3A_497 = vector.broadcast %add3A_338 : i32 to vector<16xi32>
      %select_n3A_498 = arith.select %lt3A_494, %add3A_496, %broadcast_in_dim3A_497 : vector<16xi1>, vector<16xi32>
      %swap3A_499 = arith.constant 112 : index
      %swap3A_500 = tpu.vector_load %arg11[%swap3A_499] {strides = array<i32>} : memref<512xi32, #tpu.memory_space<vmem>>, vector<16xi32>,
      tpu.vector_store %arg11[%swap3A_499], %select_n3A_498 {strides = array<i32>} : memref<512xi32, #tpu.memory_space<vmem>>, vector<16xi32>,
      %mul3A_501 = arith.constant 512 : i32
      %mul3A_502 = arith.muli %while3A_379, %mul3A_501 : i32
      %add3A_503 = vector.broadcast %mul3A_502 : i32 to vector<16xi32>
      %add3A_504 = arith.addi %iota3A, %add3A_503 : vector<16xi32>
      %add3A_505 = arith.constant 128 : i32
      %add3A_506 = vector.broadcast %add3A_505 : i32 to vector<16xi32>
      %add3A_507 = arith.addi %add3A_504, %add3A_506 : vector<16xi32>
      %lt3A_508 = vector.broadcast %sub3A_326 : i32 to vector<16xi32>
      %lt3A_509 = arith.cmpi slt, %add3A_507, %lt3A_508 : vector<16xi32>
      %add3A_510 = vector.broadcast %add3A_334 : i32 to vector<16xi32>
      %add3A_511 = arith.addi %add3A_510, %add3A_507 : vector<16xi32>
      %broadcast_in_dim3A_512 = vector.broadcast %add3A_338 : i32 to vector<16xi32>
      %select_n3A_513 = arith.select %lt3A_509, %add3A_511, %broadcast_in_dim3A_512 : vector<16xi1>, vector<16xi32>
      %swap3A_514 = arith.constant 128 : index
      %swap3A_515 = tpu.vector_load %arg11[%swap3A_514] {strides = array<i32>} : memref<512xi32, #tpu.memory_space<vmem>>, vector<16xi32>,
      tpu.vector_store %arg11[%swap3A_514], %select_n3A_513 {strides = array<i32>} : memref<512xi32, #tpu.memory_space<vmem>>, vector<16xi32>,
      %mul3A_516 = arith.constant 512 : i32
      %mul3A_517 = arith.muli %while3A_379, %mul3A_516 : i32
      %add3A_518 = vector.broadcast %mul3A_517 : i32 to vector<16xi32>
      %add3A_519 = arith.addi %iota3A, %add3A_518 : vector<16xi32>
      %add3A_520 = arith.constant 144 : i32
      %add3A_521 = vector.broadcast %add3A_520 : i32 to vector<16xi32>
      %add3A_522 = arith.addi %add3A_519, %add3A_521 : vector<16xi32>
      %lt3A_523 = vector.broadcast %sub3A_326 : i32 to vector<16xi32>
      %lt3A_524 = arith.cmpi slt, %add3A_522, %lt3A_523 : vector<16xi32>
      %add3A_525 = vector.broadcast %add3A_334 : i32 to vector<16xi32>
      %add3A_526 = arith.addi %add3A_525, %add3A_522 : vector<16xi32>
      %broadcast_in_dim3A_527 = vector.broadcast %add3A_338 : i32 to vector<16xi32>
      %select_n3A_528 = arith.select %lt3A_524, %add3A_526, %broadcast_in_dim3A_527 : vector<16xi1>, vector<16xi32>
      %swap3A_529 = arith.constant 144 : index
      %swap3A_530 = tpu.vector_load %arg11[%swap3A_529] {strides = array<i32>} : memref<512xi32, #tpu.memory_space<vmem>>, vector<16xi32>,
      tpu.vector_store %arg11[%swap3A_529], %select_n3A_528 {strides = array<i32>} : memref<512xi32, #tpu.memory_space<vmem>>, vector<16xi32>,
      %mul3A_531 = arith.constant 512 : i32
      %mul3A_532 = arith.muli %while3A_379, %mul3A_531 : i32
      %add3A_533 = vector.broadcast %mul3A_532 : i32 to vector<16xi32>
      %add3A_534 = arith.addi %iota3A, %add3A_533 : vector<16xi32>
      %add3A_535 = arith.constant 160 : i32
      %add3A_536 = vector.broadcast %add3A_535 : i32 to vector<16xi32>
      %add3A_537 = arith.addi %add3A_534, %add3A_536 : vector<16xi32>
      %lt3A_538 = vector.broadcast %sub3A_326 : i32 to vector<16xi32>
      %lt3A_539 = arith.cmpi slt, %add3A_537, %lt3A_538 : vector<16xi32>
      %add3A_540 = vector.broadcast %add3A_334 : i32 to vector<16xi32>
      %add3A_541 = arith.addi %add3A_540, %add3A_537 : vector<16xi32>
      %broadcast_in_dim3A_542 = vector.broadcast %add3A_338 : i32 to vector<16xi32>
      %select_n3A_543 = arith.select %lt3A_539, %add3A_541, %broadcast_in_dim3A_542 : vector<16xi1>, vector<16xi32>
      %swap3A_544 = arith.constant 160 : index
      %swap3A_545 = tpu.vector_load %arg11[%swap3A_544] {strides = array<i32>} : memref<512xi32, #tpu.memory_space<vmem>>, vector<16xi32>,
      tpu.vector_store %arg11[%swap3A_544], %select_n3A_543 {strides = array<i32>} : memref<512xi32, #tpu.memory_space<vmem>>, vector<16xi32>,
      %mul3A_546 = arith.constant 512 : i32
      %mul3A_547 = arith.muli %while3A_379, %mul3A_546 : i32
      %add3A_548 = vector.broadcast %mul3A_547 : i32 to vector<16xi32>
      %add3A_549 = arith.addi %iota3A, %add3A_548 : vector<16xi32>
      %add3A_550 = arith.constant 176 : i32
      %add3A_551 = vector.broadcast %add3A_550 : i32 to vector<16xi32>
      %add3A_552 = arith.addi %add3A_549, %add3A_551 : vector<16xi32>
      %lt3A_553 = vector.broadcast %sub3A_326 : i32 to vector<16xi32>
      %lt3A_554 = arith.cmpi slt, %add3A_552, %lt3A_553 : vector<16xi32>
      %add3A_555 = vector.broadcast %add3A_334 : i32 to vector<16xi32>
      %add3A_556 = arith.addi %add3A_555, %add3A_552 : vector<16xi32>
      %broadcast_in_dim3A_557 = vector.broadcast %add3A_338 : i32 to vector<16xi32>
      %select_n3A_558 = arith.select %lt3A_554, %add3A_556, %broadcast_in_dim3A_557 : vector<16xi1>, vector<16xi32>
      %swap3A_559 = arith.constant 176 : index
      %swap3A_560 = tpu.vector_load %arg11[%swap3A_559] {strides = array<i32>} : memref<512xi32, #tpu.memory_space<vmem>>, vector<16xi32>,
      tpu.vector_store %arg11[%swap3A_559], %select_n3A_558 {strides = array<i32>} : memref<512xi32, #tpu.memory_space<vmem>>, vector<16xi32>,
      %mul3A_561 = arith.constant 512 : i32
      %mul3A_562 = arith.muli %while3A_379, %mul3A_561 : i32
      %add3A_563 = vector.broadcast %mul3A_562 : i32 to vector<16xi32>
      %add3A_564 = arith.addi %iota3A, %add3A_563 : vector<16xi32>
      %add3A_565 = arith.constant 192 : i32
      %add3A_566 = vector.broadcast %add3A_565 : i32 to vector<16xi32>
      %add3A_567 = arith.addi %add3A_564, %add3A_566 : vector<16xi32>
      %lt3A_568 = vector.broadcast %sub3A_326 : i32 to vector<16xi32>
      %lt3A_569 = arith.cmpi slt, %add3A_567, %lt3A_568 : vector<16xi32>
      %add3A_570 = vector.broadcast %add3A_334 : i32 to vector<16xi32>
      %add3A_571 = arith.addi %add3A_570, %add3A_567 : vector<16xi32>
      %broadcast_in_dim3A_572 = vector.broadcast %add3A_338 : i32 to vector<16xi32>
      %select_n3A_573 = arith.select %lt3A_569, %add3A_571, %broadcast_in_dim3A_572 : vector<16xi1>, vector<16xi32>
      %swap3A_574 = arith.constant 192 : index
      %swap3A_575 = tpu.vector_load %arg11[%swap3A_574] {strides = array<i32>} : memref<512xi32, #tpu.memory_space<vmem>>, vector<16xi32>,
      tpu.vector_store %arg11[%swap3A_574], %select_n3A_573 {strides = array<i32>} : memref<512xi32, #tpu.memory_space<vmem>>, vector<16xi32>,
      %mul3A_576 = arith.constant 512 : i32
      %mul3A_577 = arith.muli %while3A_379, %mul3A_576 : i32
      %add3A_578 = vector.broadcast %mul3A_577 : i32 to vector<16xi32>
      %add3A_579 = arith.addi %iota3A, %add3A_578 : vector<16xi32>
      %add3A_580 = arith.constant 208 : i32
      %add3A_581 = vector.broadcast %add3A_580 : i32 to vector<16xi32>
      %add3A_582 = arith.addi %add3A_579, %add3A_581 : vector<16xi32>
      %lt3A_583 = vector.broadcast %sub3A_326 : i32 to vector<16xi32>
      %lt3A_584 = arith.cmpi slt, %add3A_582, %lt3A_583 : vector<16xi32>
      %add3A_585 = vector.broadcast %add3A_334 : i32 to vector<16xi32>
      %add3A_586 = arith.addi %add3A_585, %add3A_582 : vector<16xi32>
      %broadcast_in_dim3A_587 = vector.broadcast %add3A_338 : i32 to vector<16xi32>
      %select_n3A_588 = arith.select %lt3A_584, %add3A_586, %broadcast_in_dim3A_587 : vector<16xi1>, vector<16xi32>
      %swap3A_589 = arith.constant 208 : index
      %swap3A_590 = tpu.vector_load %arg11[%swap3A_589] {strides = array<i32>} : memref<512xi32, #tpu.memory_space<vmem>>, vector<16xi32>,
      tpu.vector_store %arg11[%swap3A_589], %select_n3A_588 {strides = array<i32>} : memref<512xi32, #tpu.memory_space<vmem>>, vector<16xi32>,
      %mul3A_591 = arith.constant 512 : i32
      %mul3A_592 = arith.muli %while3A_379, %mul3A_591 : i32
      %add3A_593 = vector.broadcast %mul3A_592 : i32 to vector<16xi32>
      %add3A_594 = arith.addi %iota3A, %add3A_593 : vector<16xi32>
      %add3A_595 = arith.constant 224 : i32
      %add3A_596 = vector.broadcast %add3A_595 : i32 to vector<16xi32>
      %add3A_597 = arith.addi %add3A_594, %add3A_596 : vector<16xi32>
      %lt3A_598 = vector.broadcast %sub3A_326 : i32 to vector<16xi32>
      %lt3A_599 = arith.cmpi slt, %add3A_597, %lt3A_598 : vector<16xi32>
      %add3A_600 = vector.broadcast %add3A_334 : i32 to vector<16xi32>
      %add3A_601 = arith.addi %add3A_600, %add3A_597 : vector<16xi32>
      %broadcast_in_dim3A_602 = vector.broadcast %add3A_338 : i32 to vector<16xi32>
      %select_n3A_603 = arith.select %lt3A_599, %add3A_601, %broadcast_in_dim3A_602 : vector<16xi1>, vector<16xi32>
      %swap3A_604 = arith.constant 224 : index
      %swap3A_605 = tpu.vector_load %arg11[%swap3A_604] {strides = array<i32>} : memref<512xi32, #tpu.memory_space<vmem>>, vector<16xi32>,
      tpu.vector_store %arg11[%swap3A_604], %select_n3A_603 {strides = array<i32>} : memref<512xi32, #tpu.memory_space<vmem>>, vector<16xi32>,
      %mul3A_606 = arith.constant 512 : i32
      %mul3A_607 = arith.muli %while3A_379, %mul3A_606 : i32
      %add3A_608 = vector.broadcast %mul3A_607 : i32 to vector<16xi32>
      %add3A_609 = arith.addi %iota3A, %add3A_608 : vector<16xi32>
      %add3A_610 = arith.constant 240 : i32
      %add3A_611 = vector.broadcast %add3A_610 : i32 to vector<16xi32>
      %add3A_612 = arith.addi %add3A_609, %add3A_611 : vector<16xi32>
      %lt3A_613 = vector.broadcast %sub3A_326 : i32 to vector<16xi32>
      %lt3A_614 = arith.cmpi slt, %add3A_612, %lt3A_613 : vector<16xi32>
      %add3A_615 = vector.broadcast %add3A_334 : i32 to vector<16xi32>
      %add3A_616 = arith.addi %add3A_615, %add3A_612 : vector<16xi32>
      %broadcast_in_dim3A_617 = vector.broadcast %add3A_338 : i32 to vector<16xi32>
      %select_n3A_618 = arith.select %lt3A_614, %add3A_616, %broadcast_in_dim3A_617 : vector<16xi1>, vector<16xi32>
      %swap3A_619 = arith.constant 240 : index
      %swap3A_620 = tpu.vector_load %arg11[%swap3A_619] {strides = array<i32>} : memref<512xi32, #tpu.memory_space<vmem>>, vector<16xi32>,
      tpu.vector_store %arg11[%swap3A_619], %select_n3A_618 {strides = array<i32>} : memref<512xi32, #tpu.memory_space<vmem>>, vector<16xi32>,
      %mul3A_621 = arith.constant 512 : i32
      %mul3A_622 = arith.muli %while3A_379, %mul3A_621 : i32
      %add3A_623 = vector.broadcast %mul3A_622 : i32 to vector<16xi32>
      %add3A_624 = arith.addi %iota3A, %add3A_623 : vector<16xi32>
      %add3A_625 = arith.constant 256 : i32
      %add3A_626 = vector.broadcast %add3A_625 : i32 to vector<16xi32>
      %add3A_627 = arith.addi %add3A_624, %add3A_626 : vector<16xi32>
      %lt3A_628 = vector.broadcast %sub3A_326 : i32 to vector<16xi32>
      %lt3A_629 = arith.cmpi slt, %add3A_627, %lt3A_628 : vector<16xi32>
      %add3A_630 = vector.broadcast %add3A_334 : i32 to vector<16xi32>
      %add3A_631 = arith.addi %add3A_630, %add3A_627 : vector<16xi32>
      %broadcast_in_dim3A_632 = vector.broadcast %add3A_338 : i32 to vector<16xi32>
      %select_n3A_633 = arith.select %lt3A_629, %add3A_631, %broadcast_in_dim3A_632 : vector<16xi1>, vector<16xi32>
      %swap3A_634 = arith.constant 256 : index
      %swap3A_635 = tpu.vector_load %arg11[%swap3A_634] {strides = array<i32>} : memref<512xi32, #tpu.memory_space<vmem>>, vector<16xi32>,
      tpu.vector_store %arg11[%swap3A_634], %select_n3A_633 {strides = array<i32>} : memref<512xi32, #tpu.memory_space<vmem>>, vector<16xi32>,
      %mul3A_636 = arith.constant 512 : i32
      %mul3A_637 = arith.muli %while3A_379, %mul3A_636 : i32
      %add3A_638 = vector.broadcast %mul3A_637 : i32 to vector<16xi32>
      %add3A_639 = arith.addi %iota3A, %add3A_638 : vector<16xi32>
      %add3A_640 = arith.constant 272 : i32
      %add3A_641 = vector.broadcast %add3A_640 : i32 to vector<16xi32>
      %add3A_642 = arith.addi %add3A_639, %add3A_641 : vector<16xi32>
      %lt3A_643 = vector.broadcast %sub3A_326 : i32 to vector<16xi32>
      %lt3A_644 = arith.cmpi slt, %add3A_642, %lt3A_643 : vector<16xi32>
      %add3A_645 = vector.broadcast %add3A_334 : i32 to vector<16xi32>
      %add3A_646 = arith.addi %add3A_645, %add3A_642 : vector<16xi32>
      %broadcast_in_dim3A_647 = vector.broadcast %add3A_338 : i32 to vector<16xi32>
      %select_n3A_648 = arith.select %lt3A_644, %add3A_646, %broadcast_in_dim3A_647 : vector<16xi1>, vector<16xi32>
      %swap3A_649 = arith.constant 272 : index
      %swap3A_650 = tpu.vector_load %arg11[%swap3A_649] {strides = array<i32>} : memref<512xi32, #tpu.memory_space<vmem>>, vector<16xi32>,
      tpu.vector_store %arg11[%swap3A_649], %select_n3A_648 {strides = array<i32>} : memref<512xi32, #tpu.memory_space<vmem>>, vector<16xi32>,
      %mul3A_651 = arith.constant 512 : i32
      %mul3A_652 = arith.muli %while3A_379, %mul3A_651 : i32
      %add3A_653 = vector.broadcast %mul3A_652 : i32 to vector<16xi32>
      %add3A_654 = arith.addi %iota3A, %add3A_653 : vector<16xi32>
      %add3A_655 = arith.constant 288 : i32
      %add3A_656 = vector.broadcast %add3A_655 : i32 to vector<16xi32>
      %add3A_657 = arith.addi %add3A_654, %add3A_656 : vector<16xi32>
      %lt3A_658 = vector.broadcast %sub3A_326 : i32 to vector<16xi32>
      %lt3A_659 = arith.cmpi slt, %add3A_657, %lt3A_658 : vector<16xi32>
      %add3A_660 = vector.broadcast %add3A_334 : i32 to vector<16xi32>
      %add3A_661 = arith.addi %add3A_660, %add3A_657 : vector<16xi32>
      %broadcast_in_dim3A_662 = vector.broadcast %add3A_338 : i32 to vector<16xi32>
      %select_n3A_663 = arith.select %lt3A_659, %add3A_661, %broadcast_in_dim3A_662 : vector<16xi1>, vector<16xi32>
      %swap3A_664 = arith.constant 288 : index
      %swap3A_665 = tpu.vector_load %arg11[%swap3A_664] {strides = array<i32>} : memref<512xi32, #tpu.memory_space<vmem>>, vector<16xi32>,
      tpu.vector_store %arg11[%swap3A_664], %select_n3A_663 {strides = array<i32>} : memref<512xi32, #tpu.memory_space<vmem>>, vector<16xi32>,
      %mul3A_666 = arith.constant 512 : i32
      %mul3A_667 = arith.muli %while3A_379, %mul3A_666 : i32
      %add3A_668 = vector.broadcast %mul3A_667 : i32 to vector<16xi32>
      %add3A_669 = arith.addi %iota3A, %add3A_668 : vector<16xi32>
      %add3A_670 = arith.constant 304 : i32
      %add3A_671 = vector.broadcast %add3A_670 : i32 to vector<16xi32>
      %add3A_672 = arith.addi %add3A_669, %add3A_671 : vector<16xi32>
      %lt3A_673 = vector.broadcast %sub3A_326 : i32 to vector<16xi32>
      %lt3A_674 = arith.cmpi slt, %add3A_672, %lt3A_673 : vector<16xi32>
      %add3A_675 = vector.broadcast %add3A_334 : i32 to vector<16xi32>
      %add3A_676 = arith.addi %add3A_675, %add3A_672 : vector<16xi32>
      %broadcast_in_dim3A_677 = vector.broadcast %add3A_338 : i32 to vector<16xi32>
      %select_n3A_678 = arith.select %lt3A_674, %add3A_676, %broadcast_in_dim3A_677 : vector<16xi1>, vector<16xi32>
      %swap3A_679 = arith.constant 304 : index
      %swap3A_680 = tpu.vector_load %arg11[%swap3A_679] {strides = array<i32>} : memref<512xi32, #tpu.memory_space<vmem>>, vector<16xi32>,
      tpu.vector_store %arg11[%swap3A_679], %select_n3A_678 {strides = array<i32>} : memref<512xi32, #tpu.memory_space<vmem>>, vector<16xi32>,
      %mul3A_681 = arith.constant 512 : i32
      %mul3A_682 = arith.muli %while3A_379, %mul3A_681 : i32
      %add3A_683 = vector.broadcast %mul3A_682 : i32 to vector<16xi32>
      %add3A_684 = arith.addi %iota3A, %add3A_683 : vector<16xi32>
      %add3A_685 = arith.constant 320 : i32
      %add3A_686 = vector.broadcast %add3A_685 : i32 to vector<16xi32>
      %add3A_687 = arith.addi %add3A_684, %add3A_686 : vector<16xi32>
      %lt3A_688 = vector.broadcast %sub3A_326 : i32 to vector<16xi32>
      %lt3A_689 = arith.cmpi slt, %add3A_687, %lt3A_688 : vector<16xi32>
      %add3A_690 = vector.broadcast %add3A_334 : i32 to vector<16xi32>
      %add3A_691 = arith.addi %add3A_690, %add3A_687 : vector<16xi32>
      %broadcast_in_dim3A_692 = vector.broadcast %add3A_338 : i32 to vector<16xi32>
      %select_n3A_693 = arith.select %lt3A_689, %add3A_691, %broadcast_in_dim3A_692 : vector<16xi1>, vector<16xi32>
      %swap3A_694 = arith.constant 320 : index
      %swap3A_695 = tpu.vector_load %arg11[%swap3A_694] {strides = array<i32>} : memref<512xi32, #tpu.memory_space<vmem>>, vector<16xi32>,
      tpu.vector_store %arg11[%swap3A_694], %select_n3A_693 {strides = array<i32>} : memref<512xi32, #tpu.memory_space<vmem>>, vector<16xi32>,
      %mul3A_696 = arith.constant 512 : i32
      %mul3A_697 = arith.muli %while3A_379, %mul3A_696 : i32
      %add3A_698 = vector.broadcast %mul3A_697 : i32 to vector<16xi32>
      %add3A_699 = arith.addi %iota3A, %add3A_698 : vector<16xi32>
      %add3A_700 = arith.constant 336 : i32
      %add3A_701 = vector.broadcast %add3A_700 : i32 to vector<16xi32>
      %add3A_702 = arith.addi %add3A_699, %add3A_701 : vector<16xi32>
      %lt3A_703 = vector.broadcast %sub3A_326 : i32 to vector<16xi32>
      %lt3A_704 = arith.cmpi slt, %add3A_702, %lt3A_703 : vector<16xi32>
      %add3A_705 = vector.broadcast %add3A_334 : i32 to vector<16xi32>
      %add3A_706 = arith.addi %add3A_705, %add3A_702 : vector<16xi32>
      %broadcast_in_dim3A_707 = vector.broadcast %add3A_338 : i32 to vector<16xi32>
      %select_n3A_708 = arith.select %lt3A_704, %add3A_706, %broadcast_in_dim3A_707 : vector<16xi1>, vector<16xi32>
      %swap3A_709 = arith.constant 336 : index
      %swap3A_710 = tpu.vector_load %arg11[%swap3A_709] {strides = array<i32>} : memref<512xi32, #tpu.memory_space<vmem>>, vector<16xi32>,
      tpu.vector_store %arg11[%swap3A_709], %select_n3A_708 {strides = array<i32>} : memref<512xi32, #tpu.memory_space<vmem>>, vector<16xi32>,
      %mul3A_711 = arith.constant 512 : i32
      %mul3A_712 = arith.muli %while3A_379, %mul3A_711 : i32
      %add3A_713 = vector.broadcast %mul3A_712 : i32 to vector<16xi32>
      %add3A_714 = arith.addi %iota3A, %add3A_713 : vector<16xi32>
      %add3A_715 = arith.constant 352 : i32
      %add3A_716 = vector.broadcast %add3A_715 : i32 to vector<16xi32>
      %add3A_717 = arith.addi %add3A_714, %add3A_716 : vector<16xi32>
      %lt3A_718 = vector.broadcast %sub3A_326 : i32 to vector<16xi32>
      %lt3A_719 = arith.cmpi slt, %add3A_717, %lt3A_718 : vector<16xi32>
      %add3A_720 = vector.broadcast %add3A_334 : i32 to vector<16xi32>
      %add3A_721 = arith.addi %add3A_720, %add3A_717 : vector<16xi32>
      %broadcast_in_dim3A_722 = vector.broadcast %add3A_338 : i32 to vector<16xi32>
      %select_n3A_723 = arith.select %lt3A_719, %add3A_721, %broadcast_in_dim3A_722 : vector<16xi1>, vector<16xi32>
      %swap3A_724 = arith.constant 352 : index
      %swap3A_725 = tpu.vector_load %arg11[%swap3A_724] {strides = array<i32>} : memref<512xi32, #tpu.memory_space<vmem>>, vector<16xi32>,
      tpu.vector_store %arg11[%swap3A_724], %select_n3A_723 {strides = array<i32>} : memref<512xi32, #tpu.memory_space<vmem>>, vector<16xi32>,
      %mul3A_726 = arith.constant 512 : i32
      %mul3A_727 = arith.muli %while3A_379, %mul3A_726 : i32
      %add3A_728 = vector.broadcast %mul3A_727 : i32 to vector<16xi32>
      %add3A_729 = arith.addi %iota3A, %add3A_728 : vector<16xi32>
      %add3A_730 = arith.constant 368 : i32
      %add3A_731 = vector.broadcast %add3A_730 : i32 to vector<16xi32>
      %add3A_732 = arith.addi %add3A_729, %add3A_731 : vector<16xi32>
      %lt3A_733 = vector.broadcast %sub3A_326 : i32 to vector<16xi32>
      %lt3A_734 = arith.cmpi slt, %add3A_732, %lt3A_733 : vector<16xi32>
      %add3A_735 = vector.broadcast %add3A_334 : i32 to vector<16xi32>
      %add3A_736 = arith.addi %add3A_735, %add3A_732 : vector<16xi32>
      %broadcast_in_dim3A_737 = vector.broadcast %add3A_338 : i32 to vector<16xi32>
      %select_n3A_738 = arith.select %lt3A_734, %add3A_736, %broadcast_in_dim3A_737 : vector<16xi1>, vector<16xi32>
      %swap3A_739 = arith.constant 368 : index
      %swap3A_740 = tpu.vector_load %arg11[%swap3A_739] {strides = array<i32>} : memref<512xi32, #tpu.memory_space<vmem>>, vector<16xi32>,
      tpu.vector_store %arg11[%swap3A_739], %select_n3A_738 {strides = array<i32>} : memref<512xi32, #tpu.memory_space<vmem>>, vector<16xi32>,
      %mul3A_741 = arith.constant 512 : i32
      %mul3A_742 = arith.muli %while3A_379, %mul3A_741 : i32
      %add3A_743 = vector.broadcast %mul3A_742 : i32 to vector<16xi32>
      %add3A_744 = arith.addi %iota3A, %add3A_743 : vector<16xi32>
      %add3A_745 = arith.constant 384 : i32
      %add3A_746 = vector.broadcast %add3A_745 : i32 to vector<16xi32>
      %add3A_747 = arith.addi %add3A_744, %add3A_746 : vector<16xi32>
      %lt3A_748 = vector.broadcast %sub3A_326 : i32 to vector<16xi32>
      %lt3A_749 = arith.cmpi slt, %add3A_747, %lt3A_748 : vector<16xi32>
      %add3A_750 = vector.broadcast %add3A_334 : i32 to vector<16xi32>
      %add3A_751 = arith.addi %add3A_750, %add3A_747 : vector<16xi32>
      %broadcast_in_dim3A_752 = vector.broadcast %add3A_338 : i32 to vector<16xi32>
      %select_n3A_753 = arith.select %lt3A_749, %add3A_751, %broadcast_in_dim3A_752 : vector<16xi1>, vector<16xi32>
      %swap3A_754 = arith.constant 384 : index
      %swap3A_755 = tpu.vector_load %arg11[%swap3A_754] {strides = array<i32>} : memref<512xi32, #tpu.memory_space<vmem>>, vector<16xi32>,
      tpu.vector_store %arg11[%swap3A_754], %select_n3A_753 {strides = array<i32>} : memref<512xi32, #tpu.memory_space<vmem>>, vector<16xi32>,
      %mul3A_756 = arith.constant 512 : i32
      %mul3A_757 = arith.muli %while3A_379, %mul3A_756 : i32
      %add3A_758 = vector.broadcast %mul3A_757 : i32 to vector<16xi32>
      %add3A_759 = arith.addi %iota3A, %add3A_758 : vector<16xi32>
      %add3A_760 = arith.constant 400 : i32
      %add3A_761 = vector.broadcast %add3A_760 : i32 to vector<16xi32>
      %add3A_762 = arith.addi %add3A_759, %add3A_761 : vector<16xi32>
      %lt3A_763 = vector.broadcast %sub3A_326 : i32 to vector<16xi32>
      %lt3A_764 = arith.cmpi slt, %add3A_762, %lt3A_763 : vector<16xi32>
      %add3A_765 = vector.broadcast %add3A_334 : i32 to vector<16xi32>
      %add3A_766 = arith.addi %add3A_765, %add3A_762 : vector<16xi32>
      %broadcast_in_dim3A_767 = vector.broadcast %add3A_338 : i32 to vector<16xi32>
      %select_n3A_768 = arith.select %lt3A_764, %add3A_766, %broadcast_in_dim3A_767 : vector<16xi1>, vector<16xi32>
      %swap3A_769 = arith.constant 400 : index
      %swap3A_770 = tpu.vector_load %arg11[%swap3A_769] {strides = array<i32>} : memref<512xi32, #tpu.memory_space<vmem>>, vector<16xi32>,
      tpu.vector_store %arg11[%swap3A_769], %select_n3A_768 {strides = array<i32>} : memref<512xi32, #tpu.memory_space<vmem>>, vector<16xi32>,
      %mul3A_771 = arith.constant 512 : i32
      %mul3A_772 = arith.muli %while3A_379, %mul3A_771 : i32
      %add3A_773 = vector.broadcast %mul3A_772 : i32 to vector<16xi32>
      %add3A_774 = arith.addi %iota3A, %add3A_773 : vector<16xi32>
      %add3A_775 = arith.constant 416 : i32
      %add3A_776 = vector.broadcast %add3A_775 : i32 to vector<16xi32>
      %add3A_777 = arith.addi %add3A_774, %add3A_776 : vector<16xi32>
      %lt3A_778 = vector.broadcast %sub3A_326 : i32 to vector<16xi32>
      %lt3A_779 = arith.cmpi slt, %add3A_777, %lt3A_778 : vector<16xi32>
      %add3A_780 = vector.broadcast %add3A_334 : i32 to vector<16xi32>
      %add3A_781 = arith.addi %add3A_780, %add3A_777 : vector<16xi32>
      %broadcast_in_dim3A_782 = vector.broadcast %add3A_338 : i32 to vector<16xi32>
      %select_n3A_783 = arith.select %lt3A_779, %add3A_781, %broadcast_in_dim3A_782 : vector<16xi1>, vector<16xi32>
      %swap3A_784 = arith.constant 416 : index
      %swap3A_785 = tpu.vector_load %arg11[%swap3A_784] {strides = array<i32>} : memref<512xi32, #tpu.memory_space<vmem>>, vector<16xi32>,
      tpu.vector_store %arg11[%swap3A_784], %select_n3A_783 {strides = array<i32>} : memref<512xi32, #tpu.memory_space<vmem>>, vector<16xi32>,
      %mul3A_786 = arith.constant 512 : i32
      %mul3A_787 = arith.muli %while3A_379, %mul3A_786 : i32
      %add3A_788 = vector.broadcast %mul3A_787 : i32 to vector<16xi32>
      %add3A_789 = arith.addi %iota3A, %add3A_788 : vector<16xi32>
      %add3A_790 = arith.constant 432 : i32
      %add3A_791 = vector.broadcast %add3A_790 : i32 to vector<16xi32>
      %add3A_792 = arith.addi %add3A_789, %add3A_791 : vector<16xi32>
      %lt3A_793 = vector.broadcast %sub3A_326 : i32 to vector<16xi32>
      %lt3A_794 = arith.cmpi slt, %add3A_792, %lt3A_793 : vector<16xi32>
      %add3A_795 = vector.broadcast %add3A_334 : i32 to vector<16xi32>
      %add3A_796 = arith.addi %add3A_795, %add3A_792 : vector<16xi32>
      %broadcast_in_dim3A_797 = vector.broadcast %add3A_338 : i32 to vector<16xi32>
      %select_n3A_798 = arith.select %lt3A_794, %add3A_796, %broadcast_in_dim3A_797 : vector<16xi1>, vector<16xi32>
      %swap3A_799 = arith.constant 432 : index
      %swap3A_800 = tpu.vector_load %arg11[%swap3A_799] {strides = array<i32>} : memref<512xi32, #tpu.memory_space<vmem>>, vector<16xi32>,
      tpu.vector_store %arg11[%swap3A_799], %select_n3A_798 {strides = array<i32>} : memref<512xi32, #tpu.memory_space<vmem>>, vector<16xi32>,
      %mul3A_801 = arith.constant 512 : i32
      %mul3A_802 = arith.muli %while3A_379, %mul3A_801 : i32
      %add3A_803 = vector.broadcast %mul3A_802 : i32 to vector<16xi32>
      %add3A_804 = arith.addi %iota3A, %add3A_803 : vector<16xi32>
      %add3A_805 = arith.constant 448 : i32
      %add3A_806 = vector.broadcast %add3A_805 : i32 to vector<16xi32>
      %add3A_807 = arith.addi %add3A_804, %add3A_806 : vector<16xi32>
      %lt3A_808 = vector.broadcast %sub3A_326 : i32 to vector<16xi32>
      %lt3A_809 = arith.cmpi slt, %add3A_807, %lt3A_808 : vector<16xi32>
      %add3A_810 = vector.broadcast %add3A_334 : i32 to vector<16xi32>
      %add3A_811 = arith.addi %add3A_810, %add3A_807 : vector<16xi32>
      %broadcast_in_dim3A_812 = vector.broadcast %add3A_338 : i32 to vector<16xi32>
      %select_n3A_813 = arith.select %lt3A_809, %add3A_811, %broadcast_in_dim3A_812 : vector<16xi1>, vector<16xi32>
      %swap3A_814 = arith.constant 448 : index
      %swap3A_815 = tpu.vector_load %arg11[%swap3A_814] {strides = array<i32>} : memref<512xi32, #tpu.memory_space<vmem>>, vector<16xi32>,
      tpu.vector_store %arg11[%swap3A_814], %select_n3A_813 {strides = array<i32>} : memref<512xi32, #tpu.memory_space<vmem>>, vector<16xi32>,
      %mul3A_816 = arith.constant 512 : i32
      %mul3A_817 = arith.muli %while3A_379, %mul3A_816 : i32
      %add3A_818 = vector.broadcast %mul3A_817 : i32 to vector<16xi32>
      %add3A_819 = arith.addi %iota3A, %add3A_818 : vector<16xi32>
      %add3A_820 = arith.constant 464 : i32
      %add3A_821 = vector.broadcast %add3A_820 : i32 to vector<16xi32>
      %add3A_822 = arith.addi %add3A_819, %add3A_821 : vector<16xi32>
      %lt3A_823 = vector.broadcast %sub3A_326 : i32 to vector<16xi32>
      %lt3A_824 = arith.cmpi slt, %add3A_822, %lt3A_823 : vector<16xi32>
      %add3A_825 = vector.broadcast %add3A_334 : i32 to vector<16xi32>
      %add3A_826 = arith.addi %add3A_825, %add3A_822 : vector<16xi32>
      %broadcast_in_dim3A_827 = vector.broadcast %add3A_338 : i32 to vector<16xi32>
      %select_n3A_828 = arith.select %lt3A_824, %add3A_826, %broadcast_in_dim3A_827 : vector<16xi1>, vector<16xi32>
      %swap3A_829 = arith.constant 464 : index
      %swap3A_830 = tpu.vector_load %arg11[%swap3A_829] {strides = array<i32>} : memref<512xi32, #tpu.memory_space<vmem>>, vector<16xi32>,
      tpu.vector_store %arg11[%swap3A_829], %select_n3A_828 {strides = array<i32>} : memref<512xi32, #tpu.memory_space<vmem>>, vector<16xi32>,
      %mul3A_831 = arith.constant 512 : i32
      %mul3A_832 = arith.muli %while3A_379, %mul3A_831 : i32
      %add3A_833 = vector.broadcast %mul3A_832 : i32 to vector<16xi32>
      %add3A_834 = arith.addi %iota3A, %add3A_833 : vector<16xi32>
      %add3A_835 = arith.constant 480 : i32
      %add3A_836 = vector.broadcast %add3A_835 : i32 to vector<16xi32>
      %add3A_837 = arith.addi %add3A_834, %add3A_836 : vector<16xi32>
      %lt3A_838 = vector.broadcast %sub3A_326 : i32 to vector<16xi32>
      %lt3A_839 = arith.cmpi slt, %add3A_837, %lt3A_838 : vector<16xi32>
      %add3A_840 = vector.broadcast %add3A_334 : i32 to vector<16xi32>
      %add3A_841 = arith.addi %add3A_840, %add3A_837 : vector<16xi32>
      %broadcast_in_dim3A_842 = vector.broadcast %add3A_338 : i32 to vector<16xi32>
      %select_n3A_843 = arith.select %lt3A_839, %add3A_841, %broadcast_in_dim3A_842 : vector<16xi1>, vector<16xi32>
      %swap3A_844 = arith.constant 480 : index
      %swap3A_845 = tpu.vector_load %arg11[%swap3A_844] {strides = array<i32>} : memref<512xi32, #tpu.memory_space<vmem>>, vector<16xi32>,
      tpu.vector_store %arg11[%swap3A_844], %select_n3A_843 {strides = array<i32>} : memref<512xi32, #tpu.memory_space<vmem>>, vector<16xi32>,
      %mul3A_846 = arith.constant 512 : i32
      %mul3A_847 = arith.muli %while3A_379, %mul3A_846 : i32
      %add3A_848 = vector.broadcast %mul3A_847 : i32 to vector<16xi32>
      %add3A_849 = arith.addi %iota3A, %add3A_848 : vector<16xi32>
      %add3A_850 = arith.constant 496 : i32
      %add3A_851 = vector.broadcast %add3A_850 : i32 to vector<16xi32>
      %add3A_852 = arith.addi %add3A_849, %add3A_851 : vector<16xi32>
      %lt3A_853 = vector.broadcast %sub3A_326 : i32 to vector<16xi32>
      %lt3A_854 = arith.cmpi slt, %add3A_852, %lt3A_853 : vector<16xi32>
      %add3A_855 = vector.broadcast %add3A_334 : i32 to vector<16xi32>
      %add3A_856 = arith.addi %add3A_855, %add3A_852 : vector<16xi32>
      %broadcast_in_dim3A_857 = vector.broadcast %add3A_338 : i32 to vector<16xi32>
      %select_n3A_858 = arith.select %lt3A_854, %add3A_856, %broadcast_in_dim3A_857 : vector<16xi1>, vector<16xi32>
      %swap3A_859 = arith.constant 496 : index
      %swap3A_860 = tpu.vector_load %arg11[%swap3A_859] {strides = array<i32>} : memref<512xi32, #tpu.memory_space<vmem>>, vector<16xi32>,
      tpu.vector_store %arg11[%swap3A_859], %select_n3A_858 {strides = array<i32>} : memref<512xi32, #tpu.memory_space<vmem>>, vector<16xi32>,
      %mul3A_861 = arith.constant 512 : i32
      %mul3A_862 = arith.muli %while3A_379, %mul3A_861 : i32
      %dma_start3A = arith.constant 0 : i32
      %dma_start3A_863 = tpu.memref_slice %arg5[%mul3A_862, %dma_start3A] : memref<3584x16xi32, #tpu.memory_space<vmem>> -> memref<512x16xi32, #tpu.memory_space<vmem>>
      %dma_start3A_864 = arith.constant 0 : i32
      %dma_start3A_865 = arith.constant 0 : i32
      %dma_start3A_866 = tpu.memref_slice %arg3[%dma_start3A_864, %dma_start3A_865] : memref<25096x16xi32, #tpu.memory_space<hbm>> -> memref<25096x16xi32, #tpu.memory_space<hbm>>
      tpu.enqueue_indirect_dma source(%dma_start3A_863 : memref<512x16xi32, #tpu.memory_space<vmem>>) target(%dma_start3A_866 : memref<25096x16xi32, #tpu.memory_space<hbm>>) offsets(%arg11 : memref<512xi32, #tpu.memory_space<vmem>>) semaphore(%arg13 : memref<!tpu.dma_semaphore, #tpu.memory_space<semaphore_mem>>)
      %dma_wait3A = arith.constant 0 : i32
      %dma_wait3A_867 = tpu.memref_slice %arg5[%mul3A_862, %dma_wait3A] : memref<3584x16xi32, #tpu.memory_space<vmem>> -> memref<512x16xi32, #tpu.memory_space<vmem>>
      %dma_wait3A_868 = arith.constant 0 : i32
      %dma_wait3A_869 = arith.constant 0 : i32
      %dma_wait3A_870 = tpu.memref_slice %arg3[%dma_wait3A_868, %dma_wait3A_869] : memref<25096x16xi32, #tpu.memory_space<hbm>> -> memref<25096x16xi32, #tpu.memory_space<hbm>>
      tpu.wait_indirect_dma semaphore(%arg13 : memref<!tpu.dma_semaphore, #tpu.memory_space<semaphore_mem>>) src(%dma_wait3A_867 : memref<512x16xi32, #tpu.memory_space<vmem>>) dst(%dma_wait3A_870 : memref<25096x16xi32, #tpu.memory_space<hbm>>)
      %while3A_871 = arith.constant 0 : i32
      scf.yield %while3A_871 : i32
    }
    return
  }
}

module attributes {stable_mosaic.version = 14 : i64} {
  func.func @_pack_body(%arg0: i32, %arg1: memref<1x4x50176xf32, #tpu.memory_space<vmem>>, %arg2: memref<1x1x50176xi32, #tpu.memory_space<vmem>>) attributes {dimension_semantics = [#tpu.dimension_semantics<arbitrary>], iteration_bounds = array<i64: 8>, scalar_prefetch = 0 : i64, scratch_operands = 0 : i64, tpu.core_type = #tpu.core_type<tc>, window_params = [{transform_indices = @transform_0, window_bounds = array<i64: 1, 4, 50176>}, {transform_indices = @transform_1, window_bounds = array<i64: 1, 1, 50176>}]} {
    %get3A = arith.constant 0 : index
    %get3A_0 = arith.constant 0 : index
    %get3A_1 = arith.constant 0 : index
    %get3A_2 = vector.load %arg1[%get3A, %get3A_0, %get3A_1] : memref<1x4x50176xf32, #tpu.memory_space<vmem>>, vector<1x1x50176xf32>
    %get3A_3 = vector.shape_cast %get3A_2 : vector<1x1x50176xf32> to vector<50176xf32>
    %add3A = arith.constant 1.000000e+00 : f32
    %add3A_4 = vector.broadcast %add3A : f32 to vector<50176xf32>
    %add3A_5 = arith.addf %get3A_3, %add3A_4 : vector<50176xf32>
    %mul3A = arith.constant 1.275000e+02 : f32
    %mul3A_6 = vector.broadcast %mul3A : f32 to vector<50176xf32>
    %mul3A_7 = arith.mulf %add3A_5, %mul3A_6 : vector<50176xf32>
    %jit3A = arith.constant 0.000000e+00 : f32
    %jit3A_8 = arith.constant 2.550000e+02 : f32
    %max3A = vector.broadcast %jit3A : f32 to vector<50176xf32>
    %max3A_9 = arith.maximumf %max3A, %mul3A_7 : vector<50176xf32>
    %min3A = vector.broadcast %jit3A_8 : f32 to vector<50176xf32>
    %min3A_10 = arith.minimumf %min3A, %max3A_9 : vector<50176xf32>
    %convert_element_type3A = arith.fptosi %min3A_10 : vector<50176xf32> to vector<50176xi32>
    %shift_left3A = arith.constant 8 : i32
    %shift_left3A_11 = vector.broadcast %shift_left3A : i32 to vector<50176xi32>
    %shift_left3A_12 = arith.shli %convert_element_type3A, %shift_left3A_11 : vector<50176xi32>
    %get3A_13 = arith.constant 0 : index
    %get3A_14 = arith.constant 1 : index
    %get3A_15 = arith.constant 0 : index
    %get3A_16 = vector.load %arg1[%get3A_13, %get3A_14, %get3A_15] : memref<1x4x50176xf32, #tpu.memory_space<vmem>>, vector<1x1x50176xf32>
    %get3A_17 = vector.shape_cast %get3A_16 : vector<1x1x50176xf32> to vector<50176xf32>
    %add3A_18 = arith.constant 1.000000e+00 : f32
    %add3A_19 = vector.broadcast %add3A_18 : f32 to vector<50176xf32>
    %add3A_20 = arith.addf %get3A_17, %add3A_19 : vector<50176xf32>
    %mul3A_21 = arith.constant 1.275000e+02 : f32
    %mul3A_22 = vector.broadcast %mul3A_21 : f32 to vector<50176xf32>
    %mul3A_23 = arith.mulf %add3A_20, %mul3A_22 : vector<50176xf32>
    %jit3A_24 = arith.constant 0.000000e+00 : f32
    %jit3A_25 = arith.constant 2.550000e+02 : f32
    %max3A_26 = vector.broadcast %jit3A_24 : f32 to vector<50176xf32>
    %max3A_27 = arith.maximumf %max3A_26, %mul3A_23 : vector<50176xf32>
    %min3A_28 = vector.broadcast %jit3A_25 : f32 to vector<50176xf32>
    %min3A_29 = arith.minimumf %min3A_28, %max3A_27 : vector<50176xf32>
    %convert_element_type3A_30 = arith.fptosi %min3A_29 : vector<50176xf32> to vector<50176xi32>
    %or3A = arith.ori %shift_left3A_12, %convert_element_type3A_30 : vector<50176xi32>
    %shift_left3A_31 = arith.constant 8 : i32
    %shift_left3A_32 = vector.broadcast %shift_left3A_31 : i32 to vector<50176xi32>
    %shift_left3A_33 = arith.shli %or3A, %shift_left3A_32 : vector<50176xi32>
    %get3A_34 = arith.constant 0 : index
    %get3A_35 = arith.constant 2 : index
    %get3A_36 = arith.constant 0 : index
    %get3A_37 = vector.load %arg1[%get3A_34, %get3A_35, %get3A_36] : memref<1x4x50176xf32, #tpu.memory_space<vmem>>, vector<1x1x50176xf32>
    %get3A_38 = vector.shape_cast %get3A_37 : vector<1x1x50176xf32> to vector<50176xf32>
    %add3A_39 = arith.constant 1.000000e+00 : f32
    %add3A_40 = vector.broadcast %add3A_39 : f32 to vector<50176xf32>
    %add3A_41 = arith.addf %get3A_38, %add3A_40 : vector<50176xf32>
    %mul3A_42 = arith.constant 1.275000e+02 : f32
    %mul3A_43 = vector.broadcast %mul3A_42 : f32 to vector<50176xf32>
    %mul3A_44 = arith.mulf %add3A_41, %mul3A_43 : vector<50176xf32>
    %jit3A_45 = arith.constant 0.000000e+00 : f32
    %jit3A_46 = arith.constant 2.550000e+02 : f32
    %max3A_47 = vector.broadcast %jit3A_45 : f32 to vector<50176xf32>
    %max3A_48 = arith.maximumf %max3A_47, %mul3A_44 : vector<50176xf32>
    %min3A_49 = vector.broadcast %jit3A_46 : f32 to vector<50176xf32>
    %min3A_50 = arith.minimumf %min3A_49, %max3A_48 : vector<50176xf32>
    %convert_element_type3A_51 = arith.fptosi %min3A_50 : vector<50176xf32> to vector<50176xi32>
    %or3A_52 = arith.ori %shift_left3A_33, %convert_element_type3A_51 : vector<50176xi32>
    %shift_left3A_53 = arith.constant 8 : i32
    %shift_left3A_54 = vector.broadcast %shift_left3A_53 : i32 to vector<50176xi32>
    %shift_left3A_55 = arith.shli %or3A_52, %shift_left3A_54 : vector<50176xi32>
    %get3A_56 = arith.constant 0 : index
    %get3A_57 = arith.constant 3 : index
    %get3A_58 = arith.constant 0 : index
    %get3A_59 = vector.load %arg1[%get3A_56, %get3A_57, %get3A_58] : memref<1x4x50176xf32, #tpu.memory_space<vmem>>, vector<1x1x50176xf32>
    %get3A_60 = vector.shape_cast %get3A_59 : vector<1x1x50176xf32> to vector<50176xf32>
    %add3A_61 = arith.constant 1.000000e+00 : f32
    %add3A_62 = vector.broadcast %add3A_61 : f32 to vector<50176xf32>
    %add3A_63 = arith.addf %get3A_60, %add3A_62 : vector<50176xf32>
    %mul3A_64 = arith.constant 1.275000e+02 : f32
    %mul3A_65 = vector.broadcast %mul3A_64 : f32 to vector<50176xf32>
    %mul3A_66 = arith.mulf %add3A_63, %mul3A_65 : vector<50176xf32>
    %jit3A_67 = arith.constant 0.000000e+00 : f32
    %jit3A_68 = arith.constant 2.550000e+02 : f32
    %max3A_69 = vector.broadcast %jit3A_67 : f32 to vector<50176xf32>
    %max3A_70 = arith.maximumf %max3A_69, %mul3A_66 : vector<50176xf32>
    %min3A_71 = vector.broadcast %jit3A_68 : f32 to vector<50176xf32>
    %min3A_72 = arith.minimumf %min3A_71, %max3A_70 : vector<50176xf32>
    %convert_element_type3A_73 = arith.fptosi %min3A_72 : vector<50176xf32> to vector<50176xi32>
    %or3A_74 = arith.ori %shift_left3A_55, %convert_element_type3A_73 : vector<50176xi32>
    %swap3A = arith.constant 0 : index
    %swap3A_75 = arith.constant 0 : index
    %swap3A_76 = arith.constant 0 : index
    %swap3A_77 = vector.load %arg2[%swap3A, %swap3A_75, %swap3A_76] : memref<1x1x50176xi32, #tpu.memory_space<vmem>>, vector<1x1x50176xi32>
    %swap3A_78 = vector.shape_cast %swap3A_77 : vector<1x1x50176xi32> to vector<50176xi32>
    %swap3A_79 = vector.shape_cast %or3A_74 : vector<50176xi32> to vector<1x1x50176xi32>
    tpu.vector_store %arg2[%swap3A, %swap3A_75, %swap3A_76], %swap3A_79 {strides = array<i32>} : memref<1x1x50176xi32, #tpu.memory_space<vmem>>, vector<1x1x50176xi32>,
    return
  }
  func.func @transform_0(%arg0: i32) -> (i32, i32, i32) {
    %c0_i32 = arith.constant 0 : i32
    %c0_i32_0 = arith.constant 0 : i32
    %c0_i32_1 = arith.constant 0 : i32
    return %arg0, %c0_i32, %c0_i32_0 : i32, i32, i32
  }
  func.func @transform_1(%arg0: i32) -> (i32, i32, i32) {
    %c0_i32 = arith.constant 0 : i32
    %c0_i32_0 = arith.constant 0 : i32
    %c0_i32_1 = arith.constant 0 : i32
    return %arg0, %c0_i32, %c0_i32_0 : i32, i32, i32
  }
}

module attributes {stable_mosaic.version = 14 : i64} {
  func.func @_decode_body(%arg0: i32, %arg1: memref<1x1x50176xi32, #tpu.memory_space<vmem>>, %arg2: memref<1x1x1xi32, #tpu.memory_space<smem>>, %arg3: memref<1x4x50176xf32, #tpu.memory_space<vmem>>) attributes {dimension_semantics = [#tpu.dimension_semantics<arbitrary>], iteration_bounds = array<i64: 8>, scalar_prefetch = 0 : i64, scratch_operands = 0 : i64, tpu.core_type = #tpu.core_type<tc>, window_params = [{transform_indices = @transform_0, window_bounds = array<i64: 1, 1, 50176>}, {transform_indices = @transform_1, window_bounds = array<i64: 1, 1, 1>}, {transform_indices = @transform_2, window_bounds = array<i64: 1, 4, 50176>}]} {
    %get3A = arith.constant 0 : index
    %get3A_0 = arith.constant 0 : index
    %get3A_1 = arith.constant 0 : index
    %get3A_2 = vector.load %arg1[%get3A, %get3A_0, %get3A_1] : memref<1x1x50176xi32, #tpu.memory_space<vmem>>, vector<1x1x50176xi32>
    %get3A_3 = vector.shape_cast %get3A_2 : vector<1x1x50176xi32> to vector<50176xi32>
    %iota3A = tpu.iota {dimensions = array<i32: 1>} : vector<1x50176xi32>
    %iota3A_4 = vector.shape_cast %iota3A : vector<1x50176xi32> to vector<50176xi32>
    %get3A_5 = arith.constant 0 : index
    %get3A_6 = arith.constant 0 : index
    %get3A_7 = arith.constant 0 : index
    %get3A_8 = memref.load %arg2[%get3A_5, %get3A_6, %get3A_7] : memref<1x1x1xi32, #tpu.memory_space<smem>>
    %lt3A = vector.broadcast %get3A_8 : i32 to vector<50176xi32>
    %lt3A_9 = arith.cmpi slt, %iota3A_4, %lt3A : vector<50176xi32>
    %jit3A = arith.constant 0 : i32
    %broadcast_in_dim3A = vector.broadcast %jit3A : i32 to vector<50176xi32>
    %select_n3A = arith.select %lt3A_9, %get3A_3, %broadcast_in_dim3A : vector<50176xi1>, vector<50176xi32>
    %shift_right_logical3A = arith.constant 24 : i32
    %shift_right_logical3A_10 = vector.broadcast %shift_right_logical3A : i32 to vector<50176xi32>
    %shift_right_logical3A_11 = arith.shrui %select_n3A, %shift_right_logical3A_10 : vector<50176xi32>
    %and3A = arith.constant 255 : i32
    %and3A_12 = vector.broadcast %and3A : i32 to vector<50176xi32>
    %and3A_13 = arith.andi %shift_right_logical3A_11, %and3A_12 : vector<50176xi32>
    %convert_element_type3A = arith.sitofp %and3A_13 : vector<50176xi32> to vector<50176xf32>
    %mul3A = arith.constant 0.00784313772 : f32
    %mul3A_14 = vector.broadcast %mul3A : f32 to vector<50176xf32>
    %mul3A_15 = arith.mulf %convert_element_type3A, %mul3A_14 : vector<50176xf32>
    %sub3A = arith.constant 1.000000e+00 : f32
    %sub3A_16 = vector.broadcast %sub3A : f32 to vector<50176xf32>
    %sub3A_17 = arith.subf %mul3A_15, %sub3A_16 : vector<50176xf32>
    %swap3A = arith.constant 0 : index
    %swap3A_18 = arith.constant 0 : index
    %swap3A_19 = arith.constant 0 : index
    %swap3A_20 = vector.load %arg3[%swap3A, %swap3A_18, %swap3A_19] : memref<1x4x50176xf32, #tpu.memory_space<vmem>>, vector<1x1x50176xf32>
    %swap3A_21 = vector.shape_cast %swap3A_20 : vector<1x1x50176xf32> to vector<50176xf32>
    %swap3A_22 = vector.shape_cast %sub3A_17 : vector<50176xf32> to vector<1x1x50176xf32>
    tpu.vector_store %arg3[%swap3A, %swap3A_18, %swap3A_19], %swap3A_22 {strides = array<i32>} : memref<1x4x50176xf32, #tpu.memory_space<vmem>>, vector<1x1x50176xf32>,
    %shift_right_logical3A_23 = arith.constant 16 : i32
    %shift_right_logical3A_24 = vector.broadcast %shift_right_logical3A_23 : i32 to vector<50176xi32>
    %shift_right_logical3A_25 = arith.shrui %select_n3A, %shift_right_logical3A_24 : vector<50176xi32>
    %and3A_26 = arith.constant 255 : i32
    %and3A_27 = vector.broadcast %and3A_26 : i32 to vector<50176xi32>
    %and3A_28 = arith.andi %shift_right_logical3A_25, %and3A_27 : vector<50176xi32>
    %convert_element_type3A_29 = arith.sitofp %and3A_28 : vector<50176xi32> to vector<50176xf32>
    %mul3A_30 = arith.constant 0.00784313772 : f32
    %mul3A_31 = vector.broadcast %mul3A_30 : f32 to vector<50176xf32>
    %mul3A_32 = arith.mulf %convert_element_type3A_29, %mul3A_31 : vector<50176xf32>
    %sub3A_33 = arith.constant 1.000000e+00 : f32
    %sub3A_34 = vector.broadcast %sub3A_33 : f32 to vector<50176xf32>
    %sub3A_35 = arith.subf %mul3A_32, %sub3A_34 : vector<50176xf32>
    %swap3A_36 = arith.constant 0 : index
    %swap3A_37 = arith.constant 1 : index
    %swap3A_38 = arith.constant 0 : index
    %swap3A_39 = vector.load %arg3[%swap3A_36, %swap3A_37, %swap3A_38] : memref<1x4x50176xf32, #tpu.memory_space<vmem>>, vector<1x1x50176xf32>
    %swap3A_40 = vector.shape_cast %swap3A_39 : vector<1x1x50176xf32> to vector<50176xf32>
    %swap3A_41 = vector.shape_cast %sub3A_35 : vector<50176xf32> to vector<1x1x50176xf32>
    tpu.vector_store %arg3[%swap3A_36, %swap3A_37, %swap3A_38], %swap3A_41 {strides = array<i32>} : memref<1x4x50176xf32, #tpu.memory_space<vmem>>, vector<1x1x50176xf32>,
    %shift_right_logical3A_42 = arith.constant 8 : i32
    %shift_right_logical3A_43 = vector.broadcast %shift_right_logical3A_42 : i32 to vector<50176xi32>
    %shift_right_logical3A_44 = arith.shrui %select_n3A, %shift_right_logical3A_43 : vector<50176xi32>
    %and3A_45 = arith.constant 255 : i32
    %and3A_46 = vector.broadcast %and3A_45 : i32 to vector<50176xi32>
    %and3A_47 = arith.andi %shift_right_logical3A_44, %and3A_46 : vector<50176xi32>
    %convert_element_type3A_48 = arith.sitofp %and3A_47 : vector<50176xi32> to vector<50176xf32>
    %mul3A_49 = arith.constant 0.00784313772 : f32
    %mul3A_50 = vector.broadcast %mul3A_49 : f32 to vector<50176xf32>
    %mul3A_51 = arith.mulf %convert_element_type3A_48, %mul3A_50 : vector<50176xf32>
    %sub3A_52 = arith.constant 1.000000e+00 : f32
    %sub3A_53 = vector.broadcast %sub3A_52 : f32 to vector<50176xf32>
    %sub3A_54 = arith.subf %mul3A_51, %sub3A_53 : vector<50176xf32>
    %swap3A_55 = arith.constant 0 : index
    %swap3A_56 = arith.constant 2 : index
    %swap3A_57 = arith.constant 0 : index
    %swap3A_58 = vector.load %arg3[%swap3A_55, %swap3A_56, %swap3A_57] : memref<1x4x50176xf32, #tpu.memory_space<vmem>>, vector<1x1x50176xf32>
    %swap3A_59 = vector.shape_cast %swap3A_58 : vector<1x1x50176xf32> to vector<50176xf32>
    %swap3A_60 = vector.shape_cast %sub3A_54 : vector<50176xf32> to vector<1x1x50176xf32>
    tpu.vector_store %arg3[%swap3A_55, %swap3A_56, %swap3A_57], %swap3A_60 {strides = array<i32>} : memref<1x4x50176xf32, #tpu.memory_space<vmem>>, vector<1x1x50176xf32>,
    %shift_right_logical3A_61 = arith.constant 0 : i32
    %shift_right_logical3A_62 = vector.broadcast %shift_right_logical3A_61 : i32 to vector<50176xi32>
    %shift_right_logical3A_63 = arith.shrui %select_n3A, %shift_right_logical3A_62 : vector<50176xi32>
    %and3A_64 = arith.constant 255 : i32
    %and3A_65 = vector.broadcast %and3A_64 : i32 to vector<50176xi32>
    %and3A_66 = arith.andi %shift_right_logical3A_63, %and3A_65 : vector<50176xi32>
    %convert_element_type3A_67 = arith.sitofp %and3A_66 : vector<50176xi32> to vector<50176xf32>
    %mul3A_68 = arith.constant 0.00784313772 : f32
    %mul3A_69 = vector.broadcast %mul3A_68 : f32 to vector<50176xf32>
    %mul3A_70 = arith.mulf %convert_element_type3A_67, %mul3A_69 : vector<50176xf32>
    %sub3A_71 = arith.constant 1.000000e+00 : f32
    %sub3A_72 = vector.broadcast %sub3A_71 : f32 to vector<50176xf32>
    %sub3A_73 = arith.subf %mul3A_70, %sub3A_72 : vector<50176xf32>
    %swap3A_74 = arith.constant 0 : index
    %swap3A_75 = arith.constant 3 : index
    %swap3A_76 = arith.constant 0 : index
    %swap3A_77 = vector.load %arg3[%swap3A_74, %swap3A_75, %swap3A_76] : memref<1x4x50176xf32, #tpu.memory_space<vmem>>, vector<1x1x50176xf32>
    %swap3A_78 = vector.shape_cast %swap3A_77 : vector<1x1x50176xf32> to vector<50176xf32>
    %swap3A_79 = vector.shape_cast %sub3A_73 : vector<50176xf32> to vector<1x1x50176xf32>
    tpu.vector_store %arg3[%swap3A_74, %swap3A_75, %swap3A_76], %swap3A_79 {strides = array<i32>} : memref<1x4x50176xf32, #tpu.memory_space<vmem>>, vector<1x1x50176xf32>,
    return
  }
  func.func @transform_0(%arg0: i32) -> (i32, i32, i32) {
    %c0_i32 = arith.constant 0 : i32
    %c0_i32_0 = arith.constant 0 : i32
    %c0_i32_1 = arith.constant 0 : i32
    return %arg0, %c0_i32, %c0_i32_0 : i32, i32, i32
  }
  func.func @transform_1(%arg0: i32) -> (i32, i32, i32) {
    %c0_i32 = arith.constant 0 : i32
    %c0_i32_0 = arith.constant 0 : i32
    %c0_i32_1 = arith.constant 0 : i32
    return %arg0, %c0_i32, %c0_i32_0 : i32, i32, i32
  }
  func.func @transform_2(%arg0: i32) -> (i32, i32, i32) {
    %c0_i32 = arith.constant 0 : i32
    %c0_i32_0 = arith.constant 0 : i32
    %c0_i32_1 = arith.constant 0 : i32
    return %arg0, %c0_i32, %c0_i32_0 : i32, i32, i32
  }
}

</mosaic_0001>

<sc_bundles>
// kernel: kernel.5.cloned.1.call-start
scs
__scs_entry_jumppad:
0x0: {  	(pc) =	sbr.rel $0x88, $3  }
0x1: {  	(tag) =	ssettag $0x0;
	lr =	simm.s32 $0x1  }
0x2: {  	[smem:$0x3FA0] =	sst lr;
	_ =	strace $0xD0000000  }
0x3: {  	_ = 	snop  }
0x4: {  	_ = 	snop  }
0x5: {  	_ = 	snop  }
0x6: {  	_ = 	snop  }
0x7: {  	_ = 	snop  }
__scs_overlays_trampoline_lowered:
0x8: {  	[smem:$0x3FAF] =	sst s0  }
0x9: {  	[smem:$0x3FB0] =	sst s1  }
0xa: {  	[smem:$0x3FB1] =	sst s2  }
0xb: {  	[smem:$0x3FB2] =	sst s3  }
0xc: {  	[smem:$0x3FB3] =	sst s4  }
0xd: {  	[smem:$0x3FB4] =	sst s5  }
0xe: {  	[smem:$0x3FB5] =	sst s6  }
0xf: {  	[smem:$0x3FB6] =	sst s7  }
0x10: {  	[smem:$0x3FB7] =	sst s8  }
0x11: {  	[smem:$0x3FB8] =	sst s9;
	s0 =	simm.s32 @!p0 $0x0  }
0x12: {  	s1 =	sld [smem:$0x3F9E];
	s0 =	simm.s32 @p0 $0x1  }
0x13: {  	[smem:$0x3FB9] =	sst s0;
	s0 =	simm.s32 @!p1 $0x0  }
0x14: {  	s2 =	sld [smem:$0x3F9D];
	s0 =	simm.s32 @p1 $0x1  }
0x15: {  	[smem:$0x3FBA] =	sst s0;
	s0 =	simm.s32 @!p2 $0x0  }
0x16: {  	s3 =	sld [smem:$0x3FDB];
	s0 =	simm.s32 @p2 $0x1  }
0x17: {  	s4 =	simm.s32 $0x1BF5;
	[smem:$0x3FBC] =	sst s0  }
0x18: {  	s0 =	sld [smem:$0x3F9F];
	_ =	swait.ge [sflag:s4], $0x0  }
0x19: {  	s7 =	sld [smem:$0x3FA0]  }
0x1a: {  	s8 =	sadd.s32 $0xFFFFE003, lr  }
0x1b: {  	s9 =	sadd.s32 $0xFFFFFEF7, lr;
	s5 =	simm.s32 $0xFFFFFFFF;
	p2 =	slt.u32 s8, $0xFFFFF086  }
0x1c: {  	p1 =	slt.u32 s9, $0xF7A;
	s5 =	simm.s32 @!p2 $0x0  }
0x1d: {  	s5 =	simm.s32 @p1 $0x1;
	p0 =	seq.s32 s7, s2  }
0x1e: {  	s7 =	smul.u32 @!p0 $0xF7A, s2;
	p2 =	seq.s32 @!p0 s5, $0x0  }
0x1f: {  	s9 =	smul.u32 $0xF7A, s1;
	s8 =	simm.s32 @!p0 $0x1BF5;
	p2 =	por !p2, p0  }
0x20: {  	[sflag:s8] =	ssyncset.s32 @!p0 $0xFFFFF086;
	s6 =	sadd.s32 @!p0 s3, s7;
	s7 =	simm.s32 @!p0 $0x108  }
0x21: {  	s3 =	sadd.s32 s3, s9;
	s6 =	sadd.s32 @!p0 $0x88, s6;
	s7 =	simm.s32 @p2 $0x1082  }
0x22: {  	[simem:s7], [sflag:s8] =	dma.local @!p0 [hbm:s6], $0xF7A  }
0x23: {  	s9 =	sor.u32 $0xD0000000, s2;
	s6 =	simm.s32 $0x108;
	_ =	swait.ge @!p0 [sflag:s8], $0x0  }
0x24: {  	s3 =	sadd.s32 $0x88, s3;
	s6 =	simm.s32 @!p1 $0x1082;
	[sflag:s4] =	ssyncset.s32 $0xFFFFF086  }
0x25: {  	[simem:s6], [sflag:s4] =	dma.local [hbm:s3], $0xF7A  }
0x26: {  	[smem:$0x3FA0] =	sst s1;
	(tag) =	ssettag s2;
	_ =	strace s9  }
0x27: {  	s1 =	sld [smem:$0x3FB0]  }
0x28: {  	s2 =	sld [smem:$0x3FB1]  }
0x29: {  	s4 =	sld [smem:$0x3FB3]  }
0x2a: {  	p0 =	seq.s32 s5, $0x0;
	s5 =	sld [smem:$0x3FB4]  }
0x2b: {  	s6 =	sld [smem:$0x3FB5]  }
0x2c: {  	s7 =	sld [smem:$0x3FB6]  }
0x2d: {  	s3 =	simm.s32 $0x108;
	s8 =	sld [smem:$0x3FB7]  }
0x2e: {  	s3 =	simm.s32 @!p0 $0x1082;
	s9 =	sld [smem:$0x3FB8]  }
0x2f: {  	lr =	sadd.s32 s0, s3;
	s0 =	sld [smem:$0x3FAF]  }
0x30: {  	s3 =	sld [smem:$0x3FB2]  }
0x31: {  	[smem:$0x3FBB] =	sst s10  }
0x32: {  	s10 =	sld [smem:$0x3FB9];
	_ =	sdelay $0x3  }
0x33: {  	p0 =	seq.s32 s10, $0x1;
	s10 =	sld [smem:$0x3FBB];
	_ =	sdelay $0x3  }
0x34: {  	[smem:$0x3FBB] =	sst s10  }
0x35: {  	s10 =	sld [smem:$0x3FBA];
	_ =	sdelay $0x3  }
0x36: {  	p1 =	seq.s32 s10, $0x1;
	s10 =	sld [smem:$0x3FBB];
	_ =	sdelay $0x3  }
0x37: {  	[smem:$0x3FBB] =	sst s10  }
0x38: {  	s10 =	sld [smem:$0x3FBC]  }
0x39: {  	_ = 	snop;
	(pc) =	sbr.ind lr, $3  }
0x3a: {  	_ = 	snop  }
0x3b: {  	_ = 	snop  }
0x3c: {  	p2 =	seq.s32 s10, $0x1;
	s10 =	sld [smem:$0x3FBB]  }
0x3d: {  	_ =	shalt  }
0x3e: {  	_ =	shalt  }
0x3f: {  	_ =	shalt  }
0x40: {  	_ =	shalt  }
0x41: {  	_ =	shalt  }
0x42: {  	_ =	shalt  }
0x43: {  	_ =	shalt  }
0x44: {  	_ =	shalt  }
0x45: {  	_ =	shalt  }
0x46: {  	_ =	shalt  }
0x47: {  	_ =	shalt  }
0x48: {  	_ =	shalt  }
0x49: {  	_ =	shalt  }
0x4a: {  	_ =	shalt  }
0x4b: {  	_ =	shalt  }
0x4c: {  	_ =	shalt  }
0x4d: {  	_ =	shalt  }
0x4e: {  	_ =	shalt  }
0x4f: {  	_ =	shalt  }
0x50: {  	_ =	shalt  }
0x51: {  	_ =	shalt  }
0x52: {  	_ =	shalt  }
0x53: {  	_ =	shalt  }
0x54: {  	_ =	shalt  }
0x55: {  	_ =	shalt  }
0x56: {  	_ =	shalt  }
0x57: {  	_ =	shalt  }
0x58: {  	_ =	shalt  }
0x59: {  	_ =	shalt  }
0x5a: {  	_ =	shalt  }
0x5b: {  	_ =	shalt  }
0x5c: {  	_ =	shalt  }
0x5d: {  	_ =	shalt  }
0x5e: {  	_ =	shalt  }
0x5f: {  	_ =	shalt  }
0x60: {  	_ =	shalt  }
0x61: {  	_ =	shalt  }
0x62: {  	_ =	shalt  }
0x63: {  	_ =	shalt  }
0x64: {  	_ =	shalt  }
0x65: {  	_ =	shalt  }
0x66: {  	_ =	shalt  }
0x67: {  	_ =	shalt  }
0x68: {  	_ =	shalt  }
0x69: {  	_ =	shalt  }
0x6a: {  	_ =	shalt  }
0x6b: {  	_ =	shalt  }
0x6c: {  	_ =	shalt  }
0x6d: {  	_ =	shalt  }
0x6e: {  	_ =	shalt  }
0x6f: {  	_ =	shalt  }
0x70: {  	_ =	shalt  }
0x71: {  	_ =	shalt  }
0x72: {  	_ =	shalt  }
0x73: {  	_ =	shalt  }
0x74: {  	_ =	shalt  }
0x75: {  	_ =	shalt  }
0x76: {  	_ =	shalt  }
0x77: {  	_ =	shalt  }
0x78: {  	_ =	shalt  }
0x79: {  	_ =	shalt  }
0x7a: {  	_ =	shalt  }
0x7b: {  	_ =	shalt  }
0x7c: {  	_ =	shalt  }
0x7d: {  	_ =	shalt  }
0x7e: {  	_ =	shalt  }
0x7f: {  	_ =	shalt  }
0x80: {  	_ =	shalt  }
0x81: {  	_ =	shalt  }
0x82: {  	_ =	shalt  }
0x83: {  	_ =	shalt  }
0x84: {  	_ =	shalt  }
0x85: {  	_ =	shalt  }
0x86: {  	_ =	shalt  }
0x87: {  	_ =	shalt  }
.Lfunc_end0:
.L_simem_size_0:
called_computation_lowered:
.L_overlay_start_0:
0x88: {  	s2 =	sld [smem:$0x3FD9]  }
0x89: {  	s3 =	sld [smem:$0x3FFE];
	_ =	sdelay $0x1  }
0x8a: {  	s1 =	srdreg.scid  }
0x8b: {  	s0 =	sand.u32 $0x1, s1  }
0x8c: {  	s15 =	sshll.u32 s0, $0xA;
	s2 =	sadd.s32 s3, s2  }
0x8d: {  	s3 =	sadd.s32 s2, s15  }
0x8e: {  	[smem:$0x3FC7] =	sst s3  }
0x8f: {  	_ = 	snop  }
0x90: {  	s3 =	sld [smem:$0x3FD0];
	_ =	sdelay $0x2  }
0x91: {  	s4 =	simm.s32 $0xA;
	s5 =	simm.s32 $0x10  }
0x92: {  	[smem:s5], [sflag:s4] =	dma.local [hbm:s3], $0x1  }
0x93: {  	_ =	swait.eq [sflag:s4], $0x1  }
0x94: {  	[sflag:s4] =	ssyncset.done $0x0  }
0x95: {  	s16 =	sld [smem:$0x10];
	[sflag:s4] =	ssyncadd.s32 $0xFFFFFFFF  }
0x96: {  	s17 =	sld [smem:$0x11];
	(tm) =	ssettm $0x1  }
0x97: {  	s18 =	sld [smem:$0x3FFB];
	_ =	sdelay $0x3  }
0x98: {  	_ =	strace s18  }
0x99: {  	s5 =	sld [smem:$0x3FFC];
	_ =	sdelay $0x3  }
0x9a: {  	_ =	strace s5  }
0x9b: {  	s5 =	sld [smem:$0x3FFD];
	_ =	sdelay $0x3  }
0x9c: {  	_ =	strace s5  }
0x9d: {  	_ =	strace $0x8FFFFFFF  }
0x9e: {  	s19 =	sld [smem:$0x3FDB];
	_ =	sdelay $0x1  }
0x9f: {  	s6 =	simm.s32 $_scs_section_size  }
0xa0: {  	s7 =	simm.s32 $_size__tile_overlayer_lowered;
	s8 =	simm.s32 $_tile_overlayer_lowered  }
0xa1: {  	s22 =	simm.s32 $0x1BFF;
	s21 =	sshll.u32 s8, $0x1;
	s5 =	sadd.s32 s6, s19  }
0xa2: {  	s9 =	simm.s32 $0x0;
	s20 =	sshll.u32 s7, $0x1;
	s7 =	sadd.s32 s21, s5  }
0xa3: {  	[timem:s9], [sflag:s22] =	dma.local [hbm:s7], s20  }
0xa4: {  	_ =	swait.ge [sflag:s22], s20  }
0xa5: {  	s6 =	ssub.s32 $0x0, s20;
	[sflag:s22] =	ssyncset.done $0x0  }
0xa6: {  	[sflag:s22] =	ssyncadd.s32 s6;
	_ =	sdelay $0x1  }
0xa7: {  	s23 =	simm.s32 $0x1B8B  }
0xa8: {  	_ =	swait.ge [sflag:s23], $0x1  }
0xa9: {  	[sflag:s23] =	ssyncset.done $0x0  }
0xaa: {  	s25 =	simm.s32 $0x1B8E;
	s24 =	sld [smem:$0x3FFE];
	[sflag:s23] =	ssyncadd.s32 $0xFFFFFFFF  }
0xab: {  	s26 =	simm.s32 $execute0_lowered;
	[smem:$0x3FD2] =	sst s25  }
0xac: {  	s7 =	sshll.u32 s26, $0x1;
	_ =	strace $0x80000046;
	[dreg:$0x1] =	wrdreg $0xFFFFFFFF  }
0xad: {  	s28 =	simm.s32 $_size_execute0_lowered;
	s5 =	sadd.s32 s5, s7;
	[dreg:$0x0] =	wrdreg $0x0  }
0xae: {  	s7 =	sshll.u32 s28, $0x1;
	[dreg:$0x2] =	wrdreg s5  }
0xaf: {  	[dreg:$0x3] =	wrdreg s7  }
0xb0: {  	[dreg:$0x4] =	wrdreg $0xC0  }
0xb1: {  	_ =	task [dreg:s9], $0x5FFFF  }
0xb2: {  	[dreg:$0x1] =	wrdreg $0xFFFFFFFF  }
0xb3: {  	[dreg:$0x0] =	wrdreg $0x60  }
0xb4: {  	[dreg:$0x2] =	wrdreg s24  }
0xb5: {  	[dreg:$0x3] =	wrdreg s16  }
0xb6: {  	s2 =	sadd.s32 $0x800, s2;
	[dreg:$0x4] =	wrdreg s17  }
0xb7: {  	[dreg:$0x5] =	wrdreg s2  }
0xb8: {  	[dreg:$0x6] =	wrdreg $0x9  }
0xb9: {  	_ =	task.clear_ibuf [dreg:s9], $0x7FFFF;
	_ =	strace $0x90000046  }
0xba: {  	s29 =	simm.s32 $0x9;
	_ =	strace $0x80000048  }
0xbb: {  	_ =	swait.ge [sflag:s29], $0x1  }
0xbc: {  	[sflag:s29] =	ssyncadd.s32 $0xFFFFFFFF  }
0xbd: {  	_ =	strace $0x90000048  }
0xbe: {  	_ =	sfence  }
0xbf: {  	s30 =	sld [smem:$0x0];
	_ =	sdelay $0x2  }
0xc0: {  	s31 =	sshll.u32 s1, $0xD;
	s1 =	sshrl.u32 s1, $0x2  }
0xc1: {  	s3 =	sand.u32 $0x4000, s31;
	s1 =	sadd.s32 s1, s30  }
0xc2: {  	s0 =	sor.u32 s3, s0;
	s1 =	sshll.u32 s1, $0x11  }
0xc3: {  	s0 =	sor.u32 s1, s0  }
0xc4: {  	s0 =	sadd.s32 $0x8F2B, s0  }
0xc5: {  	[sflag:s0] =	ssyncadd.remote.s32 $0x1  }
0xc6: {  	_ =	sfence.sel $0xFFFF  }
0xc7: {  	[dreg:$0x0] =	wrdreg $0xFFFFFFFF;
	(pc) =	sbr.abs _section_cstart, $3  }
0xc8: {  	[dreg:$0x1] =	wrdreg $0xFFFFFFFF  }
0xc9: {  	_ =	task.clear_ibuf [dreg:s9], $0x2FFFF;
	_ =	strace $0x9FFFFFFF  }
0xca: {  	(tm) =	ssettm $0x7FFFFFFF  }
0xcb: {  	_ =	shalt  }
tec
execute0_lowered:
.L_overlay_start_1:
0x0: {  	(tag) =	ssettag $0x1  }
0x1: {  	s0 =	rddreg [dreg:$0x0]  }
0x2: {  	s1 =	rddreg [dreg:$0x1]  }
0x3: {  	s2 =	srdreg.scid;
	s3 =	rddreg [dreg:$0x2]  }
0x4: {  	s10 =	stileid.u32;
	s17 =	rddreg [dreg:$0x3];
	s11 =	simm.s32 $0x1  }
0x5: {  	s12 =	simm.s32 $0x1A400;
	s13 =	simm.s32 $0xE000;
	s16 =	simm.s32 $0x1A810  }
0x6: {  	s2 =	sand.u32 $0x1, s2;
	s5 =	sshrl.u32 s10, $0x2;
	s9 =	sshll.u32 s10, $0x4  }
0x7: {  	s14 =	sand.u32 $0x3, s10;
	s10 =	simm.s32 $0x2;
	s4 =	sshll.u32 s2, $0x2  }
0x8: {  	s21 =	ssub.s32 $0x2, s2;
	s2 =	sshll.u32 s2, $0x8;
	p0 =	seq.s32 s14, $0x0  }
0x9: {  	vm0 =	vmxor vm0, vm0;
	p1 =	slt.u32 s14, $0x2;
	p4 =	sne.s32 s14, $0x0;
	s6 =	sor.u32 s5, s4  }
0xa: {  	vm1 =	vmmov vm0;
	s4 =	simm.s32 $0x0;
	s8 =	sshrl.u32 s21, $0x1;
	s22 =	sor.u32 s9, s2  }
0xb: {  	v1 =	vimm.s32 $0xEDCBA987;
	v2 =	vimm.s32 $0x0;
	s5 =	sshll.u32 s5, $0x6;
	vm1 =	vmneg @p0 vm1;
	s7 =	smul.u32 $0x1880, s6;
	[smem:$0x7FF] =	sst s4  }
0xc: {  	v3 =	vimm.s32 $0x65432100;
	v6 =	vimm.s32 $0x1C1B1A19;
	s8 =	ssub.s32 s21, s8;
	s23 =	sshrl.u32 s22, $0x3;
	s2 =	sor.u32 s2, s5;
	v2 =	vsel vm1, $0xFFFFFFFF, v2  }
0xd: {  	s24 =	smul.u32 $0xC41, s6;
	s26 =	sshll.u32 s6, $0x1;
	_ =	strace $0x80000047;
	[tilespmem:$0x1FF90] =	vst v2;
	v2 =	vunpack.c.l.s4.s8 v1  }
0xe: {  	v7 =	vimm.s32 $0x1F1F1E1D;
	v8 =	vimm.s32 $0x14131211;
	v4 =	vunpack.c.l.s4.s8 v3;
	s3 =	sadd.s32 s3, s26;
	s30 =	smax.u32 s8, $0x1;
	s26 =	simm.s32 $0x0  }
0xf: {  	v9 =	vimm.s32 $0x18171615;
	vm14 =	vcmask $0x1F10;
	s0 =	sadd.s32 s7, s0;
	s7 =	sshrl.u32 s2, $0x3;
	[dreg:$0x6] =	wrdreg s24;
	v5 =	vunpack.c.0.s8.s32 v2  }
0x10: {  	vm15 =	vmmov $0x1;
	v6 =	vunpack.c.0.s8.s32 v6;
	v4 =	vunpack.c.0.s8.s32 v4;
	s2 =	simm.s32 @!p0 $0x0;
	s28 =	sadd.s32 $0xC40, s24;
	[dreg:$0x7] =	wrdreg s3  }
0x11: {  	v7 =	vunpack.c.0.s8.s32 v7;
	v8 =	vunpack.c.0.s8.s32 v8;
	[dreg:$0x8] =	wrdreg s30;
	s24 =	simm.s32 $0x200;
	s0 =	sadd.s32 $0xA00, s0;
	v5 =	vand.u32 $0xF, v5  }
0x12: {  	v9 =	vunpack.c.0.s8.s32 v9;
	vm1 =	vmmov vm0;
	s2 =	simm.s32 @p0 $0x1;
	p0 =	sne.s32 s14, $0x3;
	s25 =	sor.u32 $0x2, s7;
	v4 =	vcombine.low v4, v5  }
0x13: {  	v7 =	vsel vm14, v7, v6;
	vm1 =	vmneg @p1 vm1;
	v1 =	vimm.s32 $0x0;
	s29 =	sor.u32 $0x4, s7;
	s15 =	sor.u32 $0x6, s7;
	[dreg:$0x5] =	wrdreg s0  }
0x14: {  	v1 =	vsel vm1, $0xFFFFFFFF, v1;
	[smem:$0x7FB] =	sst s2;
	vm0 =	vmneg @p0 vm0;
	p0 =	seq.s32 s14, $0x3;
	s0 =	sadd.s32 s23, s17;
	[tilespmem:$0x1FFC0] =	vst v4;
	v4 =	vimm.s32 $0x0  }
.Ltmp0:
0x15: {  	v8 =	vsel vm14, v9, v8;
	[tilespmem:$0x1FFA0] =	vst v1;
	v1 =	vimm.s32 $0x0;
	s31 =	sadd.s32 s25, s17;
	s3 =	simm.s32 @!p0 $0x0;
	v4 =	vsel vm15, $0xFFFFFFFF, v4;
	(pc) =	sbr.rel .LBB2_1-.Ltmp0, $4  }
0x16: {  	v1 =	vsel vm0, $0xFFFFFFFF, v1;
	[dreg:$0x9] =	wrdreg s0;
	s3 =	simm.s32 @p0 $0x1;
	p0 =	sgt.u32 s14, $0x1;
	[tilespmem:$0x1FFD0] =	vst v4;
	v4 =	vcombine.low v8, v7  }
0x17: {  	v3 =	vlaneseq.u32;
	s19 =	sadd.s32 s29, s17;
	[tilespmem:$0x1FFB0] =	vst v1;
	[smem:$0x7FC] =	sst s3;
	s3 =	simm.s32 @!p0 $0x0  }
0x18: {  	v0 =	vmov s14;
	v6 =	vadd.s32 $0xFFFFFFFF, v3;
	s21 =	sadd.s32 s15, s17;
	[dreg:$0xa] =	wrdreg s31;
	s3 =	simm.s32 @p0 $0x1;
	[tilespmem:$0x1FFE0] =	vst v4;
	v4 =	vadd.s32 $0x1, v3  }
0x19: {  	v2 =	vimm.s32 $0x0;
	s23 =	simm.s32 $0x1A850;
	s25 =	simm.s32 $0x1A860;
	v1 =	vmov s28;
	v5 =	vimm.s32 $0x1;
	[smem:$0x7FD] =	sst s3;
	[tilespmem:$0x1FFF0] =	vst v4  }
.LBB2_66:
0x1a: {  	s2 =	simm.s32 $0x0  }
.LBB2_79:
0x1b: {  	v4 =	vor.u32 $0x30, v3  }
0x1c: {  	v7 =	vor.u32 s0, v33;
	v8 =	vadd.s32 v10, v62;
	vm1 =	vlt.s32 v62, v9  }
0x1d: {  	v24 =	vsel vm0, v61, v1;
	vm11 =	vlt.s32 v58, v9;
	v25 =	vadd.s32 v10, v58  }
0x1e: {  	vm12 =	vlt.s32 v60, v9;
	v43 =	vadd.s32 v10, v60;
	vm13 =	vlt.s32 v59, v9  }
0x1f: {  	v44 =	vadd.s32 v10, v59;
	v26 =	vor.u32 s0, v26;
	vm6 =	vlt.s32 v57, v9  }
0x20: {  	v57 =	vadd.s32 v10, v57;
	v19 =	vor.u32 s0, v19;
	v8 =	vsel vm1, v8, v1;
	[tilespmem:$0x1A8A0] =	vst v24  }
0x21: {  	vm10 =	vlt.s32 v55, v9;
	v59 =	vadd.s32 v10, v55;
	v42 =	vsel vm11, v25, v1;
	[tilespmem:$0x1A8E0] =	vst v8  }
0x22: {  	vm2 =	vlt.s32 v7, v9;
	v7 =	vadd.s32 v10, v7;
	v46 =	vsel vm12, v43, v1;
	[tilespmem:$0x1A900] =	vst v42  }
0x23: {  	vm14 =	vlt.s32 v26, v9;
	v4 =	vor.u32 s0, v4;
	v58 =	vsel vm6, v57, v1;
	[tilespmem:$0x1A910] =	vst v46  }
0x24: {  	vm8 =	vlt.s32 v19, v9;
	v7 =	vsel vm2, v7, v1;
	v8 =	vor.u32 s0, v27;
	[tilespmem:$0x1A950] =	vst v58  }
0x25: {  	v27 =	vsel vm13, v44, v1;
	vm7 =	vlt.s32 v4, v9;
	v4 =	vadd.s32 v10, v4;
	[tilespmem:$0x1A8F0] =	vst v7  }
0x26: {  	v28 =	vadd.s32 v10, v8;
	[tilespmem:$0x1A8B0] =	vst v27;
	vm15 =	vlt.s32 v8, v9;
	v4 =	vsel vm7, v4, v1  }
0x27: {  	v19 =	vadd.s32 v10, v19;
	v7 =	vadd.s32 v10, v26;
	v45 =	vsel vm15, v28, v1;
	[tilespmem:$0x1A890] =	vst v4  }
0x28: {  	vm11 =	vlt.s32 v53, v9;
	v7 =	vsel vm14, v7, v1;
	vm14 =	vlt.s32 v48, v9;
	[tilespmem:$0x1A960] =	vst v45  }
0x29: {  	v8 =	vor.u32 s0, v22;
	[tilespmem:$0x1A930] =	vst v7;
	v7 =	vor.u32 s0, v20;
	v61 =	vsel vm14, v47, v1  }
0x2a: {  	vm9 =	vlt.s32 v7, v9;
	v4 =	vadd.s32 v10, v7;
	v7 =	vsel vm8, v19, v1;
	[tilespmem:$0x1A9C0] =	vst v61  }
0x2b: {  	vm12 =	vlt.s32 v50, v9;
	v60 =	vadd.s32 v10, v8;
	v4 =	vsel vm9, v4, v1;
	[tilespmem:$0x1A990] =	vst v7  }
0x2c: {  	vm13 =	vlt.s32 v8, v9;
	v7 =	vadd.s32 v10, v53;
	[tilespmem:$0x1A970] =	vst v4;
	v4 =	vsel vm10, v59, v1  }
0x2d: {  	v8 =	vor.u32 s0, v18;
	vm15 =	vlt.s32 v54, v9;
	[tilespmem:$0x1A980] =	vst v4;
	v4 =	vsel vm11, v7, v1  }
0x2e: {  	vm6 =	vlt.s32 v8, v9;
	v62 =	vsel vm15, v52, v1;
	v7 =	vsel vm13, v60, v1;
	[tilespmem:$0x1A9A0] =	vst v4  }
0x2f: {  	vm10 =	vlt.s32 v23, v9;
	v4 =	vsel vm12, v49, v1;
	[tilespmem:$0x1A940] =	vst v7;
	v7 =	vadd.s32 v10, v8  }
0x30: {  	v8 =	vor.u32 s0, v13;
	[tilespmem:$0x1A9B0] =	vst v4;
	v4 =	vor.u32 s0, v17;
	v7 =	vsel vm6, v7, v1  }
0x31: {  	[tilespmem:$0x1A8C0] =	vst v62;
	v13 =	vadd.s32 v10, v8;
	vm8 =	vlt.s32 v8, v9;
	v8 =	vadd.s32 v10, v23  }
0x32: {  	vm7 =	vlt.s32 v4, v9;
	v4 =	vadd.s32 v10, v4;
	[tilespmem:$0x1A9D0] =	vst v7;
	v8 =	vsel vm10, v8, v1  }
0x33: {  	v4 =	vsel vm7, v4, v1;
	[tilespmem:$0x1A9E0] =	vst v8  }
0x34: {  	vm9 =	vlt.s32 v21, v9;
	v7 =	vadd.s32 v10, v21;
	[tilespmem:$0x1A9F0] =	vst v4;
	v4 =	vsel vm8, v13, v1  }
0x35: {  	v11 =	vor.u32 s0, v11;
	[tilespmem:$0x1AA00] =	vst v4;
	v4 =	vsel vm9, v7, v1;
	v7 =	vadd.s32 v10, v56  }
0x36: {  	vm11 =	vlt.s32 v51, v9;
	[tilespmem:$0x1AA10] =	vst v4;
	v4 =	vadd.s32 v10, v51;
	v7 =	vsel vm5, v7, v1  }
0x37: {  	vm12 =	vlt.s32 v11, v9;
	v8 =	vadd.s32 v10, v11;
	v4 =	vsel vm11, v4, v1;
	[tilespmem:$0x1A920] =	vst v7  }
0x38: {  	v63 =	vor.u32 s0, v3;
	v7 =	vsel vm12, v8, v1;
	v8 =	vadd.s32 v10, v14;
	[tilespmem:$0x1A8D0] =	vst v4  }
0x39: {  	vm13 =	vlt.s32 v63, v9;
	v4 =	vsel vm4, v8, v1;
	v8 =	vadd.s32 v10, v63;
	[tilespmem:$0x1AA30] =	vst v7  }
0x3a: {  	vm14 =	vlt.s32 v12, v9;
	v7 =	vadd.s32 v10, v12;
	v8 =	vsel vm13, v8, v1;
	[tilespmem:$0x1AA40] =	vst v4  }
0x3b: {  	vm15 =	vlt.s32 v16, v9;
	v4 =	vsel vm14, v7, v1;
	[tilespmem:$0x1A860] =	vst v8  }
0x3c: {  	v7 =	vsel vm15, v15, v1;
	[tilespmem:$0x1AA50] =	vst v4  }
0x3d: {  	[tilespmem:$0x1AA20] =	vst v7  }
0x3e: {  	[hbm4b:s1+s24] =	stream.indirect.scatter [tilespmem:s2], [sflag:$0x1], $0x10, s25, s24, $0xb8;
	[tilespmem:$0x1AA60] =	vst v63  }
0x3f: {  	_ =	swait.ge [sflag:s11], $0x2000  }
0x40: {  	[sflag:s11] =	ssyncset.done $0x0  }
0x41: {  	[sflag:s11] =	ssyncadd.s32 $0xFFFFE000  }
.LBB2_80:
0x42: {  	s26 =	sadd.s32 $0x1, s26;
	s0 =	rddreg [dreg:$0x8]  }
0x43: {  	p0 =	sne.s32 s26, s0  }
.Ltmp1:
0x44: {  	_ = 	snop;
	(pc) =	sbr.rel @!p0 .LBB2_81-.Ltmp1, $1  }
0x45: {  	_ =	sdelay $0x3  }
.LBB2_1:
0x46: {  	s0 =	rddreg [dreg:$0x5]  }
0x47: {  	[tilespmem:s4], [sflag:$0x2] =	stream.linear.gather [hbm4b:s0+s4], $0xC400, $0x38;
	[tilespmem:$0x1AA60] =	vst v63  }
0x48: {  	_ =	swait.ge [sflag:s10], $0xC400  }
0x49: {  	[sflag:s10] =	ssyncset.done $0x0  }
0x4a: {  	s30 =	simm.s32 $0x40;
	[sflag:s10] =	ssyncadd.s32 $0xFFFF3C00  }
0x4b: {  	v11 =	vld [tilespmem:s30+$0x30]  }
0x4c: {  	v13 =	vld [tilespmem:s30+$0x20]  }
0x4d: {  	v14 =	vld [tilespmem:s30+$0x10]  }
0x4e: {  	v15 =	vld [tilespmem:s30+$0x0]  }
0x4f: {  	v29 =	vld [tilespmem:s30+$0xFFFFFFC0]  }
0x50: {  	v17 =	vld [tilespmem:s30+$0xFFFFFFF0]  }
0x51: {  	v19 =	vld [tilespmem:s30+$0xFFFFFFD0]  }
0x52: {  	v18 =	vld [tilespmem:s30+$0xFFFFFFE0];
	_ =	sdelay $0x1  }
0x53: {  	v21 =	vshrl.u32 v11, $0x1E;
	v9 =	vshrl.u32 v29, $0x1E;
	v16 =	vshrl.u32 v14, $0x1E  }
0x54: {  	v20 =	vshrl.u32 v13, $0x1E;
	v12 =	vshrl.u32 v15, $0x1E;
	v23 =	vshrl.u32 v17, $0x1E  }
0x55: {  	vm0 =	veq.s32 v9, v0;
	v9 =	vshrl.u32 v19, $0x1E;
	vm3 =	veq.s32 v23, v0  }
0x56: {  	s31 =	simm.s32 $0xC0;
	v10 =	vmpcnt.ones.xlane vm0;
	vm1 =	veq.s32 v9, v0;
	v9 =	vshrl.u32 v18, $0x1E  }
0x57: {  	vm6 =	veq.s32 v12, v0;
	v12 =	vld [tilespmem:s31+$0x10];
	v22 =	vmpcnt.ones.xlane vm1;
	vm2 =	veq.s32 v9, v0  }
0x58: {  	vm7 =	veq.s32 v16, v0;
	v16 =	vld [tilespmem:s31+$0x0];
	v24 =	vmpcnt.ones.xlane vm2;
	(v2sf) =	vpush v10, $0x0  }
0x59: {  	vm4 =	veq.s32 v20, v0;
	v20 =	vld [tilespmem:s31+$0xFFFFFFC0];
	v23 =	vmpcnt.ones.xlane vm3;
	(v2sf) =	vpush v22, $0x0  }
0x5a: {  	vm8 =	veq.s32 v21, v0;
	v21 =	vld [tilespmem:s31+$0xFFFFFFD0];
	v22 =	vmpcnt.ones.xlane vm6;
	(v2sf) =	vpush v24, $0x0  }
0x5b: {  	v25 =	vmpcnt.ones.xlane vm8;
	v9 =	vld [tilespmem:s31+$0x30];
	v24 =	vmpcnt.ones.xlane vm7;
	(v2sf) =	vpush v23, $0x0  }
0x5c: {  	vm0 =	vmmov vm0;
	v10 =	vld [tilespmem:s31+$0x20];
	v23 =	vmpcnt.ones.xlane vm4;
	(v2sf) =	vpush v22, $0x0  }
0x5d: {  	vm5 =	vmmov vm3;
	vm9 =	vmmov vm1;
	v22 =	vld [tilespmem:s31+$0xFFFFFFE0];
	(v2sf) =	vpush v24, $0x0  }
0x5e: {  	vm10 =	vmmov vm2;
	vm6 =	vmmov vm6;
	(v2sf) =	vpush v23, $0x0;
	v23 =	vld [tilespmem:s31+$0xFFFFFFF0]  }
0x5f: {  	vm7 =	vmmov vm7;
	v27 =	vshrl.u32 v20, $0x1E;
	(v2sf) =	vpush v25, $0x0  }
0x60: {  	v26 =	vshrl.u32 v12, $0x1E;
	v30 =	vshrl.u32 v21, $0x1E;
	vm13 =	veq.s32 v27, v0  }
0x61: {  	v27 =	vshrl.u32 v16, $0x1E;
	vm12 =	veq.s32 v30, v0;
	v28 =	vmpcnt.ones.xlane vm13  }
0x62: {  	[tilespmem:s4+$0xE000] =	vst.msk vm0, v29;
	v29 =	vmpcnt.ones.xlane vm12;
	v24 =	vshrl.u32 v9, $0x1E;
	v30 =	vshrl.u32 v22, $0x1E  }
0x63: {  	s2 =	simm.s32 $0x8;
	s3 =	simm.s32 $0x140;
	s5 =	simm.s32 $0x0;
	v25 =	vshrl.u32 v10, $0x1E;
	vm11 =	veq.s32 v30, v0;
	v30 =	vshrl.u32 v23, $0x1E  }
.LBB2_2:
0x64: {  	v32 =	vmpcnt.ones.xlane vm11;
	vm2 =	veq.s32 v30, v0;
	(v2sf) =	vpush v28, $0x0  }
0x65: {  	v31 =	vld [tilespmem:s3+$0x30];
	vm1 =	vmmov vm4;
	vm15 =	vmmov vm8;
	vm14 =	vmmov vm13  }
0x66: {  	vm0 =	veq.s32 v27, v0;
	v28 =	vld [tilespmem:s3+$0x20];
	v30 =	vmpcnt.ones.xlane vm2;
	(v2sf) =	vpush v29, $0x0  }
0x67: {  	vm13 =	veq.s32 v26, v0;
	v29 =	vmpcnt.ones.xlane vm0;
	v27 =	vld [tilespmem:s3+$0x10];
	(v2sf) =	vpush v32, $0x0;
	s0 =	spop (v2sf)  }
0x68: {  	vm4 =	veq.s32 v25, v0;
	v32 =	vmpcnt.ones.xlane vm13;
	v26 =	vld [tilespmem:s3+$0x0];
	(v2sf) =	vpush v30, $0x0;
	s0 =	sadd.s32 s5, s0;
	s5 =	spop (v2sf)  }
0x69: {  	s2 =	sadd.s32 $0x8, s2;
	vm8 =	veq.s32 v24, v0;
	v25 =	vmpcnt.ones.xlane vm4;
	v30 =	vld [tilespmem:s3+$0xFFFFFFC0];
	(v2sf) =	vpush v29, $0x0;
	[tilespmem:s0+$0xE000] =	vst.msk vm9, v19;
	s0 =	sadd.s32 s0, s5;
	s5 =	spop (v2sf);
	v19 =	vmovc v21  }
0x6a: {  	p2 =	slt.u32 s2, $0xC38;
	v24 =	vmpcnt.ones.xlane vm8;
	vm9 =	vmmov vm12;
	v21 =	vld [tilespmem:s3+$0xFFFFFFD0];
	(v2sf) =	vpush v32, $0x0;
	[tilespmem:s0+$0xE000] =	vst.msk vm10, v18;
	s0 =	sadd.s32 s0, s5;
	s5 =	spop (v2sf);
	v18 =	vmovc v22  }
0x6b: {  	vm10 =	vmmov vm11;
	v22 =	vld [tilespmem:s3+$0xFFFFFFE0];
	(v2sf) =	vpush v25, $0x0;
	[tilespmem:s0+$0xE000] =	vst.msk vm5, v17;
	s0 =	sadd.s32 s0, s5;
	s5 =	spop (v2sf);
	v17 =	vmovc v23;
	vm5 =	vmmov vm2  }
0x6c: {  	v23 =	vld [tilespmem:s3+$0xFFFFFFF0];
	(v2sf) =	vpush v24, $0x0;
	[tilespmem:s0+$0xE000] =	vst.msk vm6, v15;
	s0 =	sadd.s32 s0, s5;
	s5 =	spop (v2sf);
	v15 =	vmov v16;
	vm6 =	vmmov vm0  }
.Ltmp2:
0x6d: {  	v24 =	vshrl.u32 v31, $0x1E;
	[tilespmem:s0+$0xE000] =	vst.msk vm7, v14;
	s0 =	sadd.s32 s0, s5;
	s5 =	spop (v2sf);
	v14 =	vmovc v12;
	v12 =	vmovc v27;
	v16 =	vmov v26;
	vm7 =	vmmov vm13;
	(pc) =	sbr.rel @p2 .LBB2_2-.Ltmp2, $4  }
0x6e: {  	v25 =	vshrl.u32 v28, $0x1E;
	v27 =	vshrl.u32 v30, $0x1E;
	v26 =	vshrl.u32 v12, $0x1E;
	[tilespmem:s0+$0xE000] =	vst.msk vm1, v13;
	s0 =	sadd.s32 s0, s5;
	s5 =	spop (v2sf);
	v13 =	vmovc v10;
	v10 =	vmovc v28  }
0x6f: {  	vm13 =	veq.s32 v27, v0;
	v29 =	vshrl.u32 v21, $0x1E;
	v27 =	vshrl.u32 v16, $0x1E;
	[tilespmem:s0+$0xE000] =	vst.msk vm15, v11;
	s5 =	sadd.s32 s0, s5;
	s0 =	simm.s32 $0x1A420;
	v11 =	vmovc v9;
	v9 =	vmovc v31  }
0x70: {  	v28 =	vmpcnt.ones.xlane vm13;
	vm12 =	veq.s32 v29, v0;
	v31 =	vshrl.u32 v22, $0x1E;
	[tilespmem:s5+$0xE000] =	vst.msk vm14, v20;
	v20 =	vmovc v30  }
0x71: {  	s3 =	sadd.s32 $0x80, s3;
	v29 =	vmpcnt.ones.xlane vm12;
	vm11 =	veq.s32 v31, v0;
	v30 =	vshrl.u32 v23, $0x1E  }
0x72: {  	v31 =	vmpcnt.ones.xlane vm11;
	vm2 =	veq.s32 v30, v0;
	(v2sf) =	vpush v28, $0x0  }
0x73: {  	vm15 =	veq.s32 v27, v0;
	v63 =	vmpcnt.ones.xlane vm2;
	(v2sf) =	vpush v29, $0x0  }
0x74: {  	vm14 =	veq.s32 v26, v0;
	v27 =	vmpcnt.ones.xlane vm15;
	(v2sf) =	vpush v31, $0x0  }
0x75: {  	vm1 =	veq.s32 v25, v0;
	v26 =	vmpcnt.ones.xlane vm14;
	(v2sf) =	vpush v63, $0x0  }
0x76: {  	v25 =	vmpcnt.ones.xlane vm1;
	(v2sf) =	vpush v27, $0x0  }
0x77: {  	(v2sf) =	vpush v26, $0x0  }
0x78: {  	(v2sf) =	vpush v25, $0x0  }
0x79: {  	vm0 =	veq.s32 v24, v0;
	s2 =	spop (v2sf)  }
0x7a: {  	v24 =	vmpcnt.ones.xlane vm0;
	s2 =	sadd.s32 s5, s2;
	s3 =	spop (v2sf)  }
0x7b: {  	[tilespmem:s2+$0xE000] =	vst.msk vm9, v19;
	s2 =	sadd.s32 s2, s3;
	s5 =	spop (v2sf)  }
0x7c: {  	[tilespmem:s2+$0xE000] =	vst.msk vm10, v18;
	s2 =	sadd.s32 s2, s5;
	s6 =	spop (v2sf);
	(v2sf) =	vpush v24, $0x0  }
0x7d: {  	[tilespmem:s2+$0xE000] =	vst.msk vm5, v17;
	s2 =	sadd.s32 s2, s6;
	s8 =	spop (v2sf)  }
0x7e: {  	[tilespmem:s2+$0xE000] =	vst.msk vm6, v15;
	s2 =	sadd.s32 s2, s8;
	s9 =	spop (v2sf)  }
0x7f: {  	vm3 =	vmmov vm4;
	[tilespmem:s2+$0xE000] =	vst.msk vm7, v14;
	s2 =	sadd.s32 s2, s9;
	s14 =	spop (v2sf)  }
0x80: {  	vm8 =	vmmov vm8;
	[tilespmem:s2+$0xE000] =	vst.msk vm3, v13;
	s2 =	sadd.s32 s2, s14;
	s15 =	spop (v2sf)  }
0x81: {  	vm9 =	vmmov vm13;
	[tilespmem:s2+$0xE000] =	vst.msk vm8, v11;
	s2 =	sadd.s32 s2, s15;
	s17 =	spop (v2sf)  }
0x82: {  	vm10 =	vmmov vm12;
	[tilespmem:s2+$0xE000] =	vst.msk vm9, v20;
	s2 =	sadd.s32 s2, s17;
	s18 =	spop (v2sf)  }
0x83: {  	vm12 =	vmmov vm11;
	[tilespmem:s2+$0xE000] =	vst.msk vm10, v21;
	s2 =	sadd.s32 s2, s18;
	s20 =	spop (v2sf)  }
0x84: {  	vm2 =	vmmov vm2;
	[tilespmem:s2+$0xE000] =	vst.msk vm12, v22;
	s2 =	sadd.s32 s2, s20;
	s22 =	spop (v2sf)  }
0x85: {  	vm13 =	vmmov vm15;
	[tilespmem:s2+$0xE000] =	vst.msk vm2, v23;
	s2 =	sadd.s32 s2, s22;
	s28 =	spop (v2sf)  }
0x86: {  	vm15 =	vmmov vm14;
	[tilespmem:s2+$0xE000] =	vst.msk vm13, v16;
	s2 =	sadd.s32 s2, s28;
	s29 =	spop (v2sf)  }
0x87: {  	vm1 =	vmmov vm1;
	[tilespmem:s2+$0xE000] =	vst.msk vm15, v12;
	s2 =	sadd.s32 s2, s29;
	s30 =	spop (v2sf)  }
0x88: {  	vm0 =	vmmov vm0;
	[tilespmem:s2+$0xE000] =	vst.msk vm1, v10;
	s2 =	sadd.s32 s2, s30  }
0x89: {  	[tilespmem:s2+$0xE000] =	vst.msk vm0, v9  }
0x8a: {  	[tilespmem:s0+$0xFFFFFFE0] =	vst v2  }
0x8b: {  	s31 =	spop (v2sf);
	[tilespmem:s0+$0x10] =	vst v2  }
0x8c: {  	s3 =	simm.s32 $0x0;
	s2 =	sadd.s32 s2, s31;
	[tilespmem:s0+$0x0] =	vst v2  }
.LBB2_4:
0x8d: {  	s3 =	sadd.s32 $0x4, s3  }
0x8e: {  	[tilespmem:s0+$0xFFFFFFF0] =	vst v2;
	s0 =	sadd.s32 $0x40, s0;
	p0 =	slt.u32 s3, $0x3C  }
.Ltmp3:
0x8f: {  	[tilespmem:s0+$0xFFFFFFE0] =	vst v2;
	(pc) =	sbr.rel @p0 .LBB2_4-.Ltmp3, $3  }
0x90: {  	_ =	sdelay $0x1  }
0x91: {  	[tilespmem:s0+$0x10] =	vst v2  }
0x92: {  	[tilespmem:s0+$0x0] =	vst v2  }
0x93: {  	s3 =	sadd.s32 $0xF, s2  }
0x94: {  	s5 =	sand.u32 $0xF, s3  }
0x95: {  	s31 =	sshra.s32 s3, $0x1F;
	p2 =	slt.s32 s3, $0x1;
	p0 =	sne.s32 s5, $0x0  }
0x96: {  	s5 =	sshrl.u32 s31, $0x1C;
	p0 =	por !p2, !p0  }
0x97: {  	s3 =	sadd.s32 s5, s3;
	s5 =	simm.s32 $0x1;
	p0 =	por !p0, !p0  }
0x98: {  	s3 =	sshra.s32 s3, $0x4;
	s5 =	simm.s32 @!p0 $0x0  }
0x99: {  	s28 =	ssub.s32 s3, s5  }
0x9a: {  	s3 =	sshrl.u32 s28, $0x1D  }
0x9b: {  	s3 =	sadd.s32 s3, s28  }
0x9c: {  	s29 =	sand.u32 $0xFFFFFFF8, s3  }
0x9d: {  	p5 =	slt.s32 s29, $0x1  }
.Ltmp4:
0x9e: {  	_ = 	snop;
	(pc) =	sbr.rel @p5 .LBB2_9-.Ltmp4, $2  }
0x9f: {  	_ =	sdelay $0x2  }
0xa0: {  	[tilespmem:s0+$0xFFFFFFF0] =	vst v2;
	v9 =	vmov s2  }
0xa1: {  	s2 =	simm.s32 $0xE040  }
0xa2: {  	v10 =	vld [tilespmem:s2+$0x30]  }
0xa3: {  	v11 =	vld [tilespmem:s2+$0xFFFFFFD0]  }
0xa4: {  	s3 =	simm.s32 $0x70;
	v12 =	vld [tilespmem:s2+$0xFFFFFFE0]  }
0xa5: {  	s5 =	simm.s32 $0x10;
	v13 =	vld [tilespmem:s2+$0xFFFFFFF0];
	v14 =	vor.u32 s3, v3  }
0xa6: {  	s18 =	simm.s32 $0x20;
	v15 =	vor.u32 s5, v3;
	v16 =	vld [tilespmem:s2+$0x0];
	vm0 =	vlt.s32 v14, v9  }
0xa7: {  	s20 =	simm.s32 $0x30;
	v14 =	vor.u32 s18, v3;
	vm1 =	vlt.s32 v15, v9;
	v10 =	vand.u32 $0x3FF, v10  }
0xa8: {  	s22 =	simm.s32 $0x40;
	v15 =	vor.u32 s20, v3;
	vm2 =	vlt.s32 v14, v9;
	v11 =	vand.u32 $0x3FF, v11  }
0xa9: {  	v17 =	vld [tilespmem:s2+$0x10];
	v14 =	vor.u32 s22, v3;
	vm3 =	vlt.s32 v15, v9;
	v12 =	vand.u32 $0x3FF, v12  }
0xaa: {  	vm7 =	vlt.s32 v14, v9;
	v14 =	vld [tilespmem:s2+$0xFFFFFFC0];
	v13 =	vand.u32 $0x3FF, v13  }
0xab: {  	s31 =	simm.s32 $0x60;
	p0 =	sgt.s32 s29, $0x8;
	v15 =	vld [tilespmem:s2+$0x20];
	v16 =	vand.u32 $0x3FF, v16  }
.Ltmp5:
0xac: {  	v18 =	vor.u32 s31, v3;
	[tilespmem:v10+s12+$0x0] =	vst.idx.add.s32.msk vm0, v5;
	(pc) =	sbr.rel @!p0 .LBB2_8-.Ltmp5, $4  }
0xad: {  	s0 =	simm.s32 $0x0;
	s30 =	simm.s32 $0x50;
	vm15 =	vlt.s32 v18, v9;
	[tilespmem:v11+s12+$0x0] =	vst.idx.add.s32.msk vm1, v5  }
0xae: {  	vm6 =	vmmov vm15;
	v10 =	vor.u32 s30, v3;
	v11 =	vor.u32 s0, v3;
	[tilespmem:v12+s12+$0x0] =	vst.idx.add.s32.msk vm2, v5  }
0xaf: {  	[tilespmem:v13+s12+$0x0] =	vst.idx.add.s32.msk vm3, v5;
	v12 =	vand.u32 $0x3FF, v14;
	vm14 =	vlt.s32 v10, v9;
	vm5 =	vlt.s32 v11, v9  }
0xb0: {  	s3 =	simm.s32 $0xE0C0;
	s2 =	simm.s32 $0x8;
	[tilespmem:v16+s12+$0x0] =	vst.idx.add.s32.msk vm7, v5;
	v10 =	vand.u32 $0x3FF, v17;
	v11 =	vand.u32 $0x3FF, v15;
	vm4 =	vmmov vm14  }
.LBB2_7:
0xb1: {  	v13 =	vld [tilespmem:s3+$0x30];
	s2 =	sadd.s32 $0x8, s2  }
0xb2: {  	s0 =	sadd.s32 $0x80, s0;
	v14 =	vld [tilespmem:s3+$0xFFFFFFD0];
	p2 =	slt.s32 s2, s29  }
0xb3: {  	v15 =	vor.u32 s0, v3;
	s5 =	sadd.s32 $0x10, s0;
	s6 =	sadd.s32 $0x20, s0;
	s8 =	sadd.s32 $0x70, s0;
	v16 =	vld [tilespmem:s3+$0xFFFFFFE0]  }
0xb4: {  	s9 =	sadd.s32 $0x50, s0;
	v17 =	vor.u32 s5, v3;
	v18 =	vor.u32 s6, v3;
	s5 =	sadd.s32 $0x30, s0;
	s6 =	sadd.s32 $0x40, s0;
	v20 =	vor.u32 s8, v3;
	v19 =	vld [tilespmem:s3+$0xFFFFFFF0]  }
0xb5: {  	v21 =	vor.u32 s5, v3;
	v23 =	vor.u32 s6, v3;
	s5 =	sadd.s32 $0x60, s0;
	vm0 =	vlt.s32 v20, v9;
	v22 =	vld [tilespmem:s3+$0x0]  }
0xb6: {  	v24 =	vor.u32 s9, v3;
	v25 =	vor.u32 s5, v3;
	v20 =	vld [tilespmem:s3+$0x10];
	v13 =	vand.u32 $0x3FF, v13  }
0xb7: {  	vm1 =	vlt.s32 v17, v9;
	vm2 =	vlt.s32 v18, v9;
	v14 =	vand.u32 $0x3FF, v14;
	v17 =	vld [tilespmem:s3+$0x20]  }
0xb8: {  	vm3 =	vlt.s32 v21, v9;
	vm7 =	vlt.s32 v23, v9;
	v18 =	vld [tilespmem:s3+$0xFFFFFFC0];
	v16 =	vand.u32 $0x3FF, v16  }
0xb9: {  	vm8 =	vlt.s32 v24, v9;
	vm9 =	vlt.s32 v25, v9;
	v19 =	vand.u32 $0x3FF, v19;
	[tilespmem:v12+s12+$0x0] =	vst.idx.add.s32.msk vm5, v5  }
0xba: {  	vm5 =	vlt.s32 v15, v9;
	v15 =	vand.u32 $0x3FF, v22;
	[tilespmem:v10+s12+$0x0] =	vst.idx.add.s32.msk vm4, v5;
	vm4 =	vmmov vm8  }
0xbb: {  	v10 =	vand.u32 $0x3FF, v20;
	[tilespmem:v13+s12+$0x0] =	vst.idx.add.s32.msk vm0, v5  }
.Ltmp6:
0xbc: {  	[tilespmem:v11+s12+$0x0] =	vst.idx.add.s32.msk vm6, v5;
	v11 =	vand.u32 $0x3FF, v17;
	vm6 =	vmmov vm9;
	(pc) =	sbr.rel @p2 .LBB2_7-.Ltmp6, $4  }
0xbd: {  	v12 =	vand.u32 $0x3FF, v18;
	[tilespmem:v14+s12+$0x0] =	vst.idx.add.s32.msk vm1, v5  }
0xbe: {  	[tilespmem:v16+s12+$0x0] =	vst.idx.add.s32.msk vm2, v5  }
0xbf: {  	[tilespmem:v19+s12+$0x0] =	vst.idx.add.s32.msk vm3, v5  }
0xc0: {  	s3 =	sadd.s32 $0x80, s3;
	[tilespmem:v15+s12+$0x0] =	vst.idx.add.s32.msk vm7, v5  }
.LBB2_8:
0xc1: {  	_ =	sdelay $0x4  }
0xc2: {  	[tilespmem:v12+s12+$0x0] =	vst.idx.add.s32.msk vm5, v5  }
0xc3: {  	[tilespmem:v10+s12+$0x0] =	vst.idx.add.s32.msk vm4, v5  }
0xc4: {  	[tilespmem:v11+s12+$0x0] =	vst.idx.add.s32.msk vm6, v5  }
.LBB2_9:
0xc5: {  	s2 =	ssub.s32 s28, s29  }
0xc6: {  	p6 =	sgt.s32 s2, $0x0  }
.Ltmp7:
0xc7: {  	_ = 	snop;
	(pc) =	sbr.rel @!p6 .LBB2_10-.Ltmp7, $3  }
0xc8: {  	_ =	sdelay $0x1  }
0xc9: {  	s0 =	sshll.u32 s29, $0x6  }
0xca: {  	s31 =	sshll.u32 s29, $0x4;
	s30 =	sshra.s32 s0, $0x2  }
0xcb: {  	s3 =	sshra.s32 s0, $0x2  }
0xcc: {  	s5 =	sshll.u32 s29, $0x4;
	s6 =	smov.u32 s29;
	s3 =	sadd.s32 $0xE000, s3  }
.LBB2_36:
0xcd: {  	v10 =	vld [tilespmem:s3+$0x0];
	_ =	sdelay $0x2  }
0xce: {  	v11 =	vor.u32 s5, v3  }
0xcf: {  	s6 =	sadd.s32 $0x1, s6;
	vm0 =	vlt.s32 v11, v9  }
0xd0: {  	p0 =	slt.s32 s6, s28;
	v10 =	vand.u32 $0x3FF, v10  }
.Ltmp8:
0xd1: {  	_ = 	snop;
	(pc) =	sbr.rel @p0 .LBB2_36-.Ltmp8, $2  }
0xd2: {  	_ =	sdelay $0x2  }
0xd3: {  	s3 =	sadd.s32 $0x10, s3;
	s5 =	sadd.s32 $0x10, s5;
	[tilespmem:v10+s12+$0x0] =	vst.idx.add.s32.msk vm0, v5  }
.LBB2_10:
0xd4: {  	s8 =	simm.s32 $0x0  }
0xd5: {  	v10 =	vld [tilespmem:s8+$0x1A400];
	_ =	sdelay $0x4  }
0xd6: {  	(xrf0) =	vadd.scan.msk.s32 $0xffff, v10;
	_ =	sdelay $0x5  }
0xd7: {  	v11, _, _ =	vpop (xrf0)  }
0xd8: {  	s3 =	simm.s32 $0x0;
	(v2sf) =	vpush v11, $0xF  }
0xd9: {  	v10 =	vsub.s32 s3, v10  }
0xda: {  	v10 =	vadd.s32 v11, v10  }
0xdb: {  	s5 =	simm.s32 $0x10;
	s6 =	simm.s32 $0x80;
	[tilespmem:s8+$0x1A400] =	vst v10  }
.LBB2_11:
0xdc: {  	p0 =	seq.s32 s6, $0xFC0;
	v10 =	vld [tilespmem:s5+$0x1A400];
	_ =	sdelay $0x4  }
0xdd: {  	(xrf0) =	vadd.scan.msk.s32 $0xffff, v10;
	_ =	sdelay $0x5  }
.Ltmp9:
0xde: {  	v11, _, _ =	vpop (xrf0);
	s8 =	spop (v2sf);
	(pc) =	sbr.rel @!p0 .LBB2_11-.Ltmp9, $4  }
0xdf: {  	(v2sf) =	vpush v11, $0xF;
	s3 =	sadd.s32 s3, s8  }
0xe0: {  	v10 =	vsub.s32 s3, v10  }
0xe1: {  	v10 =	vadd.s32 v11, v10  }
0xe2: {  	[tilespmem:s5+$0x1A400] =	vst v10;
	s5 =	sshra.s32 s6, $0x2;
	s6 =	sadd.s32 $0x40, s6  }
0xe3: {  	v10 =	vld [tilespmem:s5+$0x1A400];
	_ =	sdelay $0x4  }
0xe4: {  	(xrf0) =	vadd.scan.msk.s32 $0xffff, v10;
	_ =	sdelay $0x5  }
0xe5: {  	v11, _, _ =	vpop (xrf0)  }
0xe6: {  	(v2sf) =	vpush v11, $0xF;
	_ =	sdelay $0x9  }
0xe7: {  	p2 =	sgt.s32 s28, $0x0  }
.Ltmp10:
0xe8: {  	s6 =	spop (v2sf);
	(pc) =	sbr.rel @!p2 .LBB2_13-.Ltmp10, $4  }
0xe9: {  	s3 =	sadd.s32 s3, s6  }
0xea: {  	v10 =	vsub.s32 s3, v10  }
0xeb: {  	v10 =	vadd.s32 v11, v10  }
0xec: {  	[tilespmem:s5+$0x1A400] =	vst v10;
	s22 =	spop (v2sf)  }
0xed: {  	p0 =	seq.s32 s28, $0x1  }
.Ltmp11:
0xee: {  	_ = 	snop;
	(pc) =	sbr.rel @p0 .LBB2_38-.Ltmp11, $3  }
0xef: {  	_ =	sdelay $0x1  }
0xf0: {  	s5 =	simm.s32 $0xE000  }
0xf1: {  	s3 =	simm.s32 $0x0;
	p3 =	por $0x0, $0x0;
	v10 =	vld [tilespmem:s5+$0x0];
	s5 =	sadd.s32 $0xFFFFFFFF, s28  }
0xf2: {  	_ =	sdelay $0x2  }
0xf3: {  	v11 =	vor.u32 s3, v3  }
0xf4: {  	vm0 =	vlt.s32 v11, v9;
	v11 =	vand.u32 $0x3FF, v10  }
0xf5: {  	(xrf1) =	vunique.msk.u32 vm0, v11;
	_ =	sdelay $0x9  }
0xf6: {  	v12 =	vld.idx.msk [tilespmem:v11+s12+$0x0], $0xffff;
	_ =	sdelay $0x3  }
0xf7: {  	_, v13, vm1 =	vpop (xrf1)  }
0xf8: {  	v12 =	vadd.s32 v13, v12  }
0xf9: {  	v12 =	vadd.s32 $0xFFFFFFFF, v12;
	_ =	sdelay $0x2  }
0xfa: {  	p0 =	seq.s32 s5, $0x1  }
.Ltmp12:
0xfb: {  	_ = 	snop;
	(pc) =	sbr.rel @p0 .LBB2_40-.Ltmp12, $4  }
0xfc: {  	[tilespmem:v12+s4+$0x0] =	vst.idx.msk vm0, v10  }
0xfd: {  	s6 =	simm.s32 $0xE010;
	[tilespmem:v11+s12+$0x0] =	vst.idx.add.s32.msk vm1, v13  }
0xfe: {  	v10 =	vld [tilespmem:s6+$0x0]  }
0xff: {  	s8 =	sadd.s32 $0xFFFFFFFF, s5;
	p3 =	por $0x1, $0x1;
	s5 =	simm.s32 $0x0  }
.LBB2_41:
0x100: {  	p0 =	seq.s32 s8, $0x1  }
0x101: {  	s5 =	sadd.s32 $0x10, s5  }
0x102: {  	v11 =	vor.u32 s5, v3  }
0x103: {  	vm0 =	vlt.s32 v11, v9;
	v11 =	vand.u32 $0x3FF, v10  }
0x104: {  	(xrf1) =	vunique.msk.u32 vm0, v11;
	_ =	sdelay $0x8  }
0x105: {  	v12 =	vld.idx.msk [tilespmem:v11+s12+$0x0], $0xffff;
	_ =	sdelay $0x4  }
0x106: {  	_, v13, vm1 =	vpop (xrf1)  }
0x107: {  	v12 =	vadd.s32 v13, v12  }
0x108: {  	v12 =	vadd.s32 $0xFFFFFFFF, v12;
	_ =	sdelay $0x3  }
.Ltmp13:
0x109: {  	(pc) =	sbr.rel @!p0 .LBB2_41-.Ltmp13, $4  }
0x10a: {  	[tilespmem:v12+s4+$0x0] =	vst.idx.msk vm0, v10  }
0x10b: {  	s6 =	sadd.s32 $0x10, s6;
	[tilespmem:v11+s12+$0x0] =	vst.idx.add.s32.msk vm1, v13  }
0x10c: {  	v10 =	vld [tilespmem:s6+$0x0]  }
0x10d: {  	s8 =	sadd.s32 $0xFFFFFFFF, s8  }
.LBB2_42:
0x10e: {  	s5 =	sadd.s32 @p3 $0x10, s5  }
0x10f: {  	s3 =	smov.u32 @p3 s5  }
0x110: {  	v11 =	vor.u32 s3, v3  }
0x111: {  	vm0 =	vlt.s32 v11, v9;
	v11 =	vand.u32 $0x3FF, v10  }
0x112: {  	(xrf1) =	vunique.msk.u32 vm0, v11;
	_ =	sdelay $0x9  }
0x113: {  	v12 =	vld.idx.msk [tilespmem:v11+s12+$0x0], $0xffff;
	_ =	sdelay $0x3  }
0x114: {  	_, v13, vm1 =	vpop (xrf1)  }
0x115: {  	v12 =	vadd.s32 v13, v12  }
0x116: {  	v12 =	vadd.s32 $0xFFFFFFFF, v12;
	_ =	sdelay $0x4  }
0x117: {  	[tilespmem:v12+s4+$0x0] =	vst.idx.msk vm0, v10  }
0x118: {  	[tilespmem:v11+s12+$0x0] =	vst.idx.add.s32.msk vm1, v13  }
.LBB2_13:
0x119: {  	s3 =	simm.s32 $0x1A420  }
0x11a: {  	[tilespmem:s3+$0xFFFFFFE0] =	vst v2  }
0x11b: {  	[tilespmem:s3+$0x10] =	vst v2  }
0x11c: {  	s5 =	simm.s32 $0x0;
	[tilespmem:s3+$0x0] =	vst v2  }
.LBB2_14:
0x11d: {  	s5 =	sadd.s32 $0x4, s5  }
0x11e: {  	[tilespmem:s3+$0xFFFFFFF0] =	vst v2;
	s3 =	sadd.s32 $0x40, s3;
	p0 =	slt.u32 s5, $0x3C  }
.Ltmp14:
0x11f: {  	[tilespmem:s3+$0xFFFFFFE0] =	vst v2;
	(pc) =	sbr.rel @p0 .LBB2_14-.Ltmp14, $3  }
0x120: {  	_ =	sdelay $0x1  }
0x121: {  	[tilespmem:s3+$0x10] =	vst v2  }
0x122: {  	[tilespmem:s3+$0x0] =	vst v2  }
.Ltmp15:
0x123: {  	(pc) =	sbr.rel @p5 .LBB2_19-.Ltmp15, $2  }
0x124: {  	_ =	sdelay $0x2  }
0x125: {  	[tilespmem:s3+$0xFFFFFFF0] =	vst v2  }
0x126: {  	s6 =	simm.s32 $0x40  }
0x127: {  	v10 =	vld [tilespmem:s6+$0xFFFFFFD0]  }
0x128: {  	v12 =	vld [tilespmem:s6+$0xFFFFFFC0]  }
0x129: {  	v13 =	vld [tilespmem:s6+$0x30]  }
0x12a: {  	s5 =	simm.s32 $0x10;
	v15 =	vld [tilespmem:s6+$0x20]  }
0x12b: {  	v11 =	vor.u32 s5, v3;
	v18 =	vld [tilespmem:s6+$0x0]  }
0x12c: {  	s3 =	simm.s32 $0x70;
	s18 =	simm.s32 $0x0;
	v20 =	vld [tilespmem:s6+$0xFFFFFFE0];
	vm0 =	vlt.s32 v11, v9;
	v14 =	vshrl.u32 v10, $0xA  }
0x12d: {  	s8 =	simm.s32 $0x30;
	p0 =	sgt.s32 s29, $0x8;
	v16 =	vor.u32 s3, v3;
	v11 =	vor.u32 s18, v3;
	v19 =	vand.u32 $0x3FF, v14  }
.Ltmp16:
0x12e: {  	s20 =	simm.s32 $0x60;
	vm1 =	vlt.s32 v16, v9;
	v10 =	vor.u32 s8, v3;
	v13 =	vshrl.u32 v13, $0xA;
	(pc) =	sbr.rel @!p0 .LBB2_18-.Ltmp16, $4  }
0x12f: {  	v14 =	vand.u32 $0x3FF, v13;
	v13 =	vshrl.u32 v15, $0xA;
	v15 =	vor.u32 s20, v3  }
0x130: {  	s22 =	simm.s32 $0x20;
	v16 =	vld [tilespmem:s6+$0x10];
	v12 =	vshrl.u32 v12, $0xA;
	v21 =	vshrl.u32 v18, $0xA;
	vm4 =	vlt.s32 v15, v9  }
0x131: {  	s9 =	simm.s32 $0x40;
	v17 =	vld [tilespmem:s6+$0xFFFFFFF0];
	v18 =	vshrl.u32 v20, $0xA;
	v13 =	vand.u32 $0x3FF, v13;
	v15 =	vor.u32 s22, v3  }
0x132: {  	s5 =	simm.s32 $0x8;
	s6 =	simm.s32 $0x50;
	s8 =	simm.s32 $0xC0;
	v12 =	vand.u32 $0x3FF, v12;
	vm5 =	vlt.s32 v15, v9;
	v15 =	vand.u32 $0x3FF, v21;
	[tilespmem:v19+s12+$0x0] =	vst.idx.add.s32.msk vm0, v5  }
.LBB2_17:
0x133: {  	v19 =	vld [tilespmem:s8+$0xFFFFFFD0];
	s5 =	sadd.s32 $0x8, s5;
	v18 =	vand.u32 $0x3FF, v18;
	v20 =	vor.u32 s9, v3;
	s3 =	sadd.s32 $0x80, s3  }
0x134: {  	s9 =	sadd.s32 $0xFFFFFF90, s3;
	s14 =	sadd.s32 $0xFFFFFFC0, s3;
	p3 =	slt.s32 s5, s29;
	vm0 =	vlt.s32 v20, v9;
	[tilespmem:v14+s12+$0x0] =	vst.idx.add.s32.msk vm1, v5  }
0x135: {  	v14 =	vld [tilespmem:s8+$0xFFFFFFC0];
	v20 =	vor.u32 s9, v3;
	v21 =	vor.u32 s14, v3;
	s9 =	sadd.s32 $0xFFFFFFE0, s3;
	v16 =	vshrl.u32 v16, $0xA  }
0x136: {  	vm1 =	vlt.s32 v11, v9;
	v17 =	vshrl.u32 v17, $0xA;
	[tilespmem:v13+s12+$0x0] =	vst.idx.add.s32.msk vm4, v5;
	v11 =	vmov v20  }
0x137: {  	v20 =	vor.u32 s6, v3;
	s6 =	smov.u32 s9;
	v13 =	vld [tilespmem:s8+$0x30]  }
0x138: {  	vm2 =	vlt.s32 v10, v9;
	v10 =	vmov v21;
	vm3 =	vlt.s32 v20, v9;
	[tilespmem:v18+s12+$0x0] =	vst.idx.add.s32.msk vm5, v5  }
0x139: {  	v16 =	vand.u32 $0x3FF, v16;
	v17 =	vand.u32 $0x3FF, v17;
	v18 =	vld [tilespmem:s8+$0x20]  }
0x13a: {  	s9 =	sadd.s32 $0xFFFFFFA0, s3;
	[tilespmem:v15+s12+$0x0] =	vst.idx.add.s32.msk vm0, v5  }
0x13b: {  	v21 =	vor.u32 s3, v3;
	v15 =	vor.u32 s9, v3;
	v20 =	vld [tilespmem:s8+$0x0]  }
0x13c: {  	s9 =	sadd.s32 $0xFFFFFFF0, s3;
	vm0 =	vlt.s32 v15, v9;
	v15 =	vshrl.u32 v19, $0xA;
	v13 =	vshrl.u32 v13, $0xA;
	[tilespmem:v12+s12+$0x0] =	vst.idx.add.s32.msk vm1, v5  }
0x13d: {  	v12 =	vshrl.u32 v14, $0xA;
	v15 =	vand.u32 $0x3FF, v15;
	v19 =	vld [tilespmem:s8+$0xFFFFFFE0];
	v14 =	vand.u32 $0x3FF, v13  }
.Ltmp17:
0x13e: {  	vm1 =	vlt.s32 v21, v9;
	v12 =	vand.u32 $0x3FF, v12;
	v13 =	vshrl.u32 v18, $0xA;
	[tilespmem:v17+s12+$0x0] =	vst.idx.add.s32.msk vm2, v5;
	(pc) =	sbr.rel @p3 .LBB2_17-.Ltmp17, $4  }
0x13f: {  	v17 =	vor.u32 s9, v3;
	v13 =	vand.u32 $0x3FF, v13;
	[tilespmem:v16+s12+$0x0] =	vst.idx.add.s32.msk vm3, v5  }
0x140: {  	s9 =	sadd.s32 $0xFFFFFFB0, s3;
	vm4 =	vlt.s32 v17, v9;
	v16 =	vld [tilespmem:s8+$0x10]  }
0x141: {  	v18 =	vor.u32 s9, v3;
	v20 =	vshrl.u32 v20, $0xA;
	v17 =	vld [tilespmem:s8+$0xFFFFFFF0]  }
0x142: {  	s9 =	sadd.s32 $0xFFFFFFD0, s3;
	vm5 =	vlt.s32 v18, v9;
	s8 =	sadd.s32 $0x80, s8;
	[tilespmem:v15+s12+$0x0] =	vst.idx.add.s32.msk vm0, v5;
	v18 =	vshrl.u32 v19, $0xA;
	v15 =	vand.u32 $0x3FF, v20  }
.LBB2_18:
0x143: {  	_ =	sdelay $0x1  }
0x144: {  	v19 =	vor.u32 s9, v3;
	v18 =	vand.u32 $0x3FF, v18;
	vm2 =	vlt.s32 v11, v9  }
0x145: {  	v63 =	vor.u32 s6, v3;
	vm0 =	vlt.s32 v19, v9  }
0x146: {  	vm3 =	vlt.s32 v10, v9;
	vm15 =	vlt.s32 v63, v9;
	v10 =	vshrl.u32 v16, $0xA  }
0x147: {  	[tilespmem:v14+s12+$0x0] =	vst.idx.add.s32.msk vm1, v5;
	v11 =	vshrl.u32 v17, $0xA;
	v10 =	vand.u32 $0x3FF, v10  }
0x148: {  	[tilespmem:v13+s12+$0x0] =	vst.idx.add.s32.msk vm4, v5;
	v11 =	vand.u32 $0x3FF, v11  }
0x149: {  	[tilespmem:v18+s12+$0x0] =	vst.idx.add.s32.msk vm5, v5  }
0x14a: {  	[tilespmem:v12+s12+$0x0] =	vst.idx.add.s32.msk vm2, v5  }
0x14b: {  	[tilespmem:v15+s12+$0x0] =	vst.idx.add.s32.msk vm0, v5  }
0x14c: {  	[tilespmem:v10+s12+$0x0] =	vst.idx.add.s32.msk vm15, v5  }
0x14d: {  	[tilespmem:v11+s12+$0x0] =	vst.idx.add.s32.msk vm3, v5  }
.LBB2_19:
.Ltmp18:
0x14e: {  	(pc) =	sbr.rel @!p6 .LBB2_20-.Ltmp18, $1  }
0x14f: {  	_ =	sdelay $0x3  }
0x150: {  	s3 =	sshra.s32 s0, $0x2;
	s5 =	sshll.u32 s29, $0x4;
	s6 =	smov.u32 s29  }
.LBB2_44:
0x151: {  	v10 =	vld [tilespmem:s3+$0x0];
	_ =	sdelay $0x3  }
0x152: {  	v11 =	vor.u32 s5, v3  }
0x153: {  	s6 =	sadd.s32 $0x1, s6;
	vm0 =	vlt.s32 v11, v9;
	v10 =	vshrl.u32 v10, $0xA  }
0x154: {  	p0 =	slt.s32 s6, s28;
	v10 =	vand.u32 $0x3FF, v10  }
.Ltmp19:
0x155: {  	_ = 	snop;
	(pc) =	sbr.rel @p0 .LBB2_44-.Ltmp19, $2  }
0x156: {  	_ =	sdelay $0x2  }
0x157: {  	s3 =	sadd.s32 $0x10, s3;
	s5 =	sadd.s32 $0x10, s5;
	[tilespmem:v10+s12+$0x0] =	vst.idx.add.s32.msk vm0, v5  }
.LBB2_20:
0x158: {  	s8 =	simm.s32 $0x0  }
0x159: {  	v10 =	vld [tilespmem:s8+$0x1A400];
	_ =	sdelay $0x4  }
0x15a: {  	(xrf0) =	vadd.scan.msk.s32 $0xffff, v10;
	_ =	sdelay $0x5  }
0x15b: {  	v11, _, _ =	vpop (xrf0)  }
0x15c: {  	s3 =	simm.s32 $0x0;
	(v2sf) =	vpush v11, $0xF  }
0x15d: {  	v10 =	vsub.s32 s3, v10  }
0x15e: {  	v10 =	vadd.s32 v11, v10  }
0x15f: {  	s5 =	simm.s32 $0x10;
	s6 =	simm.s32 $0x80;
	[tilespmem:s8+$0x1A400] =	vst v10  }
.LBB2_21:
0x160: {  	p0 =	seq.s32 s6, $0xFC0;
	v10 =	vld [tilespmem:s5+$0x1A400];
	_ =	sdelay $0x4  }
0x161: {  	(xrf0) =	vadd.scan.msk.s32 $0xffff, v10;
	_ =	sdelay $0x5  }
.Ltmp20:
0x162: {  	v11, _, _ =	vpop (xrf0);
	s8 =	spop (v2sf);
	(pc) =	sbr.rel @!p0 .LBB2_21-.Ltmp20, $4  }
0x163: {  	(v2sf) =	vpush v11, $0xF;
	s3 =	sadd.s32 s3, s8  }
0x164: {  	v10 =	vsub.s32 s3, v10  }
0x165: {  	v10 =	vadd.s32 v11, v10  }
0x166: {  	[tilespmem:s5+$0x1A400] =	vst v10;
	s5 =	sshra.s32 s6, $0x2;
	s6 =	sadd.s32 $0x40, s6  }
0x167: {  	v10 =	vld [tilespmem:s5+$0x1A400];
	_ =	sdelay $0x4  }
0x168: {  	(xrf0) =	vadd.scan.msk.s32 $0xffff, v10;
	_ =	sdelay $0x5  }
0x169: {  	v11, _, _ =	vpop (xrf0)  }
0x16a: {  	(v2sf) =	vpush v11, $0xF;
	_ =	sdelay $0xa  }
.Ltmp21:
0x16b: {  	s6 =	spop (v2sf);
	(pc) =	sbr.rel @!p2 .LBB2_23-.Ltmp21, $4  }
0x16c: {  	s3 =	sadd.s32 s3, s6  }
0x16d: {  	v10 =	vsub.s32 s3, v10  }
0x16e: {  	v10 =	vadd.s32 v11, v10  }
0x16f: {  	[tilespmem:s5+$0x1A400] =	vst v10;
	s22 =	spop (v2sf)  }
0x170: {  	p0 =	seq.s32 s28, $0x1  }
.Ltmp22:
0x171: {  	_ = 	snop;
	(pc) =	sbr.rel @p0 .LBB2_46-.Ltmp22, $3  }
0x172: {  	_ =	sdelay $0x1  }
0x173: {  	s3 =	simm.s32 $0x0  }
0x174: {  	s5 =	sadd.s32 $0xFFFFFFFF, s28;
	p2 =	por $0x0, $0x0;
	v10 =	vld [tilespmem:s3+$0x0]  }
0x175: {  	_ =	sdelay $0x3  }
0x176: {  	v11 =	vor.u32 s3, v3;
	v12 =	vshrl.u32 v10, $0xA  }
0x177: {  	vm0 =	vlt.s32 v11, v9;
	v11 =	vand.u32 $0x3FF, v12  }
0x178: {  	(xrf1) =	vunique.msk.u32 vm0, v11;
	_ =	sdelay $0x9  }
0x179: {  	v12 =	vld.idx.msk [tilespmem:v11+s12+$0x0], $0xffff;
	_ =	sdelay $0x3  }
0x17a: {  	_, v13, vm1 =	vpop (xrf1)  }
0x17b: {  	v12 =	vadd.s32 v13, v12  }
0x17c: {  	v12 =	vadd.s32 $0xFFFFFFFF, v12;
	_ =	sdelay $0x2  }
0x17d: {  	p0 =	seq.s32 s5, $0x1  }
.Ltmp23:
0x17e: {  	_ = 	snop;
	(pc) =	sbr.rel @p0 .LBB2_48-.Ltmp23, $4  }
0x17f: {  	[tilespmem:v12+s13+$0x0] =	vst.idx.msk vm0, v10  }
0x180: {  	s6 =	simm.s32 $0x10;
	[tilespmem:v11+s12+$0x0] =	vst.idx.add.s32.msk vm1, v13  }
0x181: {  	v10 =	vld [tilespmem:s6+$0x0]  }
0x182: {  	s8 =	sadd.s32 $0xFFFFFFFF, s5;
	p2 =	por $0x1, $0x1;
	s5 =	simm.s32 $0x0  }
.LBB2_49:
0x183: {  	p3 =	seq.s32 s8, $0x1;
	_ =	sdelay $0x1  }
0x184: {  	s5 =	sadd.s32 $0x10, s5  }
0x185: {  	v11 =	vor.u32 s5, v3;
	v12 =	vshrl.u32 v10, $0xA  }
0x186: {  	vm0 =	vlt.s32 v11, v9;
	v11 =	vand.u32 $0x3FF, v12  }
0x187: {  	(xrf1) =	vunique.msk.u32 vm0, v11;
	_ =	sdelay $0x8  }
0x188: {  	v12 =	vld.idx.msk [tilespmem:v11+s12+$0x0], $0xffff;
	_ =	sdelay $0x4  }
0x189: {  	_, v13, vm1 =	vpop (xrf1)  }
0x18a: {  	v12 =	vadd.s32 v13, v12  }
0x18b: {  	v12 =	vadd.s32 $0xFFFFFFFF, v12;
	_ =	sdelay $0x3  }
.Ltmp24:
0x18c: {  	(pc) =	sbr.rel @!p3 .LBB2_49-.Ltmp24, $4  }
0x18d: {  	[tilespmem:v12+s13+$0x0] =	vst.idx.msk vm0, v10  }
0x18e: {  	s6 =	sadd.s32 $0x10, s6;
	[tilespmem:v11+s12+$0x0] =	vst.idx.add.s32.msk vm1, v13  }
0x18f: {  	v10 =	vld [tilespmem:s6+$0x0]  }
0x190: {  	s8 =	sadd.s32 $0xFFFFFFFF, s8  }
.LBB2_50:
0x191: {  	_ = 	snop  }
0x192: {  	s5 =	sadd.s32 @p2 $0x10, s5  }
0x193: {  	s3 =	smov.u32 @p2 s5  }
0x194: {  	v11 =	vor.u32 s3, v3;
	v12 =	vshrl.u32 v10, $0xA  }
0x195: {  	vm0 =	vlt.s32 v11, v9;
	v11 =	vand.u32 $0x3FF, v12  }
0x196: {  	(xrf1) =	vunique.msk.u32 vm0, v11;
	_ =	sdelay $0x9  }
0x197: {  	v12 =	vld.idx.msk [tilespmem:v11+s12+$0x0], $0xffff;
	_ =	sdelay $0x3  }
0x198: {  	_, v13, vm1 =	vpop (xrf1)  }
0x199: {  	v12 =	vadd.s32 v13, v12  }
0x19a: {  	v12 =	vadd.s32 $0xFFFFFFFF, v12;
	_ =	sdelay $0x4  }
0x19b: {  	[tilespmem:v12+s13+$0x0] =	vst.idx.msk vm0, v10  }
0x19c: {  	[tilespmem:v11+s12+$0x0] =	vst.idx.add.s32.msk vm1, v13  }
.LBB2_23:
0x19d: {  	s3 =	simm.s32 $0x1A420  }
0x19e: {  	[tilespmem:s3+$0xFFFFFFE0] =	vst v2  }
0x19f: {  	[tilespmem:s3+$0x10] =	vst v2  }
0x1a0: {  	s5 =	simm.s32 $0x0;
	[tilespmem:s3+$0x0] =	vst v2  }
.LBB2_24:
0x1a1: {  	s5 =	sadd.s32 $0x4, s5  }
0x1a2: {  	[tilespmem:s3+$0xFFFFFFF0] =	vst v2;
	s3 =	sadd.s32 $0x40, s3;
	p0 =	slt.u32 s5, $0x3C  }
.Ltmp25:
0x1a3: {  	[tilespmem:s3+$0xFFFFFFE0] =	vst v2;
	(pc) =	sbr.rel @p0 .LBB2_24-.Ltmp25, $3  }
0x1a4: {  	_ =	sdelay $0x1  }
0x1a5: {  	[tilespmem:s3+$0x10] =	vst v2  }
0x1a6: {  	[tilespmem:s3+$0x0] =	vst v2  }
.Ltmp26:
0x1a7: {  	(pc) =	sbr.rel @p5 .LBB2_29-.Ltmp26, $2  }
0x1a8: {  	_ =	sdelay $0x2  }
0x1a9: {  	[tilespmem:s3+$0xFFFFFFF0] =	vst v2  }
0x1aa: {  	s5 =	simm.s32 $0xE040  }
0x1ab: {  	v10 =	vld [tilespmem:s5+$0x30]  }
0x1ac: {  	v11 =	vld [tilespmem:s5+$0xFFFFFFD0]  }
0x1ad: {  	s3 =	simm.s32 $0x0;
	s6 =	simm.s32 $0x10;
	s8 =	simm.s32 $0x70;
	v12 =	vld [tilespmem:s5+$0xFFFFFFE0]  }
0x1ae: {  	s9 =	simm.s32 $0x20;
	s17 =	simm.s32 $0x30;
	s20 =	simm.s32 $0x50;
	v13 =	vld [tilespmem:s5+$0xFFFFFFF0];
	v16 =	vor.u32 s3, v3;
	v14 =	vor.u32 s6, v3;
	v17 =	vor.u32 s8, v3  }
0x1af: {  	s18 =	simm.s32 $0x40;
	s22 =	simm.s32 $0x60;
	v18 =	vor.u32 s9, v3;
	v19 =	vor.u32 s17, v3;
	v21 =	vld [tilespmem:s5+$0x20];
	v24 =	vor.u32 s20, v3  }
0x1b0: {  	v20 =	vld [tilespmem:s5+$0x10];
	v25 =	vor.u32 s22, v3;
	vm0 =	vlt.s32 v17, v9;
	v17 =	vor.u32 s18, v3  }
0x1b1: {  	v15 =	vld [tilespmem:s5+$0x0];
	vm2 =	vlt.s32 v14, v9;
	vm4 =	vlt.s32 v18, v9;
	v10 =	vshrl.u32 v10, $0x14  }
0x1b2: {  	v23 =	vld [tilespmem:s5+$0xFFFFFFC0];
	vm5 =	vlt.s32 v19, v9;
	v11 =	vshrl.u32 v11, $0x14;
	v22 =	vand.u32 $0x3FF, v10  }
0x1b3: {  	p0 =	sgt.s32 s29, $0x8;
	vm7 =	vlt.s32 v24, v9;
	vm1 =	vlt.s32 v16, v9;
	v26 =	vand.u32 $0x3FF, v11  }
.Ltmp27:
0x1b4: {  	vm6 =	vlt.s32 v17, v9;
	v14 =	vshrl.u32 v21, $0x14;
	v10 =	vshrl.u32 v12, $0x14;
	(pc) =	sbr.rel @!p0 .LBB2_28-.Ltmp27, $4  }
0x1b5: {  	v12 =	vshrl.u32 v13, $0x14;
	v13 =	vshrl.u32 v20, $0x14;
	v14 =	vand.u32 $0x3FF, v14  }
0x1b6: {  	v10 =	vand.u32 $0x3FF, v10;
	v11 =	vand.u32 $0x3FF, v12;
	v12 =	vshrl.u32 v15, $0x14  }
0x1b7: {  	v13 =	vand.u32 $0x3FF, v13;
	v15 =	vshrl.u32 v23, $0x14;
	[tilespmem:v22+s12+$0x0] =	vst.idx.add.s32.msk vm0, v5;
	vm0 =	vlt.s32 v25, v9  }
0x1b8: {  	s5 =	simm.s32 $0x8;
	s6 =	simm.s32 $0xE0C0;
	v12 =	vand.u32 $0x3FF, v12;
	v15 =	vand.u32 $0x3FF, v15;
	[tilespmem:v26+s12+$0x0] =	vst.idx.add.s32.msk vm2, v5;
	vm8 =	vmmov vm0  }
.LBB2_27:
0x1b9: {  	v16 =	vld [tilespmem:s6+$0x30];
	s5 =	sadd.s32 $0x8, s5  }
0x1ba: {  	v17 =	vld [tilespmem:s6+$0xFFFFFFD0];
	p2 =	slt.s32 s5, s29  }
0x1bb: {  	s3 =	sadd.s32 $0x80, s3;
	v18 =	vld [tilespmem:s6+$0xFFFFFFE0]  }
0x1bc: {  	v19 =	vor.u32 s3, v3;
	s8 =	sadd.s32 $0x10, s3;
	s9 =	sadd.s32 $0x20, s3;
	s14 =	sadd.s32 $0x70, s3;
	v20 =	vld [tilespmem:s6+$0xFFFFFFF0]  }
0x1bd: {  	s15 =	sadd.s32 $0x50, s3;
	v21 =	vor.u32 s8, v3;
	v22 =	vor.u32 s9, v3;
	s8 =	sadd.s32 $0x30, s3;
	s9 =	sadd.s32 $0x40, s3;
	v24 =	vor.u32 s14, v3;
	v23 =	vld [tilespmem:s6+$0x0]  }
0x1be: {  	v25 =	vor.u32 s8, v3;
	s8 =	sadd.s32 $0x60, s3;
	vm2 =	vlt.s32 v24, v9;
	v26 =	vld [tilespmem:s6+$0x10];
	v16 =	vshrl.u32 v16, $0x14  }
0x1bf: {  	v24 =	vor.u32 s9, v3;
	v17 =	vshrl.u32 v17, $0x14;
	v27 =	vld [tilespmem:s6+$0x20];
	v16 =	vand.u32 $0x3FF, v16  }
0x1c0: {  	v29 =	vor.u32 s15, v3;
	v30 =	vor.u32 s8, v3;
	v28 =	vld [tilespmem:s6+$0xFFFFFFC0];
	v18 =	vshrl.u32 v18, $0x14  }
0x1c1: {  	v17 =	vand.u32 $0x3FF, v17;
	v18 =	vand.u32 $0x3FF, v18;
	v20 =	vshrl.u32 v20, $0x14;
	[tilespmem:v15+s12+$0x0] =	vst.idx.add.s32.msk vm1, v5  }
0x1c2: {  	vm0 =	vlt.s32 v21, v9;
	v15 =	vand.u32 $0x3FF, v20;
	v20 =	vshrl.u32 v23, $0x14;
	[tilespmem:v10+s12+$0x0] =	vst.idx.add.s32.msk vm4, v5;
	v10 =	vmovc v18  }
0x1c3: {  	vm4 =	vlt.s32 v22, v9;
	v18 =	vand.u32 $0x3FF, v20;
	v20 =	vshrl.u32 v26, $0x14;
	[tilespmem:v11+s12+$0x0] =	vst.idx.add.s32.msk vm5, v5;
	v11 =	vmovc v15  }
.Ltmp28:
0x1c4: {  	vm5 =	vlt.s32 v25, v9;
	v20 =	vand.u32 $0x3FF, v20;
	v15 =	vshrl.u32 v27, $0x14;
	[tilespmem:v16+s12+$0x0] =	vst.idx.add.s32.msk vm2, v5;
	(pc) =	sbr.rel @p2 .LBB2_27-.Ltmp28, $4  }
0x1c5: {  	v16 =	vshrl.u32 v28, $0x14;
	v21 =	vand.u32 $0x3FF, v15;
	[tilespmem:v12+s12+$0x0] =	vst.idx.add.s32.msk vm6, v5;
	vm6 =	vlt.s32 v24, v9;
	v12 =	vmovc v18  }
0x1c6: {  	vm2 =	vlt.s32 v30, v9;
	v15 =	vand.u32 $0x3FF, v16;
	[tilespmem:v13+s12+$0x0] =	vst.idx.add.s32.msk vm7, v5;
	vm7 =	vlt.s32 v29, v9  }
0x1c7: {  	vm1 =	vlt.s32 v19, v9;
	v13 =	vmovc v20;
	[tilespmem:v14+s12+$0x0] =	vst.idx.add.s32.msk vm8, v5;
	v14 =	vmov v21;
	vm8 =	vmmov vm2  }
0x1c8: {  	s6 =	sadd.s32 $0x80, s6;
	[tilespmem:v17+s12+$0x0] =	vst.idx.add.s32.msk vm0, v5  }
.LBB2_28:
0x1c9: {  	_ =	sdelay $0x4  }
0x1ca: {  	[tilespmem:v15+s12+$0x0] =	vst.idx.add.s32.msk vm1, v5  }
0x1cb: {  	[tilespmem:v10+s12+$0x0] =	vst.idx.add.s32.msk vm4, v5  }
0x1cc: {  	[tilespmem:v11+s12+$0x0] =	vst.idx.add.s32.msk vm5, v5  }
0x1cd: {  	[tilespmem:v12+s12+$0x0] =	vst.idx.add.s32.msk vm6, v5  }
0x1ce: {  	[tilespmem:v13+s12+$0x0] =	vst.idx.add.s32.msk vm7, v5  }
0x1cf: {  	[tilespmem:v14+s12+$0x0] =	vst.idx.add.s32.msk vm8, v5  }
.LBB2_29:
.Ltmp29:
0x1d0: {  	(pc) =	sbr.rel @!p6 .LBB2_30-.Ltmp29, $1  }
0x1d1: {  	_ =	sdelay $0x3  }
0x1d2: {  	s0 =	sshra.s32 s0, $0x2  }
0x1d3: {  	s3 =	sshll.u32 s29, $0x4;
	s5 =	smov.u32 s29;
	s0 =	sadd.s32 $0xE000, s0  }
.LBB2_52:
0x1d4: {  	v10 =	vld [tilespmem:s0+$0x0];
	_ =	sdelay $0x3  }
0x1d5: {  	v11 =	vor.u32 s3, v3  }
0x1d6: {  	s5 =	sadd.s32 $0x1, s5;
	vm0 =	vlt.s32 v11, v9;
	v10 =	vshrl.u32 v10, $0x14  }
0x1d7: {  	p0 =	slt.s32 s5, s28;
	v10 =	vand.u32 $0x3FF, v10  }
.Ltmp30:
0x1d8: {  	_ = 	snop;
	(pc) =	sbr.rel @p0 .LBB2_52-.Ltmp30, $2  }
0x1d9: {  	_ =	sdelay $0x2  }
0x1da: {  	s0 =	sadd.s32 $0x10, s0;
	s3 =	sadd.s32 $0x10, s3;
	[tilespmem:v10+s12+$0x0] =	vst.idx.add.s32.msk vm0, v5  }
.LBB2_30:
0x1db: {  	s6 =	simm.s32 $0x0  }
0x1dc: {  	v10 =	vld [tilespmem:s6+$0x1A400];
	_ =	sdelay $0x4  }
0x1dd: {  	(xrf0) =	vadd.scan.msk.s32 $0xffff, v10;
	_ =	sdelay $0x5  }
0x1de: {  	v11, _, _ =	vpop (xrf0)  }
0x1df: {  	s0 =	simm.s32 $0x0;
	(v2sf) =	vpush v11, $0xF  }
0x1e0: {  	v10 =	vsub.s32 s0, v10  }
0x1e1: {  	v10 =	vadd.s32 v11, v10  }
0x1e2: {  	s3 =	simm.s32 $0x10;
	s5 =	simm.s32 $0x80;
	[tilespmem:s6+$0x1A400] =	vst v10  }
.LBB2_31:
0x1e3: {  	p0 =	seq.s32 s5, $0xFC0;
	v10 =	vld [tilespmem:s3+$0x1A400];
	_ =	sdelay $0x4  }
0x1e4: {  	(xrf0) =	vadd.scan.msk.s32 $0xffff, v10;
	_ =	sdelay $0x5  }
.Ltmp31:
0x1e5: {  	v11, _, _ =	vpop (xrf0);
	s6 =	spop (v2sf);
	(pc) =	sbr.rel @!p0 .LBB2_31-.Ltmp31, $4  }
0x1e6: {  	(v2sf) =	vpush v11, $0xF;
	s0 =	sadd.s32 s0, s6  }
0x1e7: {  	v10 =	vsub.s32 s0, v10  }
0x1e8: {  	v10 =	vadd.s32 v11, v10  }
0x1e9: {  	[tilespmem:s3+$0x1A400] =	vst v10;
	s3 =	sshra.s32 s5, $0x2;
	s5 =	sadd.s32 $0x40, s5  }
0x1ea: {  	v10 =	vld [tilespmem:s3+$0x1A400];
	_ =	sdelay $0x4  }
0x1eb: {  	(xrf0) =	vadd.scan.msk.s32 $0xffff, v10;
	_ =	sdelay $0x5  }
0x1ec: {  	v11, _, _ =	vpop (xrf0)  }
0x1ed: {  	(v2sf) =	vpush v11, $0xF;
	_ =	sdelay $0x9  }
0x1ee: {  	p0 =	slt.s32 s28, $0x1  }
.Ltmp32:
0x1ef: {  	s5 =	spop (v2sf);
	(pc) =	sbr.rel @p0 .LBB2_53-.Ltmp32, $4  }
0x1f0: {  	s0 =	sadd.s32 s0, s5  }
0x1f1: {  	v10 =	vsub.s32 s0, v10  }
0x1f2: {  	v10 =	vadd.s32 v11, v10  }
0x1f3: {  	[tilespmem:s3+$0x1A400] =	vst v10;
	s22 =	spop (v2sf)  }
0x1f4: {  	p0 =	seq.s32 s28, $0x1  }
.Ltmp33:
0x1f5: {  	_ = 	snop;
	(pc) =	sbr.rel @p0 .LBB2_34-.Ltmp33, $3  }
0x1f6: {  	_ =	sdelay $0x1  }
0x1f7: {  	s3 =	simm.s32 $0xE000  }
0x1f8: {  	s0 =	simm.s32 $0x0;
	p2 =	por $0x0, $0x0;
	v10 =	vld [tilespmem:s3+$0x0];
	s3 =	sadd.s32 $0xFFFFFFFF, s28  }
0x1f9: {  	_ =	sdelay $0x3  }
0x1fa: {  	v11 =	vor.u32 s0, v3;
	v12 =	vshrl.u32 v10, $0x14  }
0x1fb: {  	vm0 =	vlt.s32 v11, v9;
	v11 =	vand.u32 $0x3FF, v12  }
0x1fc: {  	(xrf1) =	vunique.msk.u32 vm0, v11;
	_ =	sdelay $0x9  }
0x1fd: {  	v12 =	vld.idx.msk [tilespmem:v11+s12+$0x0], $0xffff;
	_ =	sdelay $0x3  }
0x1fe: {  	_, v13, vm1 =	vpop (xrf1)  }
0x1ff: {  	v12 =	vadd.s32 v13, v12  }
0x200: {  	v12 =	vadd.s32 $0xFFFFFFFF, v12;
	_ =	sdelay $0x2  }
0x201: {  	p0 =	seq.s32 s3, $0x1  }
.Ltmp34:
0x202: {  	_ = 	snop;
	(pc) =	sbr.rel @p0 .LBB2_68-.Ltmp34, $4  }
0x203: {  	[tilespmem:v12+s4+$0x0] =	vst.idx.msk vm0, v10  }
0x204: {  	s5 =	simm.s32 $0xE010;
	[tilespmem:v11+s12+$0x0] =	vst.idx.add.s32.msk vm1, v13  }
0x205: {  	v10 =	vld [tilespmem:s5+$0x0]  }
0x206: {  	s6 =	sadd.s32 $0xFFFFFFFF, s3;
	p2 =	por $0x1, $0x1;
	s3 =	simm.s32 $0x0  }
.LBB2_69:
0x207: {  	p3 =	seq.s32 s6, $0x1;
	_ =	sdelay $0x1  }
0x208: {  	s3 =	sadd.s32 $0x10, s3  }
0x209: {  	v11 =	vor.u32 s3, v3;
	v12 =	vshrl.u32 v10, $0x14  }
0x20a: {  	vm0 =	vlt.s32 v11, v9;
	v11 =	vand.u32 $0x3FF, v12  }
0x20b: {  	(xrf1) =	vunique.msk.u32 vm0, v11;
	_ =	sdelay $0x8  }
0x20c: {  	v12 =	vld.idx.msk [tilespmem:v11+s12+$0x0], $0xffff;
	_ =	sdelay $0x4  }
0x20d: {  	_, v13, vm1 =	vpop (xrf1)  }
0x20e: {  	v12 =	vadd.s32 v13, v12  }
0x20f: {  	v12 =	vadd.s32 $0xFFFFFFFF, v12;
	_ =	sdelay $0x3  }
.Ltmp35:
0x210: {  	(pc) =	sbr.rel @!p3 .LBB2_69-.Ltmp35, $4  }
0x211: {  	[tilespmem:v12+s4+$0x0] =	vst.idx.msk vm0, v10  }
0x212: {  	s5 =	sadd.s32 $0x10, s5;
	[tilespmem:v11+s12+$0x0] =	vst.idx.add.s32.msk vm1, v13  }
0x213: {  	v10 =	vld [tilespmem:s5+$0x0]  }
0x214: {  	s6 =	sadd.s32 $0xFFFFFFFF, s6  }
.LBB2_70:
0x215: {  	_ = 	snop  }
0x216: {  	s3 =	sadd.s32 @p2 $0x10, s3  }
0x217: {  	s0 =	smov.u32 @p2 s3  }
0x218: {  	v11 =	vor.u32 s0, v3;
	v12 =	vshrl.u32 v10, $0x14  }
0x219: {  	vm0 =	vlt.s32 v11, v9;
	v11 =	vand.u32 $0x3FF, v12  }
0x21a: {  	(xrf1) =	vunique.msk.u32 vm0, v11;
	_ =	sdelay $0x9  }
0x21b: {  	v12 =	vld.idx.msk [tilespmem:v11+s12+$0x0], $0xffff;
	_ =	sdelay $0x3  }
0x21c: {  	_, v13, vm1 =	vpop (xrf1)  }
0x21d: {  	v12 =	vadd.s32 v13, v12  }
0x21e: {  	v12 =	vadd.s32 $0xFFFFFFFF, v12;
	_ =	sdelay $0x4  }
0x21f: {  	[tilespmem:v12+s4+$0x0] =	vst.idx.msk vm0, v10  }
0x220: {  	[tilespmem:v11+s12+$0x0] =	vst.idx.add.s32.msk vm1, v13  }
.LBB2_53:
.Ltmp36:
0x221: {  	(pc) =	sbr.rel @p5 .LBB2_54-.Ltmp36, $1  }
0x222: {  	_ =	sdelay $0x3  }
0x223: {  	s3 =	simm.s32 $0x70;
	s18 =	simm.s32 $0x40  }
0x224: {  	s15 =	simm.s32 $0x60;
	v10 =	vadd.s32 s3, v6;
	v11 =	vld [tilespmem:s18+$0x30]  }
0x225: {  	s20 =	simm.s32 $0x50;
	v15 =	vadd.s32 s15, v6;
	v12 =	vld [tilespmem:s18+$0x20];
	vm0 =	vgt.s32 v10, $0x0  }
0x226: {  	s8 =	simm.s32 $0x40;
	s9 =	simm.s32 $0x10;
	v16 =	vadd.s32 s20, v6;
	v14 =	vld [tilespmem:s18+$0x10];
	vm1 =	vgt.s32 v15, $0x0;
	v17 =	vnsel vm0, $0x0, v10  }
0x227: {  	s22 =	simm.s32 $0x0;
	s14 =	simm.s32 $0x20;
	p0 =	sgt.s32 s29, $0x8;
	v13 =	vld [tilespmem:s18+$0x0];
	v19 =	vadd.s32 s8, v6;
	v20 =	vadd.s32 s9, v6;
	v18 =	vnsel vm1, $0x0, v15  }
.Ltmp37:
0x228: {  	s17 =	simm.s32 $0x30;
	v21 =	vadd.s32 s14, v6;
	v10 =	vadd.s32 s22, v6;
	vm0 =	vgt.s32 v16, $0x0;
	v15 =	vld [tilespmem:s18+$0xFFFFFFE0];
	(pc) =	sbr.rel @!p0 .LBB2_72-.Ltmp37, $4  }
0x229: {  	v33 =	vadd.s32 s17, v6;
	vm1 =	vgt.s32 v10, $0x0;
	v25 =	vnsel vm0, $0x0, v16;
	v16 =	vld [tilespmem:s18+$0xFFFFFFC0]  }
0x22a: {  	v34 =	vor.u32 s3, v3;
	vm0 =	vgt.s32 v19, $0x0;
	v27 =	vnsel vm1, $0x0, v10;
	v10 =	vld [tilespmem:s18+$0xFFFFFFD0]  }
0x22b: {  	vm1 =	vgt.s32 v20, $0x0;
	v26 =	vnsel vm0, $0x0, v19;
	vm0 =	vgt.s32 v21, $0x0;
	v22 =	vld.idx.msk [tilespmem:v17+s4+$0x0], $0xffff  }
0x22c: {  	s0 =	simm.s32 $0x0;
	p2 =	por $0x0, $0x0;
	s3 =	simm.s32 $0xF0;
	v28 =	vnsel vm1, $0x0, v20;
	v29 =	vnsel vm0, $0x0, v21;
	vm1 =	vgt.s32 v33, $0x0;
	v23 =	vld.idx.msk [tilespmem:v18+s4+$0x0], $0xffff  }
0x22d: {  	_ =	sdelay $0x1  }
0x22e: {  	v20 =	vadd.s32 s3, v6;
	vm0 =	vlt.s32 v34, v9;
	v4 =	vimm.s32 $0x0  }
0x22f: {  	v17 =	vnsel vm1, $0x0, v33;
	v21 =	vor.u32 s8, v3;
	v4 =	vsel vm0, $0xFFFFFFFF, v4  }
0x230: {  	v18 =	vld.idx.msk [tilespmem:v25+s4+$0x0], $0xffff;
	v24 =	vor.u32 s20, v3;
	v25 =	vor.u32 s15, v3;
	v30 =	vor.u32 s14, v3;
	[tilespmem:$0x1FF80] =	vst v4  }
0x231: {  	v31 =	vor.u32 s17, v3;
	s15 =	simm.s32 $0xE0;
	s20 =	simm.s32 $0xD0;
	v32 =	vmov s22;
	v62 =	vor.u32 s22, v3;
	v19 =	vld.idx.msk [tilespmem:v27+s4+$0x0], $0xffff  }
0x232: {  	vm15 =	vgt.s32 v20, $0x0;
	v63 =	vadd.s32 s20, v6;
	v35 =	vadd.s32 s15, v6;
	v26 =	vld.idx.msk [tilespmem:v26+s4+$0x0], $0xffff  }
0x233: {  	vm2 =	vlt.s32 v25, v9;
	vm3 =	vlt.s32 v31, v9;
	vm4 =	vlt.s32 v21, v9;
	v4 =	vld [tilespmem:$0x1FF80]  }
0x234: {  	s14 =	simm.s32 $0xA0;
	vm7 =	vlt.s32 v24, v9;
	vm0 =	vlt.s32 v62, v9;
	vm6 =	vlt.s32 v30, v9  }
0x235: {  	vm9 =	veq.s32 v32, v3;
	v31 =	vadd.s32 s14, v6;
	v27 =	vor.u32 s9, v3;
	v28 =	vld.idx.msk [tilespmem:v28+s4+$0x0], $0xffff  }
0x236: {  	s22 =	simm.s32 $0x80;
	v29 =	vld.idx.msk [tilespmem:v29+s4+$0x0], $0xffff;
	vm10 =	vne.s32 v11, v22;
	vm5 =	vlt.s32 v27, v9;
	vm1 =	vne.s32 v14, v18  }
0x237: {  	vm13 =	vne.s32 v12, v23;
	v23 =	vadd.s32 s22, v6;
	v25 =	vld.idx.msk [tilespmem:v17+s4+$0x0], $0xffff;
	vm7 =	vmand vm7, vm1  }
0x238: {  	v17 =	vld [tilespmem:s18+$0xFFFFFFF0];
	vm8 =	vne.s32 v16, v19;
	vm14 =	vne.s32 v13, v26;
	vm1 =	vnez.u8 v4  }
0x239: {  	vm8 =	vmor vm9, vm8;
	vm11 =	vmand vm4, vm14;
	vm10 =	vmand vm1, vm10  }
0x23a: {  	vm1 =	vgt.s32 v35, $0x0;
	vm0 =	vmand vm0, vm8;
	vm8 =	vne.s32 v10, v28  }
0x23b: {  	v18 =	vmpcnt.ones.xlane vm0;
	vm5 =	vmand vm5, vm8;
	vm8 =	vne.s32 v15, v29  }
0x23c: {  	v30 =	vnsel vm1, $0x0, v35;
	v19 =	vmpcnt.ones.xlane vm5;
	vm12 =	vmand vm6, vm8  }
0x23d: {  	vm6 =	vne.s32 v17, v25;
	v21 =	vmpcnt.ones.xlane vm12;
	(v2sf) =	vpush v18, $0x0  }
0x23e: {  	s18 =	simm.s32 $0xC0;
	vm1 =	vgt.s32 v23, $0x0;
	vm9 =	vmand vm3, vm6;
	(v2sf) =	vpush v19, $0x0  }
0x23f: {  	s9 =	simm.s32 $0x90;
	v24 =	vld [tilespmem:s18+$0x0];
	v29 =	vnsel vm15, $0x0, v20;
	v18 =	vmpcnt.ones.xlane vm9;
	(v2sf) =	vpush v21, $0x0  }
0x240: {  	v32 =	vld [tilespmem:s18+$0xFFFFFFD0];
	v27 =	vnsel vm1, $0x0, v23;
	v23 =	vadd.s32 s9, v6;
	v19 =	vmpcnt.ones.xlane vm11  }
0x241: {  	v20 =	vld [tilespmem:s18+$0xFFFFFFE0];
	vm8 =	vmand vm2, vm13;
	v21 =	vmpcnt.ones.xlane vm7;
	(v2sf) =	vpush v18, $0x0  }
0x242: {  	p0 =	sgt.s32 s29, $0x10;
	[tilespmem:s0+$0xE000] =	vst.msk vm0, v16;
	v16 =	vld [tilespmem:s18+$0xFFFFFFC0];
	vm1 =	vgt.s32 v23, $0x0;
	v22 =	vmpcnt.ones.xlane vm8;
	(v2sf) =	vpush v19, $0x0  }
.Ltmp38:
0x243: {  	s8 =	simm.s32 $0xC0;
	s17 =	simm.s32 $0xB0;
	v25 =	vmpcnt.ones.xlane vm10;
	v28 =	vnsel vm1, $0x0, v23;
	v23 =	vld.idx.msk [tilespmem:v30+s4+$0x0], $0xffff;
	(v2sf) =	vpush v21, $0x0;
	(pc) =	sbr.rel @!p0 .LBB2_74-.Ltmp38, $4  }
0x244: {  	v33 =	vadd.s32 s17, v6;
	v18 =	vld [tilespmem:s18+$0x30];
	(v2sf) =	vpush v22, $0x0;
	v22 =	vadd.s32 s8, v6  }
0x245: {  	vm2 =	vgt.s32 v63, $0x0;
	v19 =	vld [tilespmem:s18+$0x20];
	(v2sf) =	vpush v25, $0x0;
	vm0 =	vgt.s32 v22, $0x0  }
0x246: {  	s6 =	simm.s32 $0x10;
	v21 =	vld [tilespmem:s18+$0x10];
	v25 =	vnsel vm2, $0x0, v63;
	v26 =	vnsel vm0, $0x0, v22;
	vm0 =	vgt.s32 v31, $0x0  }
0x247: {  	v34 =	vor.u32 s3, v3;
	s5 =	simm.s32 $0x170;
	p2 =	por $0x1, $0x1;
	s3 =	simm.s32 $0x0;
	vm1 =	vgt.s32 v33, $0x0;
	v22 =	vld.idx.msk [tilespmem:v29+s4+$0x0], $0xffff;
	v29 =	vnsel vm0, $0x0, v31  }
.LBB2_75:
0x248: {  	_ = 	snop  }
0x249: {  	v30 =	vadd.s32 s5, v6;
	v31 =	vnsel vm1, $0x0, v33;
	vm0 =	vlt.s32 v34, v9  }
0x24a: {  	v4 =	vimm.s32 $0x0;
	v62 =	vor.u32 s8, v3;
	v63 =	vor.u32 s20, v3  }
0x24b: {  	v25 =	vld.idx.msk [tilespmem:v25+s4+$0x0], $0xffff;
	v35 =	vor.u32 s15, v3;
	v36 =	vor.u32 s9, v3;
	v37 =	vor.u32 s14, v3  }
0x24c: {  	v27 =	vld.idx.msk [tilespmem:v27+s4+$0x0], $0xffff;
	s15 =	sadd.s32 $0xFFFFFFF0, s5;
	v38 =	vor.u32 s17, v3;
	v39 =	vmov s22;
	v40 =	vor.u32 s22, v3;
	s17 =	spop (v2sf)  }
0x24d: {  	v26 =	vld.idx.msk [tilespmem:v26+s4+$0x0], $0xffff;
	s20 =	sadd.s32 $0xFFFFFFE0, s5;
	v34 =	vor.u32 s5, v3;
	v4 =	vsel vm0, $0xFFFFFFFF, v4;
	vm0 =	vgt.s32 v30, $0x0;
	s3 =	sadd.s32 s3, s17;
	s9 =	spop (v2sf)  }
0x24e: {  	v28 =	vld.idx.msk [tilespmem:v28+s4+$0x0], $0xffff;
	v41 =	vadd.s32 s20, v6;
	v42 =	vadd.s32 s15, v6;
	vm13 =	vlt.s32 v35, v9;
	[tilespmem:$0x1FF50] =	vst v4;
	s8 =	sadd.s32 s3, s9;
	s14 =	spop (v2sf)  }
0x24f: {  	v29 =	vld.idx.msk [tilespmem:v29+s4+$0x0], $0xffff;
	vm2 =	vlt.s32 v38, v9;
	vm14 =	vlt.s32 v62, v9;
	v4 =	vimm.s32 $0x0;
	[tilespmem:s3+$0xE000] =	vst.msk vm5, v10;
	s3 =	sadd.s32 s8, s14  }
0x250: {  	vm1 =	vlt.s32 v63, v9;
	vm6 =	vlt.s32 v36, v9;
	v4 =	vsel vm0, $0xFFFFFFFF, v4;
	v31 =	vld.idx.msk [tilespmem:v31+s4+$0x0], $0xffff;
	[tilespmem:s3+$0xE000] =	vst.msk vm9, v17  }
0x251: {  	vm3 =	vlt.s32 v37, v9;
	vm4 =	veq.s32 v39, v3;
	[tilespmem:$0x1FF60] =	vst v4;
	vm0 =	vne.s32 v16, v27;
	s17 =	spop (v2sf);
	v17 =	vld [tilespmem:s18+$0xFFFFFFF0]  }
0x252: {  	vm15 =	vne.s32 v18, v22;
	v4 =	vld [tilespmem:$0x1FF50];
	v10 =	vmovc v32;
	vm5 =	vlt.s32 v40, v9;
	[tilespmem:s8+$0xE000] =	vst.msk vm12, v15;
	s3 =	sadd.s32 s3, s17;
	s22 =	spop (v2sf);
	vm9 =	vmor vm4, vm0  }
0x253: {  	vm4 =	vne.s32 v21, v25;
	vm0 =	vne.s32 v19, v23;
	[tilespmem:s3+$0xE000] =	vst.msk vm11, v13;
	s3 =	sadd.s32 s3, s22;
	s14 =	spop (v2sf);
	vm11 =	vne.s32 v24, v26  }
0x254: {  	[tilespmem:s3+$0xE000] =	vst.msk vm7, v14;
	s3 =	sadd.s32 s3, s14;
	s17 =	spop (v2sf);
	vm7 =	vmand vm5, vm9;
	vm5 =	vne.s32 v10, v28;
	vm11 =	vmand vm14, vm11  }
0x255: {  	[tilespmem:s3+$0xE000] =	vst.msk vm8, v12;
	s3 =	sadd.s32 s3, s17;
	v12 =	vmovc v19;
	v19 =	vmpcnt.ones.xlane vm7;
	vm5 =	vmand vm6, vm5;
	vm6 =	vne.s32 v20, v29  }
0x256: {  	v15 =	vmovc v20;
	v20 =	vmpcnt.ones.xlane vm11;
	[tilespmem:s3+$0xE000] =	vst.msk vm10, v11;
	v11 =	vmovc v18;
	v18 =	vmpcnt.ones.xlane vm5;
	vm8 =	vne.s32 v17, v31  }
0x257: {  	s17 =	sadd.s32 $0xFFFFFFC0, s5;
	s22 =	spop (v2sf);
	vm9 =	vmand vm2, vm8;
	vm8 =	vmand vm13, vm0;
	vm0 =	vnez.u8 v4;
	v4 =	vld [tilespmem:$0x1FF60]  }
0x258: {  	s14 =	sadd.s32 $0xFFFFFFB0, s5;
	vm12 =	vmand vm3, vm6;
	v33 =	vadd.s32 s17, v6;
	(v2sf) =	vpush v19, $0x0;
	s3 =	sadd.s32 s3, s22  }
0x259: {  	(v2sf) =	vpush v18, $0x0;
	s22 =	sadd.s32 $0xFFFFFF90, s5;
	v31 =	vadd.s32 s14, v6;
	[tilespmem:s3+$0xE000] =	vst.msk vm7, v16;
	v16 =	vmpcnt.ones.xlane vm12  }
0x25a: {  	s18 =	sadd.s32 $0x80, s18;
	vm7 =	vmand vm1, vm4;
	v23 =	vadd.s32 s22, v6;
	v19 =	vmpcnt.ones.xlane vm9  }
0x25b: {  	v13 =	vmovc v24;
	v24 =	vld [tilespmem:s18+$0x0];
	v22 =	vmpcnt.ones.xlane vm8;
	vm10 =	vmand vm0, vm15;
	(v2sf) =	vpush v16, $0x0  }
0x25c: {  	v32 =	vld [tilespmem:s18+$0xFFFFFFD0];
	v16 =	vmpcnt.ones.xlane vm7;
	(v2sf) =	vpush v19, $0x0;
	vm1 =	vnez.u8 v4  }
0x25d: {  	s6 =	sadd.s32 $0x8, s6;
	v14 =	vmovc v21;
	v21 =	vld [tilespmem:s18+$0x10];
	vm0 =	vgt.s32 v42, $0x0;
	(v2sf) =	vpush v20, $0x0;
	v29 =	vnsel vm1, $0x0, v30  }
0x25e: {  	p0 =	slt.s32 s6, s29;
	v18 =	vld [tilespmem:s18+$0x30];
	v20 =	vmpcnt.ones.xlane vm10;
	(v2sf) =	vpush v16, $0x0;
	v30 =	vnsel vm0, $0x0, v42  }
.Ltmp39:
0x25f: {  	s8 =	sadd.s32 $0xFFFFFFD0, s5;
	v19 =	vld [tilespmem:s18+$0x20];
	(v2sf) =	vpush v22, $0x0;
	vm1 =	vgt.s32 v41, $0x0;
	vm0 =	vgt.s32 v23, $0x0;
	(pc) =	sbr.rel @p0 .LBB2_75-.Ltmp39, $4  }
0x260: {  	s9 =	sadd.s32 $0xFFFFFFA0, s5;
	v16 =	vld [tilespmem:s18+$0xFFFFFFC0];
	v22 =	vadd.s32 s8, v6;
	(v2sf) =	vpush v20, $0x0;
	v25 =	vnsel vm1, $0x0, v41  }
0x261: {  	v20 =	vld [tilespmem:s18+$0xFFFFFFE0];
	v27 =	vnsel vm0, $0x0, v23;
	v23 =	vadd.s32 s9, v6;
	vm0 =	vgt.s32 v22, $0x0  }
0x262: {  	vm1 =	vgt.s32 v23, $0x0;
	v26 =	vnsel vm0, $0x0, v22;
	vm0 =	vgt.s32 v31, $0x0;
	v22 =	vld.idx.msk [tilespmem:v29+s4+$0x0], $0xffff  }
0x263: {  	s5 =	sadd.s32 $0x80, s5;
	v28 =	vnsel vm1, $0x0, v23;
	vm1 =	vgt.s32 v33, $0x0;
	v29 =	vnsel vm0, $0x0, v31;
	v23 =	vld.idx.msk [tilespmem:v30+s4+$0x0], $0xffff  }
0x264: {  	v4 =	vimm.s32 $0x0  }
0x265: {  	v4 =	vsel vm12, $0xFFFFFFFF, v4  }
0x266: {  	v30 =	vmovc v10;
	v31 =	vmov v13;
	v10 =	vmov v32;
	v13 =	vmov v24;
	[tilespmem:$0x1FF70] =	vst v4  }
.LBB2_77:
0x267: {  	_ =	sdelay $0x3  }
0x268: {  	v27 =	vld.idx.msk [tilespmem:v27+s4+$0x0], $0xffff  }
0x269: {  	v24 =	vnsel vm1, $0x0, v33;
	v28 =	vld.idx.msk [tilespmem:v28+s4+$0x0], $0xffff;
	vm2 =	vlt.s32 v34, v9  }
0x26a: {  	v32 =	vor.u32 s8, v3;
	v52 =	vor.u32 s20, v3;
	v29 =	vld.idx.msk [tilespmem:v29+s4+$0x0], $0xffff;
	v53 =	vor.u32 s15, v3  }
0x26b: {  	v35 =	vor.u32 s9, v3;
	v36 =	vmov s22;
	v37 =	vor.u32 s14, v3;
	v38 =	vld [tilespmem:s18+$0xFFFFFFF0]  }
0x26c: {  	v54 =	vor.u32 s17, v3;
	v26 =	vld.idx.msk [tilespmem:v26+s4+$0x0], $0xffff;
	v55 =	vor.u32 s22, v3;
	vm14 =	veq.s32 v36, v3  }
0x26d: {  	v25 =	vld.idx.msk [tilespmem:v25+s4+$0x0], $0xffff;
	vm4 =	vlt.s32 v53, v9;
	vm6 =	vlt.s32 v54, v9;
	vm0 =	vne.s32 v16, v27  }
0x26e: {  	vm1 =	vlt.s32 v55, v9;
	vm3 =	vlt.s32 v35, v9;
	v24 =	vld.idx.msk [tilespmem:v24+s4+$0x0], $0xffff;
	vm0 =	vmor vm14, vm0  }
0x26f: {  	vm13 =	vlt.s32 v37, v9;
	vm1 =	vmand vm1, vm0;
	vm0 =	vne.s32 v10, v28  }
0x270: {  	vm15 =	vne.s32 v20, v29;
	vm14 =	vlt.s32 v32, v9;
	vm12 =	vmand vm3, vm0  }
0x271: {  	vm3 =	vmand vm13, vm15;
	vm15 =	vne.s32 v13, v26;
	v56 =	vmpcnt.ones.xlane vm1  }
0x272: {  	v57 =	vmpcnt.ones.xlane vm12;
	vm14 =	vmand vm14, vm15;
	vm15 =	vne.s32 v21, v25  }
0x273: {  	v58 =	vmpcnt.ones.xlane vm3;
	vm0 =	vne.s32 v38, v24;
	(v2sf) =	vpush v56, $0x0  }
0x274: {  	v60 =	vmpcnt.ones.xlane vm14;
	vm13 =	vmand vm6, vm0;
	vm0 =	vlt.s32 v52, v9  }
0x275: {  	s5 =	spop @p2 (v2sf);
	(v2sf) =	vpush v57, $0x0;
	vm6 =	vne.s32 v19, v23;
	v59 =	vmpcnt.ones.xlane vm13  }
0x276: {  	s6 =	spop @p2 (v2sf);
	s3 =	sadd.s32 @p2 s3, s5;
	vm15 =	vmand vm0, vm15;
	(v2sf) =	vpush v58, $0x0;
	vm0 =	vmand vm4, vm6  }
0x277: {  	s5 =	sadd.s32 @p2 s3, s6;
	s6 =	spop @p2 (v2sf);
	vm4 =	vne.s32 v18, v22;
	v61 =	vmpcnt.ones.xlane vm15;
	(v2sf) =	vpush v59, $0x0  }
0x278: {  	[tilespmem:s3+$0xE000] =	vst.msk @p2 vm5, v30;
	s8 =	spop @p2 (v2sf);
	s6 =	sadd.s32 @p2 s5, s6;
	v62 =	vmpcnt.ones.xlane vm0;
	vm2 =	vmand vm2, vm4;
	(v2sf) =	vpush v60, $0x0  }
0x279: {  	s9 =	spop @p2 (v2sf);
	s3 =	sadd.s32 @p2 s6, s8;
	[tilespmem:s6+$0xE000] =	vst.msk @p2 vm9, v17;
	v63 =	vmpcnt.ones.xlane vm2;
	(v2sf) =	vpush v61, $0x0  }
0x27a: {  	s8 =	spop @p2 (v2sf);
	s6 =	sadd.s32 @p2 s3, s9;
	[tilespmem:s3+$0xE000] =	vst.msk @p2 vm11, v31;
	(v2sf) =	vpush v62, $0x0  }
0x27b: {  	s9 =	spop @p2 (v2sf);
	s3 =	sadd.s32 @p2 s6, s8;
	[tilespmem:s6+$0xE000] =	vst.msk @p2 vm7, v14;
	(v2sf) =	vpush v63, $0x0  }
0x27c: {  	s6 =	sadd.s32 @p2 s3, s9;
	[tilespmem:s3+$0xE000] =	vst.msk @p2 vm8, v12  }
0x27d: {  	[tilespmem:s6+$0xE000] =	vst.msk @p2 vm10, v11  }
0x27e: {  	v4 =	vld [tilespmem:$0x1FF70];
	_ =	sdelay $0x1  }
0x27f: {  	s8 =	spop @p2 (v2sf)  }
0x280: {  	s3 =	sadd.s32 @p2 s6, s8  }
0x281: {  	s0 =	smov.u32 @p2 s3  }
0x282: {  	[tilespmem:s0+$0xE000] =	vst.msk vm1, v16;
	vm4 =	vnez.u8 v4;
	s22 =	spop (v2sf)  }
0x283: {  	[tilespmem:s5+$0xE000] =	vst.msk @p2 vm4, v15;
	s3 =	sadd.s32 s0, s22;
	s6 =	spop (v2sf)  }
0x284: {  	s8 =	sadd.s32 s3, s6;
	s9 =	spop (v2sf);
	[tilespmem:s3+$0xE000] =	vst.msk vm12, v10  }
0x285: {  	s14 =	sadd.s32 s8, s9;
	[tilespmem:s8+$0xE000] =	vst.msk vm3, v20;
	s15 =	spop (v2sf)  }
.Ltmp40:
0x286: {  	[tilespmem:s14+$0xE000] =	vst.msk vm13, v38;
	s3 =	sadd.s32 s14, s15;
	s17 =	spop (v2sf);
	(pc) =	sbr.rel .LBB2_55-.Ltmp40, $4  }
0x287: {  	[tilespmem:s3+$0xE000] =	vst.msk vm14, v13;
	s3 =	sadd.s32 s3, s17;
	s18 =	spop (v2sf)  }
0x288: {  	[tilespmem:s3+$0xE000] =	vst.msk vm15, v21;
	s3 =	sadd.s32 s3, s18;
	s20 =	spop (v2sf)  }
0x289: {  	[tilespmem:s3+$0xE000] =	vst.msk vm0, v19;
	s3 =	sadd.s32 s3, s20;
	s22 =	spop (v2sf)  }
0x28a: {  	[tilespmem:s3+$0xE000] =	vst.msk vm2, v18;
	s3 =	sadd.s32 s3, s22  }
.LBB2_54:
0x28b: {  	s3 =	simm.s32 $0x0  }
.LBB2_55:
0x28c: {  	p0 =	slt.s32 s2, $0x1  }
.Ltmp41:
0x28d: {  	_ = 	snop;
	(pc) =	sbr.rel @p0 .LBB2_57-.Ltmp41, $1  }
0x28e: {  	_ =	sdelay $0x3  }
.LBB2_56:
0x28f: {  	v10 =	vadd.s32 s31, v6  }
0x290: {  	vm0 =	vgt.s32 v10, $0x0  }
0x291: {  	v10 =	vnsel vm0, $0x0, v10;
	_ =	sdelay $0x3  }
0x292: {  	v11 =	vld [tilespmem:s30+$0x0]  }
0x293: {  	v10 =	vld.idx.msk [tilespmem:v10+s4+$0x0], $0xffff;
	_ =	sdelay $0x3  }
0x294: {  	v12 =	vmov s31  }
0x295: {  	v13 =	vor.u32 s31, v3;
	vm1 =	veq.s32 v12, v3;
	vm14 =	vne.s32 v11, v10  }
0x296: {  	vm15 =	vlt.s32 v13, v9;
	vm0 =	vmor vm1, vm14  }
0x297: {  	vm0 =	vmand vm15, vm0  }
0x298: {  	v10 =	vmpcnt.ones.xlane vm0;
	_ =	sdelay $0x1  }
0x299: {  	(v2sf) =	vpush v10, $0x0;
	_ =	sdelay $0x9  }
0x29a: {  	s29 =	sadd.s32 $0x1, s29  }
0x29b: {  	p0 =	slt.s32 s29, s28  }
.Ltmp42:
0x29c: {  	_ = 	snop;
	(pc) =	sbr.rel @p0 .LBB2_56-.Ltmp42, $3  }
0x29d: {  	_ =	sdelay $0x1  }
0x29e: {  	s0 =	spop (v2sf)  }
0x29f: {  	s30 =	sadd.s32 $0x10, s30;
	s31 =	sadd.s32 $0x10, s31;
	[tilespmem:s3+$0xE000] =	vst.msk vm0, v11;
	s3 =	sadd.s32 s3, s0  }
.LBB2_57:
0x2a0: {  	v4 =	vld [tilespmem:$0x1FFC0];
	_ =	sdelay $0x7  }
0x2a1: {  	v9 =	vld.idx.msk [tilespmem:v4+s13+$0x0], $0xffff;
	_ =	sdelay $0x3  }
0x2a2: {  	vm0 =	veq.s32 v3, $0x0  }
0x2a3: {  	v9 =	vsel vm0, s3, v9  }
0x2a4: {  	s0 =	rddreg [dreg:$0x9];
	s2 =	simm.s32 $0x1A800;
	[tilespmem:$0x1A800] =	vst v9  }
0x2a5: {  	[hbm4b:s0+s4] =	stream.linear.scatter [tilespmem:s2], [sflag:$0x2], $0x10, $0x38;
	[tilespmem:$0x1AA60] =	vst v63  }
0x2a6: {  	_ =	swait.ge [sflag:s10], $0x10  }
0x2a7: {  	[sflag:s10] =	ssyncset.done $0x0  }
0x2a8: {  	[sflag:s10] =	ssyncadd.s32 $0xFFFFFFF0  }
0x2a9: {  	[bflag:$0x0] =	sbarrier.arrive $0xFFFF  }
0x2aa: {  	s15 =	rddreg [dreg:$0x3]  }
0x2ab: {  	s0 =	sadd.s32 s7, s15  }
0x2ac: {  	[tilespmem:s16], [sflag:$0x2] =	stream.linear.gather [hbm4b:s0+s4], $0x10, $0x38;
	[tilespmem:$0x1AA60] =	vst v63  }
0x2ad: {  	_ =	swait.ge [sflag:s10], $0x10  }
0x2ae: {  	[sflag:s10] =	ssyncset.done $0x0  }
0x2af: {  	v4 =	vld [tilespmem:$0x1FFD0];
	[sflag:s10] =	ssyncadd.s32 $0xFFFFFFF0  }
0x2b0: {  	v9 =	vld [tilespmem:$0x1A810];
	_ =	sdelay $0x3  }
0x2b1: {  	vm6 =	vnez.u8 v4  }
0x2b2: {  	v9 =	vnsel vm6, $0x0, v9  }
0x2b3: {  	(xrf0) =	vadd.scan.msk.s32 $0xffff, v9;
	_ =	sdelay $0x5  }
0x2b4: {  	v9, _, _ =	vpop (xrf0)  }
0x2b5: {  	(v2sf) =	vpush v9, $0xF;
	_ =	sdelay $0xc  }
0x2b6: {  	s5 =	simm.s32 $0x1A820;
	s17 =	rddreg [dreg:$0xa]  }
0x2b7: {  	[tilespmem:s5], [sflag:$0x2] =	stream.linear.gather [hbm4b:s17+s4], $0x10, $0x38;
	[tilespmem:$0x1AA60] =	vst v63  }
0x2b8: {  	s0 =	spop (v2sf)  }
0x2b9: {  	_ =	swait.ge [sflag:s10], $0x10  }
0x2ba: {  	[sflag:s10] =	ssyncset.done $0x0  }
0x2bb: {  	[sflag:s10] =	ssyncadd.s32 $0xFFFFFFF0  }
0x2bc: {  	v9 =	vld [tilespmem:$0x1A820];
	_ =	sdelay $0x4  }
0x2bd: {  	v9 =	vnsel vm6, $0x0, v9  }
0x2be: {  	(xrf0) =	vadd.scan.msk.s32 $0xffff, v9;
	_ =	sdelay $0x5  }
0x2bf: {  	v9, _, _ =	vpop (xrf0)  }
0x2c0: {  	(v2sf) =	vpush v9, $0xF;
	_ =	sdelay $0xc  }
0x2c1: {  	s18 =	simm.s32 $0x1A830  }
0x2c2: {  	[tilespmem:s18], [sflag:$0x2] =	stream.linear.gather [hbm4b:s19+s4], $0x10, $0x38;
	[tilespmem:$0x1AA60] =	vst v63  }
0x2c3: {  	s2 =	spop (v2sf)  }
0x2c4: {  	_ =	swait.ge [sflag:s10], $0x10  }
0x2c5: {  	[sflag:s10] =	ssyncset.done $0x0  }
0x2c6: {  	[sflag:s10] =	ssyncadd.s32 $0xFFFFFFF0  }
0x2c7: {  	v10 =	vld [tilespmem:$0x1A830];
	_ =	sdelay $0x4  }
0x2c8: {  	v10 =	vnsel vm6, $0x0, v10  }
0x2c9: {  	(xrf0) =	vadd.scan.msk.s32 $0xffff, v10;
	_ =	sdelay $0x5  }
0x2ca: {  	v10, _, _ =	vpop (xrf0)  }
0x2cb: {  	(v2sf) =	vpush v10, $0xF;
	_ =	sdelay $0xc  }
0x2cc: {  	s6 =	simm.s32 $0x1A840  }
0x2cd: {  	[tilespmem:s6], [sflag:$0x2] =	stream.linear.gather [hbm4b:s21+s4], $0x10, $0x38;
	[tilespmem:$0x1AA60] =	vst v63  }
0x2ce: {  	s5 =	spop (v2sf)  }
0x2cf: {  	_ =	swait.ge [sflag:s10], $0x10  }
0x2d0: {  	[sflag:s10] =	ssyncset.done $0x0  }
0x2d1: {  	[sflag:s10] =	ssyncadd.s32 $0xFFFFFFF0  }
0x2d2: {  	v10 =	vld [tilespmem:$0x1A840];
	_ =	sdelay $0x4  }
0x2d3: {  	v10 =	vnsel vm6, $0x0, v10  }
0x2d4: {  	(xrf0) =	vadd.scan.msk.s32 $0xffff, v10;
	_ =	sdelay $0x5  }
0x2d5: {  	v10, _, _ =	vpop (xrf0)  }
0x2d6: {  	(v2sf) =	vpush v10, $0xF;
	_ =	sdelay $0xd  }
0x2d7: {  	s8 =	smov.u32 s2;
	s6 =	sadd.s32 @!p4 s0, s2;
	s2 =	simm.s32 @p4 $0x0  }
0x2d8: {  	s14 =	smov.u32 s5;
	s6 =	sadd.s32 @!p4 s5, s6;
	s9 =	spop (v2sf)  }
0x2d9: {  	s17 =	sadd.s32 s5, s2;
	s5 =	simm.s32 @!p1 $0x0;
	s6 =	sadd.s32 @!p4 s9, s6  }
0x2da: {  	v11 =	vmov s2;
	s2 =	sadd.s32 s5, s2;
	v10 =	vmov @!p4 s6  }
0x2db: {  	s5 =	simm.s32 @!p4 $0x0;
	s15 =	rddreg [dreg:$0x7];
	s6 =	simm.s32 @!p4 $0x1A800;
	[tilespmem:$0x1A800] =	vst @!p4 v10  }
0x2dc: {  	[hbm4b:s15+s5] =	stream.linear.scatter @!p4 [tilespmem:s6], [sflag:$0x2], $0x10, $0x38;
	[tilespmem:$0x1AA60] =	vst v63  }
0x2dd: {  	s5 =	simm.s32 @!p4 $0x2  }
0x2de: {  	_ =	swait.ge @!p4 [sflag:s5], $0x10  }
0x2df: {  	v4 =	vld [tilespmem:$0x1FFE0];
	_ =	sdelay $0x5  }
0x2e0: {  	[sflag:s5] =	ssyncset.done @!p4 $0x0  }
0x2e1: {  	[sflag:s5] =	ssyncadd.s32 @!p4 $0xFFFFFFF0  }
0x2e2: {  	s20 =	sld [smem:$0x7FB];
	v14 =	vld.idx.msk [tilespmem:v4+s16+$0x0], $0xffff  }
0x2e3: {  	s22 =	sld [smem:$0x7FD];
	v4 =	vld [tilespmem:$0x1FF90]  }
0x2e4: {  	s28 =	sld [smem:$0x7FC]  }
0x2e5: {  	p0 =	seq.s32 s20, $0x1  }
0x2e6: {  	v12 =	vmov s2;
	v10 =	vsub.s32 v3, v11;
	s0 =	simm.s32 @p0 $0x0;
	p0 =	seq.s32 s22, $0x1  }
0x2e7: {  	v13 =	vsub.s32 v3, v12;
	vm7 =	vgt.s32 v10, $0x0;
	s8 =	simm.s32 @!p0 $0x0;
	p0 =	seq.s32 s28, $0x1  }
0x2e8: {  	vm8 =	vgt.s32 v13, $0x0;
	v10 =	vnsel vm7, $0x0, v10;
	s0 =	sadd.s32 s0, s8;
	s14 =	simm.s32 @!p0 $0x0;
	vm1 =	vnez.u8 v4;
	v4 =	vld [tilespmem:$0x1FFF0]  }
0x2e9: {  	v13 =	vnsel vm8, $0x0, v13;
	v10 =	vmin.u32 v10, $0xE;
	s15 =	sadd.s32 s14, s0  }
0x2ea: {  	v13 =	vmin.u32 v13, $0xE;
	v10 =	vadd.s32 $0x21, v10;
	s29 =	sadd.s32 $0xF, s15  }
0x2eb: {  	v13 =	vadd.s32 $0x31, v13;
	s30 =	sadd.s32 s3, s29  }
0x2ec: {  	v7 =	vld [tilespmem:$0x1FFA0];
	s0 =	sshra.s32 s29, $0x4;
	s6 =	sshra.s32 s30, $0x4  }
0x2ed: {  	v9 =	vbroadcast v9, $0xF;
	s31 =	sadd.s32 s9, s2;
	s2 =	ssub.s32 s6, s0;
	vm10 =	vlt.s32 v11, v4;
	vm12 =	vlt.s32 v12, v4;
	v4 =	vld [tilespmem:$0x1FFB0]  }
0x2ee: {  	s6 =	sshrl.u32 s2, $0x1D  }
0x2ef: {  	vm9 =	vgt.s32 v9, v3;
	v9 =	vld.idx.msk [tilespmem:v10+s16+$0x0], $0xffff;
	s6 =	sadd.s32 s6, s2  }
0x2f0: {  	v13 =	vld.idx.msk [tilespmem:v13+s16+$0x0], $0xffff;
	v10 =	vmov s17;
	vm0 =	vmand vm1, vm9;
	s18 =	sand.u32 $0xFFFFFFF8, s6  }
0x2f1: {  	vm11 =	vnez.u8 v7;
	vm2 =	vgt.s32 v10, v3;
	v10 =	vnsel vm0, $0x0, v14;
	p0 =	slt.s32 s18, $0x1  }
.Ltmp43:
0x2f2: {  	v11 =	vmov s31;
	vm0 =	vmand vm11, vm10;
	vm13 =	vnez.u8 v4;
	(pc) =	sbr.rel @p0 .LBB2_61-.Ltmp43, $4  }
0x2f3: {  	vm14 =	vgt.s32 v11, v3;
	vm0 =	vmand vm0, vm2;
	vm1 =	vmand vm13, vm12  }
0x2f4: {  	v9 =	vsel vm0, v9, v10;
	vm15 =	vmand vm1, vm14  }
0x2f5: {  	v10 =	vsel vm15, v13, v9  }
0x2f6: {  	s20 =	sand.u32 $0xFFFFFFF0, s29;
	v9 =	vmov s3;
	[tilespmem:$0x1A850] =	vst v10  }
0x2f7: {  	s3 =	ssub.s32 s20, s15  }
0x2f8: {  	s5 =	sadd.s32 $0x70, s3  }
0x2f9: {  	s3 =	sadd.s32 $0xFFFFFF90, s5;
	s6 =	sadd.s32 $0xFFFFFFA0, s5  }
0x2fa: {  	s8 =	sadd.s32 $0xFFFFFFC0, s5;
	s22 =	sadd.s32 $0xFFFFFFD0, s5;
	s29 =	sadd.s32 $0xFFFFFFF0, s5;
	v31 =	vadd.s32 s5, v3;
	v11 =	vadd.s32 s3, v3;
	v10 =	vadd.s32 s6, v3  }
0x2fb: {  	s30 =	sadd.s32 $0xFFFFFFE0, s5;
	s31 =	sadd.s32 $0xFFFFFFB0, s5;
	v12 =	vadd.s32 s8, v3;
	v23 =	vadd.s32 s22, v3;
	v29 =	vadd.s32 s29, v3  }
0x2fc: {  	v25 =	vadd.s32 s30, v3;
	v30 =	vadd.s32 s31, v3;
	vm4 =	vgt.s32 v31, $0x0  }
0x2fd: {  	v20 =	vsub.s32 v31, v9;
	vm0 =	vgt.s32 v11, $0x0;
	v13 =	vsub.s32 v12, v9  }
0x2fe: {  	v15 =	vsub.s32 v23, v9;
	v16 =	vsub.s32 v29, v9;
	v17 =	vsub.s32 v10, v9  }
0x2ff: {  	vm2 =	vgt.s32 v10, $0x0;
	v21 =	vnsel vm4, $0x0, v31;
	vm4 =	vgt.s32 v20, $0x0  }
0x300: {  	v22 =	vsub.s32 v11, v9;
	v14 =	vnsel vm0, $0x0, v11;
	vm0 =	vgt.s32 v13, $0x0  }
0x301: {  	vm1 =	vgt.s32 v16, $0x0;
	vm3 =	vgt.s32 v17, $0x0;
	v19 =	vnsel vm2, $0x0, v10  }
0x302: {  	v21 =	vmin.u32 v21, $0xC3FF;
	v20 =	vnsel vm4, $0x0, v20;
	vm5 =	vgt.s32 v22, $0x0  }
0x303: {  	v13 =	vnsel vm0, $0x0, v13;
	vm0 =	vgt.s32 v29, $0x0;
	v16 =	vnsel vm1, $0x0, v16  }
0x304: {  	v18 =	vmin.u32 v14, $0xC3FF;
	vm1 =	vgt.s32 v15, $0x0;
	v20 =	vmin.u32 v20, $0xF  }
0x305: {  	v27 =	vnsel vm5, $0x0, v22;
	v13 =	vmin.u32 v13, $0xF;
	v14 =	vmin.u32 v16, $0xF  }
0x306: {  	v16 =	vsub.s32 v25, v9;
	v24 =	vnsel vm1, $0x0, v15;
	v15 =	vnsel vm3, $0x0, v17  }
0x307: {  	v17 =	vmin.u32 v19, $0xC3FF;
	v19 =	vsub.s32 v30, v9;
	vm3 =	vgt.s32 v30, $0x0  }
0x308: {  	v34 =	vmin.u32 v27, $0xF;
	vm2 =	vgt.s32 v16, $0x0;
	v32 =	vmin.u32 v15, $0xF;
	v22 =	vld.idx.msk [tilespmem:v21+s13+$0x0], $0xffff  }
0x309: {  	vm4 =	vgt.s32 v19, $0x0;
	v26 =	vnsel vm3, $0x0, v30;
	v16 =	vnsel vm2, $0x0, v16;
	v15 =	vld.idx.msk [tilespmem:v18+s13+$0x0], $0xffff  }
0x30a: {  	vm2 =	vgt.s32 v12, $0x0;
	v33 =	vmin.u32 v26, $0xC3FF;
	v18 =	vnsel vm4, $0x0, v19;
	v26 =	vld.idx.msk [tilespmem:v20+s23+$0x0], $0xffff  }
0x30b: {  	p0 =	sgt.s32 s18, $0x8;
	v13 =	vld.idx.msk [tilespmem:v13+s23+$0x0], $0xffff;
	v19 =	vmin.u32 v18, $0xF;
	v18 =	vmin.u32 v16, $0xF;
	v16 =	vnsel vm0, $0x0, v29  }
.Ltmp44:
0x30c: {  	vm6 =	vlt.s32 v25, v9;
	v20 =	vnsel vm2, $0x0, v12;
	v14 =	vld.idx.msk [tilespmem:v14+s23+$0x0], $0xffff;
	v28 =	vmin.u32 v16, $0xC3FF;
	(pc) =	sbr.rel @!p0 .LBB2_60-.Ltmp44, $4  }
0x30d: {  	vm7 =	vlt.s32 v29, v9;
	vm5 =	vlt.s32 v30, v9;
	v21 =	vld.idx.msk [tilespmem:v17+s13+$0x0], $0xffff;
	v27 =	vmin.u32 v20, $0xC3FF  }
0x30e: {  	vm1 =	vgt.s32 v25, $0x0;
	v17 =	vmin.u32 v24, $0xF;
	vm0 =	vgt.s32 v23, $0x0;
	v24 =	vld.idx.msk [tilespmem:v32+s23+$0x0], $0xffff  }
0x30f: {  	s28 =	simm.s32 $0x40;
	v35 =	vnsel vm1, $0x0, v25;
	vm4 =	vlt.s32 v23, v9;
	v25 =	vld.idx.msk [tilespmem:v34+s23+$0x0], $0xffff;
	v23 =	vnsel vm0, $0x0, v23  }
0x310: {  	s5 =	sadd.s32 $0x80, s5;
	s3 =	simm.s32 $0x8;
	s6 =	simm.s32 $0xC0;
	vm2 =	vlt.s32 v31, v9;
	v20 =	vmin.u32 v35, $0xC3FF;
	v16 =	vld.idx.msk [tilespmem:v33+s13+$0x0], $0xffff;
	v23 =	vmin.u32 v23, $0xC3FF  }
.LBB2_59:
0x311: {  	s8 =	sadd.s32 $0xFFFFFF90, s5;
	s9 =	sadd.s32 $0xFFFFFFA0, s5;
	s14 =	sadd.s32 $0xFFFFFFB0, s5;
	vm1 =	vlt.s32 v11, v9;
	vm0 =	vlt.s32 v12, v9;
	v28 =	vld.idx.msk [tilespmem:v28+s13+$0x0], $0xffff;
	v12 =	vsel vm2, v22, v26  }
0x312: {  	s17 =	sadd.s32 $0xFFFFFFD0, s5;
	s22 =	sadd.s32 $0xFFFFFFE0, s5;
	vm2 =	vlt.s32 v10, v9;
	v11 =	vadd.s32 s8, v3;
	s8 =	sadd.s32 $0xFFFFFFC0, s5;
	v10 =	vadd.s32 s9, v3;
	v22 =	vld.idx.msk [tilespmem:v27+s13+$0x0], $0xffff;
	[tilespmem:s28+$0x30] =	vst v12  }
0x313: {  	s3 =	sadd.s32 $0x8, s3;
	v29 =	vadd.s32 s17, v3;
	v21 =	vsel vm2, v21, v24;
	v12 =	vadd.s32 s8, v3;
	s8 =	sadd.s32 $0xFFFFFFF0, s5;
	v19 =	vld.idx.msk [tilespmem:v19+s23+$0x0], $0xffff  }
0x314: {  	p2 =	slt.s32 s3, s18;
	vm2 =	vgt.s32 v11, $0x0;
	v24 =	vsub.s32 v12, v9;
	v30 =	vadd.s32 s8, v3  }
0x315: {  	v27 =	vsub.s32 v29, v9;
	v26 =	vnsel vm2, $0x0, v11;
	vm2 =	vgt.s32 v24, $0x0;
	[tilespmem:s28+$0xFFFFFFD0] =	vst v21;
	v18 =	vld.idx.msk [tilespmem:v18+s23+$0x0], $0xffff  }
0x316: {  	v31 =	vadd.s32 s22, v3;
	v21 =	vnsel vm2, $0x0, v24;
	v24 =	vsub.s32 v30, v9  }
0x317: {  	v32 =	vsub.s32 v10, v9;
	v15 =	vsel vm1, v15, v25;
	v21 =	vmin.u32 v21, $0xF;
	v20 =	vld.idx.msk [tilespmem:v20+s13+$0x0], $0xffff  }
0x318: {  	vm8 =	vgt.s32 v30, $0x0;
	vm1 =	vgt.s32 v24, $0x0;
	v13 =	vsel vm0, v22, v13  }
0x319: {  	v25 =	vadd.s32 s14, v3;
	v14 =	vsel vm7, v28, v14;
	v22 =	vnsel vm1, $0x0, v24;
	[tilespmem:s28+$0xFFFFFFC0] =	vst v15;
	v23 =	vld.idx.msk [tilespmem:v23+s13+$0x0], $0xffff  }
0x31a: {  	vm0 =	vgt.s32 v27, $0x0;
	v15 =	vmin.u32 v26, $0xC3FF;
	v22 =	vmin.u32 v22, $0xF;
	v17 =	vld.idx.msk [tilespmem:v17+s23+$0x0], $0xffff;
	[tilespmem:s28+$0x20] =	vst v14  }
0x31b: {  	vm2 =	vgt.s32 v32, $0x0;
	vm1 =	vgt.s32 v10, $0x0;
	v14 =	vsub.s32 v31, v9;
	[tilespmem:s28+$0xFFFFFFF0] =	vst v13  }
0x31c: {  	v33 =	vadd.s32 s5, v3;
	v24 =	vnsel vm1, $0x0, v10;
	vm1 =	vgt.s32 v14, $0x0;
	v13 =	vld.idx.msk [tilespmem:v21+s23+$0x0], $0xffff  }
0x31d: {  	vm3 =	vgt.s32 v33, $0x0;
	v21 =	vsub.s32 v33, v9;
	v18 =	vsel vm6, v20, v18  }
0x31e: {  	v16 =	vsel vm5, v16, v19;
	v20 =	vnsel vm3, $0x0, v33;
	vm3 =	vgt.s32 v21, $0x0;
	[tilespmem:s28+$0x10] =	vst v18  }
0x31f: {  	v19 =	vmin.u32 v20, $0xC3FF;
	v18 =	vnsel vm1, $0x0, v14;
	v20 =	vnsel vm3, $0x0, v21;
	v14 =	vld.idx.msk [tilespmem:v22+s23+$0x0], $0xffff;
	[tilespmem:s28+$0xFFFFFFE0] =	vst v16  }
0x320: {  	v16 =	vnsel vm0, $0x0, v27;
	vm0 =	vgt.s32 v31, $0x0;
	v20 =	vmin.u32 v20, $0xF;
	v15 =	vld.idx.msk [tilespmem:v15+s13+$0x0], $0xffff  }
0x321: {  	v21 =	vmin.u32 v24, $0xC3FF;
	v22 =	vnsel vm2, $0x0, v32;
	v17 =	vsel vm4, v23, v17  }
0x322: {  	vm1 =	vgt.s32 v12, $0x0;
	v23 =	vmin.u32 v22, $0xF;
	v22 =	vsub.s32 v25, v9;
	[tilespmem:s28+$0x0] =	vst v17;
	s28 =	smov.u32 s6  }
0x323: {  	vm2 =	vgt.s32 v25, $0x0;
	vm3 =	vgt.s32 v22, $0x0;
	v17 =	vsub.s32 v11, v9  }
0x324: {  	v24 =	vnsel vm2, $0x0, v25;
	v26 =	vnsel vm3, $0x0, v22;
	vm4 =	vgt.s32 v17, $0x0;
	v22 =	vld.idx.msk [tilespmem:v19+s13+$0x0], $0xffff  }
0x325: {  	v32 =	vmin.u32 v24, $0xC3FF;
	v17 =	vnsel vm4, $0x0, v17;
	v19 =	vmin.u32 v26, $0xF;
	v26 =	vld.idx.msk [tilespmem:v20+s23+$0x0], $0xffff  }
0x326: {  	v18 =	vmin.u32 v18, $0xF;
	v34 =	vmin.u32 v17, $0xF;
	v17 =	vnsel vm8, $0x0, v30;
	v21 =	vld.idx.msk [tilespmem:v21+s13+$0x0], $0xffff  }
.Ltmp45:
0x327: {  	v35 =	vnsel vm0, $0x0, v31;
	v20 =	vnsel vm1, $0x0, v12;
	v28 =	vmin.u32 v17, $0xC3FF;
	(pc) =	sbr.rel @p2 .LBB2_59-.Ltmp45, $4  }
0x328: {  	v27 =	vmin.u32 v20, $0xC3FF;
	v17 =	vmin.u32 v16, $0xF;
	v20 =	vmin.u32 v35, $0xC3FF;
	v24 =	vld.idx.msk [tilespmem:v23+s23+$0x0], $0xffff  }
0x329: {  	vm0 =	vgt.s32 v29, $0x0;
	vm4 =	vlt.s32 v29, v9  }
0x32a: {  	vm5 =	vlt.s32 v25, v9;
	vm6 =	vlt.s32 v31, v9;
	v23 =	vnsel vm0, $0x0, v29;
	v16 =	vld.idx.msk [tilespmem:v32+s13+$0x0], $0xffff  }
0x32b: {  	s5 =	sadd.s32 $0x80, s5;
	vm7 =	vlt.s32 v30, v9;
	vm2 =	vlt.s32 v33, v9;
	s6 =	sadd.s32 $0x80, s6;
	v23 =	vmin.u32 v23, $0xC3FF;
	v25 =	vld.idx.msk [tilespmem:v34+s23+$0x0], $0xffff  }
.LBB2_60:
0x32c: {  	_ =	sdelay $0x3  }
0x32d: {  	v28 =	vld.idx.msk [tilespmem:v28+s13+$0x0], $0xffff  }
0x32e: {  	v27 =	vld.idx.msk [tilespmem:v27+s13+$0x0], $0xffff  }
0x32f: {  	v19 =	vld.idx.msk [tilespmem:v19+s23+$0x0], $0xffff  }
0x330: {  	v18 =	vld.idx.msk [tilespmem:v18+s23+$0x0], $0xffff  }
0x331: {  	v22 =	vsel vm2, v22, v26;
	vm0 =	vlt.s32 v10, v9;
	v10 =	vld.idx.msk [tilespmem:v20+s13+$0x0], $0xffff  }
0x332: {  	vm1 =	vlt.s32 v11, v9;
	v62 =	vld.idx.msk [tilespmem:v23+s13+$0x0], $0xffff;
	[tilespmem:s28+$0x30] =	vst v22;
	v11 =	vsel vm0, v21, v24  }
0x333: {  	v63 =	vld.idx.msk [tilespmem:v17+s23+$0x0], $0xffff;
	[tilespmem:s28+$0xFFFFFFD0] =	vst v11;
	v11 =	vsel vm1, v15, v25  }
0x334: {  	vm15 =	vlt.s32 v12, v9;
	[tilespmem:s28+$0xFFFFFFC0] =	vst v11;
	v11 =	vsel vm7, v28, v14  }
0x335: {  	v12 =	vsel vm15, v27, v13;
	[tilespmem:s28+$0x20] =	vst v11  }
0x336: {  	v10 =	vsel vm6, v10, v18;
	[tilespmem:s28+$0xFFFFFFF0] =	vst v12  }
0x337: {  	v11 =	vsel vm5, v16, v19;
	[tilespmem:s28+$0x10] =	vst v10  }
0x338: {  	v10 =	vsel vm4, v62, v63;
	[tilespmem:s28+$0xFFFFFFE0] =	vst v11  }
0x339: {  	[tilespmem:s28+$0x0] =	vst v10  }
.LBB2_61:
0x33a: {  	s3 =	ssub.s32 s2, s18  }
0x33b: {  	p0 =	slt.s32 s3, $0x1  }
.Ltmp46:
0x33c: {  	_ = 	snop;
	(pc) =	sbr.rel @p0 .LBB2_64-.Ltmp46, $1  }
0x33d: {  	_ =	sdelay $0x3  }
0x33e: {  	s3 =	sshll.u32 s18, $0x4  }
0x33f: {  	s5 =	sshll.u32 s18, $0x6;
	s3 =	sadd.s32 s3, s20  }
0x340: {  	s5 =	sshra.s32 s5, $0x2;
	s3 =	ssub.s32 s3, s15  }
.LBB2_63:
0x341: {  	v10 =	vadd.s32 s3, v3  }
0x342: {  	vm0 =	vgt.s32 v10, $0x0;
	v11 =	vsub.s32 v10, v9  }
0x343: {  	v12 =	vnsel vm0, $0x0, v10;
	vm14 =	vgt.s32 v11, $0x0  }
0x344: {  	v12 =	vmin.u32 v12, $0xC3FF;
	v11 =	vnsel vm14, $0x0, v11  }
0x345: {  	v11 =	vmin.u32 v11, $0xF;
	_ =	sdelay $0x3  }
0x346: {  	v12 =	vld.idx.msk [tilespmem:v12+s13+$0x0], $0xffff  }
0x347: {  	s18 =	sadd.s32 $0x1, s18;
	v11 =	vld.idx.msk [tilespmem:v11+s23+$0x0], $0xffff  }
0x348: {  	p0 =	slt.s32 s18, s2  }
.Ltmp47:
0x349: {  	_ = 	snop;
	(pc) =	sbr.rel @p0 .LBB2_63-.Ltmp47, $4  }
0x34a: {  	_ = 	snop  }
0x34b: {  	vm15 =	vlt.s32 v10, v9  }
0x34c: {  	v10 =	vsel vm15, v12, v11  }
0x34d: {  	s3 =	sadd.s32 $0x10, s3;
	[tilespmem:s5+$0x0] =	vst v10;
	s5 =	sadd.s32 $0x10, s5  }
.LBB2_64:
0x34e: {  	s3 =	sadd.s32 $0x1FF, s2  }
0x34f: {  	s5 =	sand.u32 $0x1FF, s3  }
0x350: {  	p0 =	slt.s32 s2, $0xFFFFFE02;
	s6 =	sshra.s32 s3, $0x1F;
	p2 =	sne.s32 s5, $0x0  }
0x351: {  	s31 =	sshrl.u32 s6, $0x17;
	p0 =	por !p0, !p2  }
0x352: {  	s5 =	simm.s32 $0x1;
	s3 =	sadd.s32 s31, s3;
	p0 =	por !p0, !p0  }
0x353: {  	s3 =	sshra.s32 s3, $0x9;
	s5 =	simm.s32 @!p0 $0x0  }
0x354: {  	s3 =	ssub.s32 s3, s5  }
0x355: {  	p0 =	slt.s32 s3, $0x1  }
.Ltmp48:
0x356: {  	_ = 	snop;
	(pc) =	sbr.rel @p0 .LBB2_80-.Ltmp48, $1  }
0x357: {  	_ =	sdelay $0x3  }
0x358: {  	v9 =	vmov s2;
	v13 =	vor.u32 $0x1A0, v3;
	v11 =	vor.u32 $0x1D0, v3  }
0x359: {  	v24 =	vor.u32 $0x1E0, v3;
	v25 =	vor.u32 $0x1F0, v3;
	v19 =	vor.u32 $0x130, v3  }
0x35a: {  	v17 =	vor.u32 $0x190, v3;
	v28 =	vor.u32 $0x1B0, v3;
	v29 =	vor.u32 $0x1C0, v3  }
0x35b: {  	v30 =	vor.u32 $0xF0, v3;
	v31 =	vor.u32 $0x160, v3;
	v18 =	vor.u32 $0x170, v3  }
0x35c: {  	v32 =	vor.u32 $0x180, v3;
	v34 =	vor.u32 $0x140, v3;
	v35 =	vor.u32 $0x150, v3  }
0x35d: {  	v20 =	vor.u32 $0x110, v3;
	v36 =	vor.u32 $0x120, v3;
	v33 =	vor.u32 $0x90, v3  }
0x35e: {  	v37 =	vor.u32 $0xC0, v3;
	v38 =	vor.u32 $0x60, v3;
	v27 =	vor.u32 $0x100, v3  }
0x35f: {  	s5 =	rddreg [dreg:$0x6];
	v26 =	vor.u32 $0xD0, v3;
	v22 =	vor.u32 $0xE0, v3;
	v39 =	vor.u32 $0xA0, v3  }
0x360: {  	v40 =	vor.u32 $0xB0, v3;
	v41 =	vor.u32 $0x70, v3;
	v42 =	vor.u32 $0x80, v3;
	s0 =	sadd.s32 s5, s0  }
0x361: {  	v43 =	vor.u32 $0x40, v3;
	v44 =	vor.u32 $0x50, v3;
	v10 =	vmov s0;
	s0 =	simm.s32 $0x0  }
0x362: {  	v45 =	vor.u32 $0x10, v3;
	v46 =	vor.u32 $0x20, v3;
	v12 =	vor.u32 s0, v25  }
0x363: {  	v14 =	vor.u32 s0, v24;
	v16 =	vor.u32 s0, v29;
	v21 =	vor.u32 s0, v28  }
0x364: {  	v23 =	vor.u32 s0, v32;
	v48 =	vor.u32 s0, v31;
	v50 =	vor.u32 s0, v35  }
0x365: {  	v53 =	vor.u32 s0, v34;
	v57 =	vor.u32 s0, v30;
	v51 =	vor.u32 s0, v43  }
0x366: {  	v58 =	vor.u32 s0, v39;
	v55 =	vor.u32 s0, v36;
	v52 =	vor.u32 s0, v45  }
0x367: {  	v59 =	vor.u32 s0, v46;
	v54 =	vor.u32 s0, v38;
	vm4 =	vlt.s32 v14, v9  }
0x368: {  	p0 =	sne.s32 s3, $0x1;
	v15 =	vadd.s32 v10, v16;
	v47 =	vadd.s32 v10, v48;
	v49 =	vadd.s32 v10, v50  }
.Ltmp49:
0x369: {  	vm0 =	vlt.s32 v52, v9;
	v56 =	vadd.s32 v10, v52;
	v52 =	vadd.s32 v10, v54;
	(pc) =	sbr.rel @!p0 .LBB2_66-.Ltmp49, $4  }
0x36a: {  	v62 =	vadd.s32 v10, v59;
	v60 =	vsel vm0, v56, v1;
	v56 =	vor.u32 s0, v37  }
0x36b: {  	v61 =	vadd.s32 v10, v51;
	vm0 =	vlt.s32 v59, v9;
	vm5 =	vlt.s32 v56, v9  }
0x36c: {  	s15 =	sadd.s32 $0xFFFFFFFF, s3;
	[tilespmem:$0x1A870] =	vst v60;
	v59 =	vsel vm0, v62, v1;
	vm0 =	vlt.s32 v51, v9;
	v60 =	vor.u32 s0, v40  }
0x36d: {  	s18 =	simm.s32 $0x0;
	s20 =	simm.s32 $0x0;
	s2 =	simm.s32 $0x0;
	v51 =	vor.u32 s0, v41;
	v62 =	vor.u32 s0, v42;
	[tilespmem:$0x1A880] =	vst v59;
	v59 =	vor.u32 s0, v44  }
.LBB2_78:
0x36e: {  	p2 =	sne.s32 s15, $0x1;
	v63 =	vor.u32 $0x30, v3;
	v4 =	vadd.s32 v10, v62;
	v7 =	vor.u32 s0, v33;
	s18 =	sadd.s32 $0x2000, s18;
	s20 =	sadd.s32 $0x200, s20  }
0x36f: {  	s15 =	sadd.s32 $0xFFFFFFFF, s15;
	vm1 =	vlt.s32 v62, v9;
	vm2 =	vlt.s32 v7, v9;
	v7 =	vadd.s32 v10, v7  }
0x370: {  	v61 =	vsel vm0, v61, v1;
	v4 =	vsel vm1, v4, v1;
	v7 =	vsel vm2, v7, v1  }
0x371: {  	vm0 =	vlt.s32 v58, v9;
	v58 =	vadd.s32 v10, v58;
	vm1 =	vlt.s32 v60, v9;
	[tilespmem:$0x1A8A0] =	vst v61  }
0x372: {  	v56 =	vadd.s32 v10, v56;
	[tilespmem:$0x1A8E0] =	vst v4;
	v4 =	vsel vm0, v58, v1;
	v58 =	vadd.s32 v10, v60  }
0x373: {  	v62 =	vor.u32 s0, v27;
	v61 =	vor.u32 s0, v22;
	v60 =	vor.u32 s0, v26  }
0x374: {  	v8 =	vadd.s32 v10, v62;
	vm0 =	vlt.s32 v59, v9;
	v59 =	vadd.s32 v10, v59  }
0x375: {  	v59 =	vsel vm0, v59, v1;
	vm0 =	vlt.s32 v60, v9;
	[tilespmem:$0x1A8F0] =	vst v7;
	v7 =	vadd.s32 v10, v61  }
0x376: {  	vm3 =	vlt.s32 v62, v9;
	vm2 =	vlt.s32 v61, v9;
	[tilespmem:$0x1A8B0] =	vst v59;
	v59 =	vadd.s32 v10, v60  }
0x377: {  	v8 =	vsel vm3, v8, v1;
	v7 =	vsel vm2, v7, v1;
	[tilespmem:$0x1A900] =	vst v4;
	v4 =	vsel vm0, v59, v1  }
0x378: {  	v58 =	vsel vm1, v58, v1;
	vm0 =	vlt.s32 v57, v9;
	v57 =	vadd.s32 v10, v57;
	[tilespmem:$0x1A960] =	vst v8  }
0x379: {  	v8 =	vor.u32 s0, v63;
	v57 =	vsel vm0, v57, v1;
	[tilespmem:$0x1A910] =	vst v58;
	v58 =	vor.u32 s0, v19  }
0x37a: {  	vm0 =	vlt.s32 v8, v9;
	v8 =	vadd.s32 v10, v8;
	[tilespmem:$0x1A950] =	vst v57;
	vm1 =	vlt.s32 v58, v9  }
0x37b: {  	v8 =	vsel vm0, v8, v1;
	v57 =	vadd.s32 v10, v58;
	[tilespmem:$0x1A930] =	vst v4;
	v4 =	vor.u32 s0, v20  }
0x37c: {  	[tilespmem:$0x1A890] =	vst v8;
	vm0 =	vlt.s32 v4, v9;
	v4 =	vadd.s32 v10, v4;
	v8 =	vsel vm1, v57, v1  }
0x37d: {  	v4 =	vsel vm0, v4, v1;
	vm0 =	vlt.s32 v55, v9;
	v55 =	vadd.s32 v10, v55;
	[tilespmem:$0x1A990] =	vst v8  }
0x37e: {  	v8 =	vadd.s32 v10, v53;
	[tilespmem:$0x1A970] =	vst v4;
	v4 =	vsel vm0, v55, v1;
	vm0 =	vlt.s32 v53, v9  }
0x37f: {  	vm1 =	vlt.s32 v54, v9;
	[tilespmem:$0x1A980] =	vst v4;
	v4 =	vsel vm0, v8, v1;
	vm0 =	vlt.s32 v50, v9  }
0x380: {  	v8 =	vor.u32 s0, v18;
	[tilespmem:$0x1A9A0] =	vst v4;
	v4 =	vsel vm0, v49, v1;
	vm0 =	vlt.s32 v48, v9  }
0x381: {  	v47 =	vsel vm0, v47, v1;
	vm0 =	vlt.s32 v8, v9;
	v8 =	vadd.s32 v10, v8  }
0x382: {  	v48 =	vsel vm1, v52, v1;
	[tilespmem:$0x1A9B0] =	vst v4;
	v4 =	vsel vm0, v8, v1;
	v8 =	vor.u32 s0, v17  }
0x383: {  	vm0 =	vlt.s32 v23, v9;
	[tilespmem:$0x1A9C0] =	vst v47;
	vm1 =	vlt.s32 v8, v9;
	v8 =	vadd.s32 v10, v8  }
0x384: {  	[tilespmem:$0x1A940] =	vst v7;
	v7 =	vadd.s32 v10, v23;
	v8 =	vsel vm1, v8, v1;
	v23 =	vor.u32 s0, v13  }
0x385: {  	v47 =	vadd.s32 v10, v51;
	vm1 =	vlt.s32 v51, v9;
	[tilespmem:$0x1A8C0] =	vst v48;
	v48 =	vadd.s32 v10, v23  }
0x386: {  	v47 =	vsel vm1, v47, v1;
	vm1 =	vlt.s32 v23, v9;
	[tilespmem:$0x1A9F0] =	vst v8;
	v8 =	vor.u32 s0, v11  }
0x387: {  	[tilespmem:$0x1A9D0] =	vst v4;
	v4 =	vsel vm1, v48, v1;
	vm1 =	vlt.s32 v21, v9;
	v21 =	vadd.s32 v10, v21  }
0x388: {  	[tilespmem:$0x1AA00] =	vst v4;
	v4 =	vsel vm1, v21, v1;
	vm1 =	vlt.s32 v8, v9;
	v8 =	vadd.s32 v10, v8  }
0x389: {  	v7 =	vsel vm0, v7, v1;
	vm0 =	vlt.s32 v16, v9;
	[tilespmem:$0x1AA10] =	vst v4;
	v4 =	vsel vm1, v8, v1  }
0x38a: {  	v14 =	vadd.s32 v10, v14;
	v8 =	vsel vm5, v56, v1;
	[tilespmem:$0x1A9E0] =	vst v7;
	v7 =	vsel vm0, v15, v1  }
0x38b: {  	vm0 =	vlt.s32 v12, v9;
	v12 =	vadd.s32 v10, v12;
	[tilespmem:$0x1A920] =	vst v8;
	v8 =	vsel vm4, v14, v1  }
0x38c: {  	v14 =	vor.u32 s0, v3;
	v15 =	vsel vm0, v12, v1;
	s0 =	smov.u32 s20;
	[tilespmem:$0x1A8D0] =	vst v47  }
0x38d: {  	vm0 =	vlt.s32 v14, v9;
	v12 =	vadd.s32 v10, v14;
	[tilespmem:$0x1AA30] =	vst v4  }
0x38e: {  	v4 =	vsel vm0, v12, v1;
	[tilespmem:$0x1AA40] =	vst v8  }
0x38f: {  	v12 =	vor.u32 s20, v25;
	[tilespmem:$0x1A860] =	vst v4  }
0x390: {  	v14 =	vor.u32 s20, v24;
	[tilespmem:$0x1AA50] =	vst v15  }
0x391: {  	vm4 =	vlt.s32 v14, v9;
	[tilespmem:$0x1AA20] =	vst v7  }
0x392: {  	v16 =	vor.u32 s20, v29;
	[hbm4b:s1+s24] =	stream.indirect.scatter [tilespmem:s2], [sflag:$0x1], $0x10, s25, s24, $0xb8;
	[tilespmem:$0x1AA60] =	vst v63  }
0x393: {  	v15 =	vadd.s32 v10, v16;
	s2 =	smov.u32 s18;
	_ =	swait.ge [sflag:s11], $0x2000  }
0x394: {  	v21 =	vor.u32 s20, v28;
	[sflag:s11] =	ssyncset.done $0x0  }
0x395: {  	v23 =	vor.u32 s20, v32;
	[sflag:s11] =	ssyncadd.s32 $0xFFFFE000  }
0x396: {  	v48 =	vor.u32 s20, v31  }
0x397: {  	v47 =	vadd.s32 v10, v48  }
0x398: {  	v50 =	vor.u32 s20, v35  }
0x399: {  	v49 =	vadd.s32 v10, v50  }
0x39a: {  	v53 =	vor.u32 s20, v34  }
0x39b: {  	v57 =	vor.u32 s20, v30  }
0x39c: {  	v58 =	vor.u32 s20, v39;
	v55 =	vor.u32 s20, v36;
	v4 =	vor.u32 s20, v43  }
0x39d: {  	v54 =	vor.u32 s20, v38;
	v8 =	vor.u32 s20, v46;
	v7 =	vor.u32 s20, v45  }
.Ltmp50:
0x39e: {  	v52 =	vadd.s32 v10, v54;
	vm0 =	vlt.s32 v7, v9;
	v7 =	vadd.s32 v10, v7;
	(pc) =	sbr.rel @p2 .LBB2_78-.Ltmp50, $4  }
0x39f: {  	v56 =	vor.u32 s20, v37;
	v51 =	vadd.s32 v10, v8;
	v7 =	vsel vm0, v7, v1  }
0x3a0: {  	vm5 =	vlt.s32 v56, v9;
	v61 =	vadd.s32 v10, v4;
	vm0 =	vlt.s32 v8, v9;
	[tilespmem:$0x1A870] =	vst v7  }
0x3a1: {  	v60 =	vor.u32 s20, v40;
	v7 =	vsel vm0, v51, v1;
	vm0 =	vlt.s32 v4, v9  }
0x3a2: {  	v62 =	vor.u32 s20, v42;
	v59 =	vor.u32 s20, v44;
	v51 =	vor.u32 s20, v41;
	[tilespmem:$0x1A880] =	vst v7  }
.Ltmp51:
0x3a3: {  	_ = 	snop;
	(pc) =	sbr.rel .LBB2_79-.Ltmp51, $1  }
0x3a4: {  	_ =	sdelay $0x3  }
.LBB2_38:
.Ltmp52:
0x3a5: {  	(pc) =	sbr.rel .LBB2_42-.Ltmp52, $2  }
0x3a6: {  	_ =	sdelay $0x2  }
0x3a7: {  	s5 =	simm.s32 $0x0  }
.LBB2_46:
.Ltmp53:
0x3a8: {  	(pc) =	sbr.rel .LBB2_50-.Ltmp53, $2  }
0x3a9: {  	_ =	sdelay $0x2  }
0x3aa: {  	s5 =	simm.s32 $0x0  }
.LBB2_34:
.Ltmp54:
0x3ab: {  	(pc) =	sbr.rel .LBB2_70-.Ltmp54, $2  }
0x3ac: {  	_ =	sdelay $0x2  }
0x3ad: {  	s3 =	simm.s32 $0x0  }
.LBB2_72:
.Ltmp55:
0x3ae: {  	(pc) =	sbr.rel .LBB2_77-.Ltmp55, $2  }
0x3af: {  	_ =	sdelay $0x2  }
0x3b0: {  	v18 =	vmovc v11;
	v21 =	vmov v14;
	v19 =	vmov v12;
	v20 =	vmov v15;
	s3 =	simm.s32 $0x0  }
.LBB2_40:
.Ltmp56:
0x3b1: {  	(pc) =	sbr.rel .LBB2_42-.Ltmp56, $2  }
0x3b2: {  	_ =	sdelay $0x2  }
0x3b3: {  	s5 =	simm.s32 $0x0  }
.LBB2_48:
.Ltmp57:
0x3b4: {  	(pc) =	sbr.rel .LBB2_50-.Ltmp57, $2  }
0x3b5: {  	_ =	sdelay $0x2  }
0x3b6: {  	s5 =	simm.s32 $0x0  }
.LBB2_68:
.Ltmp58:
0x3b7: {  	(pc) =	sbr.rel .LBB2_70-.Ltmp58, $2  }
0x3b8: {  	_ =	sdelay $0x2  }
0x3b9: {  	s3 =	simm.s32 $0x0  }
.LBB2_74:
.Ltmp59:
0x3ba: {  	(pc) =	sbr.rel .LBB2_77-.Ltmp59, $4  }
0x3bb: {  	_ = 	snop  }
0x3bc: {  	v4 =	vimm.s32 $0x0  }
0x3bd: {  	v4 =	vsel vm12, $0xFFFFFFFF, v4  }
0x3be: {  	v30 =	vmovc v10;
	v31 =	vmov v13;
	s3 =	simm.s32 $0x0;
	v10 =	vmov v32;
	v13 =	vmov v24;
	[tilespmem:$0x1FF70] =	vst v4  }
.LBB2_81:
0x3bf: {  	_ =	sfence.sel $0x180000  }
0x3c0: {  	[bflag:$0x0] =	sbarrier.arrive $0xFFFF  }
0x3c1: {  	_ =	strace $0x90000047  }
0x3c2: {  	s0 =	stileid.u32;
	[bflag:$0x2] =	sbarrier.arrive $0xFFFF  }
0x3c3: {  	p0 =	sne.s32 s0, $0x0;
	s0 =	rddreg [dreg:$0x4]  }
0x3c4: {  	s0 =	sadd.s32 @!p0 $0x100000, s0  }
0x3c5: {  	[sflag:s0] =	ssyncadd.tile.s32 @!p0 $0x1;
	_ =	shalt  }
.Lfunc_end2:
_tile_overlayer_lowered:
.L_overlay_start_2:
0x3c6: {  	(tag) =	ssettag $0x2  }
0x3c7: {  	s0 =	rddreg [dreg:$0x0];
	s2 =	stileid.u32  }
0x3c8: {  	s1 =	rddreg [dreg:$0x1];
	p0 =	sne.s32 s2, $0x0  }
0x3c9: {  	s3 =	rddreg [dreg:$0x2];
	[bflag:$0x3] =	sbarrier.arrive $0xFFFF;
	s2 =	simm.s32 @!p0 $0x1C02  }
0x3ca: {  	[timem:s3], [sflag:s2] =	dma.local @!p0 [hbm:s0], s1  }
0x3cb: {  	s0 =	simm.s32 @!p0 $0x2  }
0x3cc: {  	_ =	swait.ge @!p0 [sflag:s0], s1  }
0x3cd: {  	s1 =	ssub.s32 @!p0 $0x0, s1;
	[sflag:s0] =	ssyncset.done @!p0 $0x0  }
0x3ce: {  	[sflag:s0] =	ssyncadd.s32 @!p0 s1  }
0x3cf: {  	[bflag:$0x3] =	sbarrier.arrive $0xFFFF  }
0x3d0: {  	_ =	shalt  }

</sc_bundles>
